<compile_context>
chip_gen: v7x
topology: tpu7x:2x2x1
jax: 0.10.2.dev20260603
libtpu: 0.0.44.dev20260713+nightly
codegen_flags: <defaults>
</compile_context>

<pallas_src>
import functools

import jax
import jax.numpy as jnp
from jax import lax
from jax.experimental import pallas as pl
from jax.experimental.pallas import tpu as pltpu
from jax.experimental.pallas import tpu_sc as plsc

_NUM_CLASSES = 100000
_EMBED_DIM = 32
_MULT = 4
_BATCH = 16384

_NW = 32
_TOTAL = _BATCH * _MULT
_B_PER_W = _TOTAL // _NW
_CHUNK = 128
_N_CHUNKS = _B_PER_W // _CHUNK
_LANES = 16


def _sc_embedding_lookup(feat_grouped, weight):
    mesh = plsc.VectorSubcoreMesh(core_axis_name="c", subcore_axis_name="s")

    @functools.partial(
        pl.kernel,
        mesh=mesh,
        out_type=jax.ShapeDtypeStruct(
            (_NW, _N_CHUNKS, _CHUNK, _EMBED_DIM), jnp.float32),
        scratch_types=[
            pltpu.VMEM((_N_CHUNKS, _CHUNK), jnp.int32),
            pltpu.VMEM((_N_CHUNKS, _CHUNK, _EMBED_DIM), jnp.float32),
            pltpu.SemaphoreType.DMA,
        ],
        compiler_params=pltpu.CompilerParams(use_tc_tiling_on_sc=False),
    )
    def body(feat_hbm, table_hbm, out_hbm, idx_v, rows_v, sem):
        wid = lax.axis_index("s") * 2 + lax.axis_index("c")
        pltpu.sync_copy(feat_hbm.at[wid], idx_v)

        off = (lax.iota(jnp.int32, 16) % _MULT) * _NUM_CLASSES

        copies = []
        for j in range(_N_CHUNKS):
            def add_off(s, carry, j=j):
                sl = pl.ds(s * _LANES, _LANES)
                idx_v[j, sl] = idx_v[j, sl] + off
                return carry
            lax.fori_loop(0, _CHUNK // _LANES, add_off, 0, unroll=True)
            copies.append(
                pltpu.async_copy(table_hbm.at[idx_v.at[j]], rows_v.at[j], sem))
        for c in copies:
            c.wait()
        pltpu.sync_copy(rows_v, out_hbm.at[wid])

    return body(feat_grouped, weight)


def kernel(feat, weight):
    feat_grouped = feat.reshape(_NW, _N_CHUNKS, _CHUNK)
    out = _sc_embedding_lookup(feat_grouped, weight)
    return out.reshape(_BATCH, _MULT, _EMBED_DIM)

# --- scband reference (transcript-rebuilt; emitter-appended) ---
"""Pipeline reference for scband-feat-embedding-26293789786372 (READ-ONLY COPY).

The authoritative reference and input builder live on the scoring server;
editing this copy changes nothing except your own understanding.
"""

import jax, jax.numpy as jnp
import numpy as np

NUM_CLASSES = 100000
EMBED_DIM = 32
MULT = 4
BATCH = 16384


def setup_inputs(seed: int = 0) -> dict:
    key = jax.random.key(seed)
    k_idx, k_w = jax.random.split(key)
    # encoded feature data: shape [batch, mult], values in [0, num_classes)
    feat = jax.random.randint(k_idx, (BATCH, MULT), 0, NUM_CLASSES, dtype=jnp.int32)
    # nn.Embedding weight: [mult * num_classes, embed_dim], default init ~ N(0, 1)
    weight = jax.random.normal(k_w, (MULT * NUM_CLASSES, EMBED_DIM), dtype=jnp.float32)
    return {"feat": feat, "weight": weight}


def reference(feat, weight):
    # get_offsets: [0, num_classes, 2*num_classes, ...] shifts each of the mult
    # columns into its own sub-table of the shared embedding matrix.
    offsets = (jnp.arange(MULT, dtype=feat.dtype) * NUM_CLASSES)
    shifted = feat + offsets  # [batch, mult], broadcast over last dim
    # embedding lookup -> [batch, mult, embed_dim]
    return jnp.take(weight, shifted, axis=0)

if __name__ == "__main__":
    import jax
    _d = setup_inputs()
    print(jax.jit(kernel)(*tuple(_d.values())))

</pallas_src>

<mosaic_0001>
#map = affine_map<(d0, d1) -> (0, 0, 0)>
#map1 = affine_map<(d0, d1) -> (0, 0)>
#map2 = affine_map<(d0, d1) -> (0, 0, 0, 0)>
module attributes {stable_mosaic.version = 14 : i64} {
  func.func @body(%arg0: i32, %arg1: i32, %arg2: memref<32x16x128xi32, #tpu.memory_space<hbm>>, %arg3: memref<400000x32xf32, #tpu.memory_space<hbm>>, %arg4: memref<32x16x128x32xf32, #tpu.memory_space<hbm>>, %arg5: memref<16x128xi32, #tpu.memory_space<vmem>>, %arg6: memref<16x128x32xf32, #tpu.memory_space<vmem>>, %arg7: memref<!tpu.dma_semaphore, #tpu.memory_space<semaphore_mem>>) attributes {dimension_semantics = [#tpu.dimension_semantics<core_parallel>, #tpu.dimension_semantics<subcore_parallel>], iteration_bounds = array<i64: 2, 16>, scalar_prefetch = 0 : i64, scratch_operands = 3 : i64, tpu.core_type = #tpu.core_type<sc_vector_subcore>, window_params = [{transform_indices = #map}, {transform_indices = #map1}, {transform_indices = #map2}]} {
    %mul3A = arith.constant 2 : i32
    %mul3A_0 = arith.muli %arg1, %mul3A : i32
    %add3A = arith.addi %mul3A_0, %arg0 : i32
    "tpu.region"() ({
      %run_scoped3A = tpu.sem_alloc : memref<!tpu.dma_semaphore, #tpu.memory_space<semaphore_mem>>
      %dma_start3A_2350 = arith.constant 0 : i32
      %dma_start3A_2351 = arith.constant 0 : i32
      %dma_start3A_2352 = tpu.memref_slice %arg2[%add3A, %dma_start3A_2350, %dma_start3A_2351] : memref<32x16x128xi32, #tpu.memory_space<hbm>> -> memref<1x16x128xi32, #tpu.memory_space<hbm>>
      %dma_start3A_2353 = tpu.memref_squeeze %dma_start3A_2352 : memref<1x16x128xi32, #tpu.memory_space<hbm>> -> memref<16x128xi32, #tpu.memory_space<hbm>>
      %dma_start3A_2354 = arith.constant 0 : i32
      %dma_start3A_2355 = arith.constant 0 : i32
      %dma_start3A_2356 = tpu.memref_slice %arg2[%add3A, %dma_start3A_2354, %dma_start3A_2355] : memref<32x16x128xi32, #tpu.memory_space<hbm>> -> memref<1x16x128xi32, #tpu.memory_space<hbm>>
      %dma_start3A_2357 = tpu.memref_squeeze %dma_start3A_2356 : memref<1x16x128xi32, #tpu.memory_space<hbm>> -> memref<16x128xi32, #tpu.memory_space<hbm>>
      tpu.enqueue_dma source(%dma_start3A_2357 : memref<16x128xi32, #tpu.memory_space<hbm>>) target(%arg5 : memref<16x128xi32, #tpu.memory_space<vmem>>) target_semaphore(%run_scoped3A : memref<!tpu.dma_semaphore, #tpu.memory_space<semaphore_mem>>)
      %dma_wait3A_2358 = arith.constant 0 : i32
      %dma_wait3A_2359 = arith.constant 0 : i32
      %dma_wait3A_2360 = tpu.memref_slice %arg2[%add3A, %dma_wait3A_2358, %dma_wait3A_2359] : memref<32x16x128xi32, #tpu.memory_space<hbm>> -> memref<1x16x128xi32, #tpu.memory_space<hbm>>
      %dma_wait3A_2361 = tpu.memref_squeeze %dma_wait3A_2360 : memref<1x16x128xi32, #tpu.memory_space<hbm>> -> memref<16x128xi32, #tpu.memory_space<hbm>>
      %dma_wait3A_2362 = arith.constant 0 : i32
      %dma_wait3A_2363 = arith.constant 0 : i32
      %dma_wait3A_2364 = tpu.memref_slice %arg2[%add3A, %dma_wait3A_2362, %dma_wait3A_2363] : memref<32x16x128xi32, #tpu.memory_space<hbm>> -> memref<1x16x128xi32, #tpu.memory_space<hbm>>
      %dma_wait3A_2365 = tpu.memref_squeeze %dma_wait3A_2364 : memref<1x16x128xi32, #tpu.memory_space<hbm>> -> memref<16x128xi32, #tpu.memory_space<hbm>>
      tpu.wait_dma2 semaphore(%run_scoped3A : memref<!tpu.dma_semaphore, #tpu.memory_space<semaphore_mem>>) src(%dma_wait3A_2365 : memref<16x128xi32, #tpu.memory_space<hbm>>) dst(%arg5 : memref<16x128xi32, #tpu.memory_space<vmem>>)
      tpu.yield
    }) : () -> ()
    %iota3A = tpu.iota {dimensions = array<i32: 0>} : vector<16xi32>
    %jit3A = arith.constant 4 : i32
    %eq3A = arith.constant 0 : i32
    %eq3A_1 = arith.cmpi eq, %jit3A, %eq3A : i32
    %jit3A_2 = arith.constant 1 : i32
    %select_n3A = arith.select %eq3A_1, %jit3A_2, %jit3A : i32
    %rem3A = vector.broadcast %select_n3A : i32 to vector<16xi32>
    %rem3A_3 = arith.remsi %iota3A, %rem3A : vector<16xi32>
    %ne3A = arith.constant 0 : i32
    %ne3A_4 = vector.broadcast %ne3A : i32 to vector<16xi32>
    %ne3A_5 = arith.cmpi ne, %rem3A_3, %ne3A_4 : vector<16xi32>
    %lt3A = arith.constant 0 : i32
    %lt3A_6 = vector.broadcast %lt3A : i32 to vector<16xi32>
    %lt3A_7 = arith.cmpi slt, %rem3A_3, %lt3A_6 : vector<16xi32>
    %lt3A_8 = arith.constant 0 : i32
    %lt3A_9 = arith.cmpi slt, %select_n3A, %lt3A_8 : i32
    %ne3A_10 = vector.broadcast %lt3A_9 : i1 to vector<16xi1>
    %ne3A_11 = vector.broadcast %ne3A_10 : vector<16xi1> to vector<16xi1>
    %ne3A_12 = arith.xori %lt3A_7, %ne3A_11 : vector<16xi1>
    %and3A = arith.andi %ne3A_12, %ne3A_5 : vector<16xi1>
    %add3A_13 = vector.broadcast %select_n3A : i32 to vector<16xi32>
    %add3A_14 = arith.addi %rem3A_3, %add3A_13 : vector<16xi32>
    %select_n3A_15 = arith.select %and3A, %add3A_14, %rem3A_3 : vector<16xi1>, vector<16xi32>
    %mul3A_16 = arith.constant 100000 : i32
    %mul3A_17 = vector.broadcast %mul3A_16 : i32 to vector<16xi32>
    %mul3A_18 = arith.muli %select_n3A_15, %mul3A_17 : vector<16xi32>
    %scan3A = arith.constant 0 : i32
    %scan3A_19 = arith.constant 0 : i32
    %mul3A_20 = arith.constant 16 : i32
    %mul3A_21 = arith.muli %scan3A_19, %mul3A_20 : i32
    %get3A = arith.constant 0 : i32
    %get3A_22 = arith.index_cast %get3A : i32 to index
    %get3A_23 = arith.index_cast %mul3A_21 : i32 to index
    %get3A_24 = tpu.vector_load %arg5[%get3A_22, %get3A_23] {strides = array<i32>} : memref<16x128xi32, #tpu.memory_space<vmem>>, vector<1x16xi32>,
    %get3A_25 = vector.shape_cast %get3A_24 : vector<1x16xi32> to vector<16xi32>
    %add3A_26 = arith.addi %get3A_25, %mul3A_18 : vector<16xi32>
    %swap3A = arith.constant 0 : i32
    %swap3A_27 = arith.index_cast %swap3A : i32 to index
    %swap3A_28 = arith.index_cast %mul3A_21 : i32 to index
    %swap3A_29 = tpu.vector_load %arg5[%swap3A_27, %swap3A_28] {strides = array<i32>} : memref<16x128xi32, #tpu.memory_space<vmem>>, vector<1x16xi32>,
    %swap3A_30 = vector.shape_cast %swap3A_29 : vector<1x16xi32> to vector<16xi32>
    %swap3A_31 = vector.shape_cast %add3A_26 : vector<16xi32> to vector<1x16xi32>
    tpu.vector_store %arg5[%swap3A_27, %swap3A_28], %swap3A_31 {strides = array<i32>} : memref<16x128xi32, #tpu.memory_space<vmem>>, vector<1x16xi32>,
    %scan3A_32 = arith.constant 1 : i32
    %mul3A_33 = arith.constant 16 : i32
    %mul3A_34 = arith.muli %scan3A_32, %mul3A_33 : i32
    %get3A_35 = arith.constant 0 : i32
    %get3A_36 = arith.index_cast %get3A_35 : i32 to index
    %get3A_37 = arith.index_cast %mul3A_34 : i32 to index
    %get3A_38 = tpu.vector_load %arg5[%get3A_36, %get3A_37] {strides = array<i32>} : memref<16x128xi32, #tpu.memory_space<vmem>>, vector<1x16xi32>,
    %get3A_39 = vector.shape_cast %get3A_38 : vector<1x16xi32> to vector<16xi32>
    %add3A_40 = arith.addi %get3A_39, %mul3A_18 : vector<16xi32>
    %swap3A_41 = arith.constant 0 : i32
    %swap3A_42 = arith.index_cast %swap3A_41 : i32 to index
    %swap3A_43 = arith.index_cast %mul3A_34 : i32 to index
    %swap3A_44 = tpu.vector_load %arg5[%swap3A_42, %swap3A_43] {strides = array<i32>} : memref<16x128xi32, #tpu.memory_space<vmem>>, vector<1x16xi32>,
    %swap3A_45 = vector.shape_cast %swap3A_44 : vector<1x16xi32> to vector<16xi32>
    %swap3A_46 = vector.shape_cast %add3A_40 : vector<16xi32> to vector<1x16xi32>
    tpu.vector_store %arg5[%swap3A_42, %swap3A_43], %swap3A_46 {strides = array<i32>} : memref<16x128xi32, #tpu.memory_space<vmem>>, vector<1x16xi32>,
    %scan3A_47 = arith.constant 2 : i32
    %mul3A_48 = arith.constant 16 : i32
    %mul3A_49 = arith.muli %scan3A_47, %mul3A_48 : i32
    %get3A_50 = arith.constant 0 : i32
    %get3A_51 = arith.index_cast %get3A_50 : i32 to index
    %get3A_52 = arith.index_cast %mul3A_49 : i32 to index
    %get3A_53 = tpu.vector_load %arg5[%get3A_51, %get3A_52] {strides = array<i32>} : memref<16x128xi32, #tpu.memory_space<vmem>>, vector<1x16xi32>,
    %get3A_54 = vector.shape_cast %get3A_53 : vector<1x16xi32> to vector<16xi32>
    %add3A_55 = arith.addi %get3A_54, %mul3A_18 : vector<16xi32>
    %swap3A_56 = arith.constant 0 : i32
    %swap3A_57 = arith.index_cast %swap3A_56 : i32 to index
    %swap3A_58 = arith.index_cast %mul3A_49 : i32 to index
    %swap3A_59 = tpu.vector_load %arg5[%swap3A_57, %swap3A_58] {strides = array<i32>} : memref<16x128xi32, #tpu.memory_space<vmem>>, vector<1x16xi32>,
    %swap3A_60 = vector.shape_cast %swap3A_59 : vector<1x16xi32> to vector<16xi32>
    %swap3A_61 = vector.shape_cast %add3A_55 : vector<16xi32> to vector<1x16xi32>
    tpu.vector_store %arg5[%swap3A_57, %swap3A_58], %swap3A_61 {strides = array<i32>} : memref<16x128xi32, #tpu.memory_space<vmem>>, vector<1x16xi32>,
    %scan3A_62 = arith.constant 3 : i32
    %mul3A_63 = arith.constant 16 : i32
    %mul3A_64 = arith.muli %scan3A_62, %mul3A_63 : i32
    %get3A_65 = arith.constant 0 : i32
    %get3A_66 = arith.index_cast %get3A_65 : i32 to index
    %get3A_67 = arith.index_cast %mul3A_64 : i32 to index
    %get3A_68 = tpu.vector_load %arg5[%get3A_66, %get3A_67] {strides = array<i32>} : memref<16x128xi32, #tpu.memory_space<vmem>>, vector<1x16xi32>,
    %get3A_69 = vector.shape_cast %get3A_68 : vector<1x16xi32> to vector<16xi32>
    %add3A_70 = arith.addi %get3A_69, %mul3A_18 : vector<16xi32>
    %swap3A_71 = arith.constant 0 : i32
    %swap3A_72 = arith.index_cast %swap3A_71 : i32 to index
    %swap3A_73 = arith.index_cast %mul3A_64 : i32 to index
    %swap3A_74 = tpu.vector_load %arg5[%swap3A_72, %swap3A_73] {strides = array<i32>} : memref<16x128xi32, #tpu.memory_space<vmem>>, vector<1x16xi32>,
    %swap3A_75 = vector.shape_cast %swap3A_74 : vector<1x16xi32> to vector<16xi32>
    %swap3A_76 = vector.shape_cast %add3A_70 : vector<16xi32> to vector<1x16xi32>
    tpu.vector_store %arg5[%swap3A_72, %swap3A_73], %swap3A_76 {strides = array<i32>} : memref<16x128xi32, #tpu.memory_space<vmem>>, vector<1x16xi32>,
    %scan3A_77 = arith.constant 4 : i32
    %mul3A_78 = arith.constant 16 : i32
    %mul3A_79 = arith.muli %scan3A_77, %mul3A_78 : i32
    %get3A_80 = arith.constant 0 : i32
    %get3A_81 = arith.index_cast %get3A_80 : i32 to index
    %get3A_82 = arith.index_cast %mul3A_79 : i32 to index
    %get3A_83 = tpu.vector_load %arg5[%get3A_81, %get3A_82] {strides = array<i32>} : memref<16x128xi32, #tpu.memory_space<vmem>>, vector<1x16xi32>,
    %get3A_84 = vector.shape_cast %get3A_83 : vector<1x16xi32> to vector<16xi32>
    %add3A_85 = arith.addi %get3A_84, %mul3A_18 : vector<16xi32>
    %swap3A_86 = arith.constant 0 : i32
    %swap3A_87 = arith.index_cast %swap3A_86 : i32 to index
    %swap3A_88 = arith.index_cast %mul3A_79 : i32 to index
    %swap3A_89 = tpu.vector_load %arg5[%swap3A_87, %swap3A_88] {strides = array<i32>} : memref<16x128xi32, #tpu.memory_space<vmem>>, vector<1x16xi32>,
    %swap3A_90 = vector.shape_cast %swap3A_89 : vector<1x16xi32> to vector<16xi32>
    %swap3A_91 = vector.shape_cast %add3A_85 : vector<16xi32> to vector<1x16xi32>
    tpu.vector_store %arg5[%swap3A_87, %swap3A_88], %swap3A_91 {strides = array<i32>} : memref<16x128xi32, #tpu.memory_space<vmem>>, vector<1x16xi32>,
    %scan3A_92 = arith.constant 5 : i32
    %mul3A_93 = arith.constant 16 : i32
    %mul3A_94 = arith.muli %scan3A_92, %mul3A_93 : i32
    %get3A_95 = arith.constant 0 : i32
    %get3A_96 = arith.index_cast %get3A_95 : i32 to index
    %get3A_97 = arith.index_cast %mul3A_94 : i32 to index
    %get3A_98 = tpu.vector_load %arg5[%get3A_96, %get3A_97] {strides = array<i32>} : memref<16x128xi32, #tpu.memory_space<vmem>>, vector<1x16xi32>,
    %get3A_99 = vector.shape_cast %get3A_98 : vector<1x16xi32> to vector<16xi32>
    %add3A_100 = arith.addi %get3A_99, %mul3A_18 : vector<16xi32>
    %swap3A_101 = arith.constant 0 : i32
    %swap3A_102 = arith.index_cast %swap3A_101 : i32 to index
    %swap3A_103 = arith.index_cast %mul3A_94 : i32 to index
    %swap3A_104 = tpu.vector_load %arg5[%swap3A_102, %swap3A_103] {strides = array<i32>} : memref<16x128xi32, #tpu.memory_space<vmem>>, vector<1x16xi32>,
    %swap3A_105 = vector.shape_cast %swap3A_104 : vector<1x16xi32> to vector<16xi32>
    %swap3A_106 = vector.shape_cast %add3A_100 : vector<16xi32> to vector<1x16xi32>
    tpu.vector_store %arg5[%swap3A_102, %swap3A_103], %swap3A_106 {strides = array<i32>} : memref<16x128xi32, #tpu.memory_space<vmem>>, vector<1x16xi32>,
    %scan3A_107 = arith.constant 6 : i32
    %mul3A_108 = arith.constant 16 : i32
    %mul3A_109 = arith.muli %scan3A_107, %mul3A_108 : i32
    %get3A_110 = arith.constant 0 : i32
    %get3A_111 = arith.index_cast %get3A_110 : i32 to index
    %get3A_112 = arith.index_cast %mul3A_109 : i32 to index
    %get3A_113 = tpu.vector_load %arg5[%get3A_111, %get3A_112] {strides = array<i32>} : memref<16x128xi32, #tpu.memory_space<vmem>>, vector<1x16xi32>,
    %get3A_114 = vector.shape_cast %get3A_113 : vector<1x16xi32> to vector<16xi32>
    %add3A_115 = arith.addi %get3A_114, %mul3A_18 : vector<16xi32>
    %swap3A_116 = arith.constant 0 : i32
    %swap3A_117 = arith.index_cast %swap3A_116 : i32 to index
    %swap3A_118 = arith.index_cast %mul3A_109 : i32 to index
    %swap3A_119 = tpu.vector_load %arg5[%swap3A_117, %swap3A_118] {strides = array<i32>} : memref<16x128xi32, #tpu.memory_space<vmem>>, vector<1x16xi32>,
    %swap3A_120 = vector.shape_cast %swap3A_119 : vector<1x16xi32> to vector<16xi32>
    %swap3A_121 = vector.shape_cast %add3A_115 : vector<16xi32> to vector<1x16xi32>
    tpu.vector_store %arg5[%swap3A_117, %swap3A_118], %swap3A_121 {strides = array<i32>} : memref<16x128xi32, #tpu.memory_space<vmem>>, vector<1x16xi32>,
    %scan3A_122 = arith.constant 7 : i32
    %mul3A_123 = arith.constant 16 : i32
    %mul3A_124 = arith.muli %scan3A_122, %mul3A_123 : i32
    %get3A_125 = arith.constant 0 : i32
    %get3A_126 = arith.index_cast %get3A_125 : i32 to index
    %get3A_127 = arith.index_cast %mul3A_124 : i32 to index
    %get3A_128 = tpu.vector_load %arg5[%get3A_126, %get3A_127] {strides = array<i32>} : memref<16x128xi32, #tpu.memory_space<vmem>>, vector<1x16xi32>,
    %get3A_129 = vector.shape_cast %get3A_128 : vector<1x16xi32> to vector<16xi32>
    %add3A_130 = arith.addi %get3A_129, %mul3A_18 : vector<16xi32>
    %swap3A_131 = arith.constant 0 : i32
    %swap3A_132 = arith.index_cast %swap3A_131 : i32 to index
    %swap3A_133 = arith.index_cast %mul3A_124 : i32 to index
    %swap3A_134 = tpu.vector_load %arg5[%swap3A_132, %swap3A_133] {strides = array<i32>} : memref<16x128xi32, #tpu.memory_space<vmem>>, vector<1x16xi32>,
    %swap3A_135 = vector.shape_cast %swap3A_134 : vector<1x16xi32> to vector<16xi32>
    %swap3A_136 = vector.shape_cast %add3A_130 : vector<16xi32> to vector<1x16xi32>
    tpu.vector_store %arg5[%swap3A_132, %swap3A_133], %swap3A_136 {strides = array<i32>} : memref<16x128xi32, #tpu.memory_space<vmem>>, vector<1x16xi32>,
    %scan3A_137 = arith.constant 8 : i32
    %dma_start3A = arith.constant 0 : i32
    %dma_start3A_138 = arith.constant 0 : i32
    %dma_start3A_139 = arith.constant 0 : i32
    %dma_start3A_140 = arith.constant 0 : i32
    %dma_start3A_141 = tpu.memref_slice %arg6[%dma_start3A_138, %dma_start3A_139, %dma_start3A_140] : memref<16x128x32xf32, #tpu.memory_space<vmem>> -> memref<1x128x32xf32, #tpu.memory_space<vmem>>
    %dma_start3A_142 = tpu.memref_squeeze %dma_start3A_141 : memref<1x128x32xf32, #tpu.memory_space<vmem>> -> memref<128x32xf32, #tpu.memory_space<vmem>>
    %dma_start3A_143 = arith.constant 0 : i32
    %dma_start3A_144 = tpu.memref_slice %arg5[%dma_start3A, %dma_start3A_143] : memref<16x128xi32, #tpu.memory_space<vmem>> -> memref<1x128xi32, #tpu.memory_space<vmem>>
    %dma_start3A_145 = tpu.memref_squeeze %dma_start3A_144 : memref<1x128xi32, #tpu.memory_space<vmem>> -> memref<128xi32, #tpu.memory_space<vmem>>
    %dma_start3A_146 = arith.constant 0 : i32
    %dma_start3A_147 = arith.constant 0 : i32
    %dma_start3A_148 = tpu.memref_slice %arg3[%dma_start3A_146, %dma_start3A_147] : memref<400000x32xf32, #tpu.memory_space<hbm>> -> memref<400000x32xf32, #tpu.memory_space<hbm>>
    tpu.enqueue_indirect_dma source(%dma_start3A_148 : memref<400000x32xf32, #tpu.memory_space<hbm>>) target(%dma_start3A_142 : memref<128x32xf32, #tpu.memory_space<vmem>>) offsets(%dma_start3A_145 : memref<128xi32, #tpu.memory_space<vmem>>) semaphore(%arg7 : memref<!tpu.dma_semaphore, #tpu.memory_space<semaphore_mem>>)
    %scan3A_149 = arith.constant 0 : i32
    %scan3A_150 = arith.constant 0 : i32
    %mul3A_151 = arith.constant 16 : i32
    %mul3A_152 = arith.muli %scan3A_150, %mul3A_151 : i32
    %get3A_153 = arith.constant 1 : i32
    %get3A_154 = arith.index_cast %get3A_153 : i32 to index
    %get3A_155 = arith.index_cast %mul3A_152 : i32 to index
    %get3A_156 = tpu.vector_load %arg5[%get3A_154, %get3A_155] {strides = array<i32>} : memref<16x128xi32, #tpu.memory_space<vmem>>, vector<1x16xi32>,
    %get3A_157 = vector.shape_cast %get3A_156 : vector<1x16xi32> to vector<16xi32>
    %add3A_158 = arith.addi %get3A_157, %mul3A_18 : vector<16xi32>
    %swap3A_159 = arith.constant 1 : i32
    %swap3A_160 = arith.index_cast %swap3A_159 : i32 to index
    %swap3A_161 = arith.index_cast %mul3A_152 : i32 to index
    %swap3A_162 = tpu.vector_load %arg5[%swap3A_160, %swap3A_161] {strides = array<i32>} : memref<16x128xi32, #tpu.memory_space<vmem>>, vector<1x16xi32>,
    %swap3A_163 = vector.shape_cast %swap3A_162 : vector<1x16xi32> to vector<16xi32>
    %swap3A_164 = vector.shape_cast %add3A_158 : vector<16xi32> to vector<1x16xi32>
    tpu.vector_store %arg5[%swap3A_160, %swap3A_161], %swap3A_164 {strides = array<i32>} : memref<16x128xi32, #tpu.memory_space<vmem>>, vector<1x16xi32>,
    %scan3A_165 = arith.constant 1 : i32
    %mul3A_166 = arith.constant 16 : i32
    %mul3A_167 = arith.muli %scan3A_165, %mul3A_166 : i32
    %get3A_168 = arith.constant 1 : i32
    %get3A_169 = arith.index_cast %get3A_168 : i32 to index
    %get3A_170 = arith.index_cast %mul3A_167 : i32 to index
    %get3A_171 = tpu.vector_load %arg5[%get3A_169, %get3A_170] {strides = array<i32>} : memref<16x128xi32, #tpu.memory_space<vmem>>, vector<1x16xi32>,
    %get3A_172 = vector.shape_cast %get3A_171 : vector<1x16xi32> to vector<16xi32>
    %add3A_173 = arith.addi %get3A_172, %mul3A_18 : vector<16xi32>
    %swap3A_174 = arith.constant 1 : i32
    %swap3A_175 = arith.index_cast %swap3A_174 : i32 to index
    %swap3A_176 = arith.index_cast %mul3A_167 : i32 to index
    %swap3A_177 = tpu.vector_load %arg5[%swap3A_175, %swap3A_176] {strides = array<i32>} : memref<16x128xi32, #tpu.memory_space<vmem>>, vector<1x16xi32>,
    %swap3A_178 = vector.shape_cast %swap3A_177 : vector<1x16xi32> to vector<16xi32>
    %swap3A_179 = vector.shape_cast %add3A_173 : vector<16xi32> to vector<1x16xi32>
    tpu.vector_store %arg5[%swap3A_175, %swap3A_176], %swap3A_179 {strides = array<i32>} : memref<16x128xi32, #tpu.memory_space<vmem>>, vector<1x16xi32>,
    %scan3A_180 = arith.constant 2 : i32
    %mul3A_181 = arith.constant 16 : i32
    %mul3A_182 = arith.muli %scan3A_180, %mul3A_181 : i32
    %get3A_183 = arith.constant 1 : i32
    %get3A_184 = arith.index_cast %get3A_183 : i32 to index
    %get3A_185 = arith.index_cast %mul3A_182 : i32 to index
    %get3A_186 = tpu.vector_load %arg5[%get3A_184, %get3A_185] {strides = array<i32>} : memref<16x128xi32, #tpu.memory_space<vmem>>, vector<1x16xi32>,
    %get3A_187 = vector.shape_cast %get3A_186 : vector<1x16xi32> to vector<16xi32>
    %add3A_188 = arith.addi %get3A_187, %mul3A_18 : vector<16xi32>
    %swap3A_189 = arith.constant 1 : i32
    %swap3A_190 = arith.index_cast %swap3A_189 : i32 to index
    %swap3A_191 = arith.index_cast %mul3A_182 : i32 to index
    %swap3A_192 = tpu.vector_load %arg5[%swap3A_190, %swap3A_191] {strides = array<i32>} : memref<16x128xi32, #tpu.memory_space<vmem>>, vector<1x16xi32>,
    %swap3A_193 = vector.shape_cast %swap3A_192 : vector<1x16xi32> to vector<16xi32>
    %swap3A_194 = vector.shape_cast %add3A_188 : vector<16xi32> to vector<1x16xi32>
    tpu.vector_store %arg5[%swap3A_190, %swap3A_191], %swap3A_194 {strides = array<i32>} : memref<16x128xi32, #tpu.memory_space<vmem>>, vector<1x16xi32>,
    %scan3A_195 = arith.constant 3 : i32
    %mul3A_196 = arith.constant 16 : i32
    %mul3A_197 = arith.muli %scan3A_195, %mul3A_196 : i32
    %get3A_198 = arith.constant 1 : i32
    %get3A_199 = arith.index_cast %get3A_198 : i32 to index
    %get3A_200 = arith.index_cast %mul3A_197 : i32 to index
    %get3A_201 = tpu.vector_load %arg5[%get3A_199, %get3A_200] {strides = array<i32>} : memref<16x128xi32, #tpu.memory_space<vmem>>, vector<1x16xi32>,
    %get3A_202 = vector.shape_cast %get3A_201 : vector<1x16xi32> to vector<16xi32>
    %add3A_203 = arith.addi %get3A_202, %mul3A_18 : vector<16xi32>
    %swap3A_204 = arith.constant 1 : i32
    %swap3A_205 = arith.index_cast %swap3A_204 : i32 to index
    %swap3A_206 = arith.index_cast %mul3A_197 : i32 to index
    %swap3A_207 = tpu.vector_load %arg5[%swap3A_205, %swap3A_206] {strides = array<i32>} : memref<16x128xi32, #tpu.memory_space<vmem>>, vector<1x16xi32>,
    %swap3A_208 = vector.shape_cast %swap3A_207 : vector<1x16xi32> to vector<16xi32>
    %swap3A_209 = vector.shape_cast %add3A_203 : vector<16xi32> to vector<1x16xi32>
    tpu.vector_store %arg5[%swap3A_205, %swap3A_206], %swap3A_209 {strides = array<i32>} : memref<16x128xi32, #tpu.memory_space<vmem>>, vector<1x16xi32>,
    %scan3A_210 = arith.constant 4 : i32
    %mul3A_211 = arith.constant 16 : i32
    %mul3A_212 = arith.muli %scan3A_210, %mul3A_211 : i32
    %get3A_213 = arith.constant 1 : i32
    %get3A_214 = arith.index_cast %get3A_213 : i32 to index
    %get3A_215 = arith.index_cast %mul3A_212 : i32 to index
    %get3A_216 = tpu.vector_load %arg5[%get3A_214, %get3A_215] {strides = array<i32>} : memref<16x128xi32, #tpu.memory_space<vmem>>, vector<1x16xi32>,
    %get3A_217 = vector.shape_cast %get3A_216 : vector<1x16xi32> to vector<16xi32>
    %add3A_218 = arith.addi %get3A_217, %mul3A_18 : vector<16xi32>
    %swap3A_219 = arith.constant 1 : i32
    %swap3A_220 = arith.index_cast %swap3A_219 : i32 to index
    %swap3A_221 = arith.index_cast %mul3A_212 : i32 to index
    %swap3A_222 = tpu.vector_load %arg5[%swap3A_220, %swap3A_221] {strides = array<i32>} : memref<16x128xi32, #tpu.memory_space<vmem>>, vector<1x16xi32>,
    %swap3A_223 = vector.shape_cast %swap3A_222 : vector<1x16xi32> to vector<16xi32>
    %swap3A_224 = vector.shape_cast %add3A_218 : vector<16xi32> to vector<1x16xi32>
    tpu.vector_store %arg5[%swap3A_220, %swap3A_221], %swap3A_224 {strides = array<i32>} : memref<16x128xi32, #tpu.memory_space<vmem>>, vector<1x16xi32>,
    %scan3A_225 = arith.constant 5 : i32
    %mul3A_226 = arith.constant 16 : i32
    %mul3A_227 = arith.muli %scan3A_225, %mul3A_226 : i32
    %get3A_228 = arith.constant 1 : i32
    %get3A_229 = arith.index_cast %get3A_228 : i32 to index
    %get3A_230 = arith.index_cast %mul3A_227 : i32 to index
    %get3A_231 = tpu.vector_load %arg5[%get3A_229, %get3A_230] {strides = array<i32>} : memref<16x128xi32, #tpu.memory_space<vmem>>, vector<1x16xi32>,
    %get3A_232 = vector.shape_cast %get3A_231 : vector<1x16xi32> to vector<16xi32>
    %add3A_233 = arith.addi %get3A_232, %mul3A_18 : vector<16xi32>
    %swap3A_234 = arith.constant 1 : i32
    %swap3A_235 = arith.index_cast %swap3A_234 : i32 to index
    %swap3A_236 = arith.index_cast %mul3A_227 : i32 to index
    %swap3A_237 = tpu.vector_load %arg5[%swap3A_235, %swap3A_236] {strides = array<i32>} : memref<16x128xi32, #tpu.memory_space<vmem>>, vector<1x16xi32>,
    %swap3A_238 = vector.shape_cast %swap3A_237 : vector<1x16xi32> to vector<16xi32>
    %swap3A_239 = vector.shape_cast %add3A_233 : vector<16xi32> to vector<1x16xi32>
    tpu.vector_store %arg5[%swap3A_235, %swap3A_236], %swap3A_239 {strides = array<i32>} : memref<16x128xi32, #tpu.memory_space<vmem>>, vector<1x16xi32>,
    %scan3A_240 = arith.constant 6 : i32
    %mul3A_241 = arith.constant 16 : i32
    %mul3A_242 = arith.muli %scan3A_240, %mul3A_241 : i32
    %get3A_243 = arith.constant 1 : i32
    %get3A_244 = arith.index_cast %get3A_243 : i32 to index
    %get3A_245 = arith.index_cast %mul3A_242 : i32 to index
    %get3A_246 = tpu.vector_load %arg5[%get3A_244, %get3A_245] {strides = array<i32>} : memref<16x128xi32, #tpu.memory_space<vmem>>, vector<1x16xi32>,
    %get3A_247 = vector.shape_cast %get3A_246 : vector<1x16xi32> to vector<16xi32>
    %add3A_248 = arith.addi %get3A_247, %mul3A_18 : vector<16xi32>
    %swap3A_249 = arith.constant 1 : i32
    %swap3A_250 = arith.index_cast %swap3A_249 : i32 to index
    %swap3A_251 = arith.index_cast %mul3A_242 : i32 to index
    %swap3A_252 = tpu.vector_load %arg5[%swap3A_250, %swap3A_251] {strides = array<i32>} : memref<16x128xi32, #tpu.memory_space<vmem>>, vector<1x16xi32>,
    %swap3A_253 = vector.shape_cast %swap3A_252 : vector<1x16xi32> to vector<16xi32>
    %swap3A_254 = vector.shape_cast %add3A_248 : vector<16xi32> to vector<1x16xi32>
    tpu.vector_store %arg5[%swap3A_250, %swap3A_251], %swap3A_254 {strides = array<i32>} : memref<16x128xi32, #tpu.memory_space<vmem>>, vector<1x16xi32>,
    %scan3A_255 = arith.constant 7 : i32
    %mul3A_256 = arith.constant 16 : i32
    %mul3A_257 = arith.muli %scan3A_255, %mul3A_256 : i32
    %get3A_258 = arith.constant 1 : i32
    %get3A_259 = arith.index_cast %get3A_258 : i32 to index
    %get3A_260 = arith.index_cast %mul3A_257 : i32 to index
    %get3A_261 = tpu.vector_load %arg5[%get3A_259, %get3A_260] {strides = array<i32>} : memref<16x128xi32, #tpu.memory_space<vmem>>, vector<1x16xi32>,
    %get3A_262 = vector.shape_cast %get3A_261 : vector<1x16xi32> to vector<16xi32>
    %add3A_263 = arith.addi %get3A_262, %mul3A_18 : vector<16xi32>
    %swap3A_264 = arith.constant 1 : i32
    %swap3A_265 = arith.index_cast %swap3A_264 : i32 to index
    %swap3A_266 = arith.index_cast %mul3A_257 : i32 to index
    %swap3A_267 = tpu.vector_load %arg5[%swap3A_265, %swap3A_266] {strides = array<i32>} : memref<16x128xi32, #tpu.memory_space<vmem>>, vector<1x16xi32>,
    %swap3A_268 = vector.shape_cast %swap3A_267 : vector<1x16xi32> to vector<16xi32>
    %swap3A_269 = vector.shape_cast %add3A_263 : vector<16xi32> to vector<1x16xi32>
    tpu.vector_store %arg5[%swap3A_265, %swap3A_266], %swap3A_269 {strides = array<i32>} : memref<16x128xi32, #tpu.memory_space<vmem>>, vector<1x16xi32>,
    %scan3A_270 = arith.constant 8 : i32
    %dma_start3A_271 = arith.constant 1 : i32
    %dma_start3A_272 = arith.constant 1 : i32
    %dma_start3A_273 = arith.constant 0 : i32
    %dma_start3A_274 = arith.constant 0 : i32
    %dma_start3A_275 = tpu.memref_slice %arg6[%dma_start3A_272, %dma_start3A_273, %dma_start3A_274] : memref<16x128x32xf32, #tpu.memory_space<vmem>> -> memref<1x128x32xf32, #tpu.memory_space<vmem>>
    %dma_start3A_276 = tpu.memref_squeeze %dma_start3A_275 : memref<1x128x32xf32, #tpu.memory_space<vmem>> -> memref<128x32xf32, #tpu.memory_space<vmem>>
    %dma_start3A_277 = arith.constant 0 : i32
    %dma_start3A_278 = tpu.memref_slice %arg5[%dma_start3A_271, %dma_start3A_277] : memref<16x128xi32, #tpu.memory_space<vmem>> -> memref<1x128xi32, #tpu.memory_space<vmem>>
    %dma_start3A_279 = tpu.memref_squeeze %dma_start3A_278 : memref<1x128xi32, #tpu.memory_space<vmem>> -> memref<128xi32, #tpu.memory_space<vmem>>
    %dma_start3A_280 = arith.constant 0 : i32
    %dma_start3A_281 = arith.constant 0 : i32
    %dma_start3A_282 = tpu.memref_slice %arg3[%dma_start3A_280, %dma_start3A_281] : memref<400000x32xf32, #tpu.memory_space<hbm>> -> memref<400000x32xf32, #tpu.memory_space<hbm>>
    tpu.enqueue_indirect_dma source(%dma_start3A_282 : memref<400000x32xf32, #tpu.memory_space<hbm>>) target(%dma_start3A_276 : memref<128x32xf32, #tpu.memory_space<vmem>>) offsets(%dma_start3A_279 : memref<128xi32, #tpu.memory_space<vmem>>) semaphore(%arg7 : memref<!tpu.dma_semaphore, #tpu.memory_space<semaphore_mem>>)
    %scan3A_283 = arith.constant 0 : i32
    %scan3A_284 = arith.constant 0 : i32
    %mul3A_285 = arith.constant 16 : i32
    %mul3A_286 = arith.muli %scan3A_284, %mul3A_285 : i32
    %get3A_287 = arith.constant 2 : i32
    %get3A_288 = arith.index_cast %get3A_287 : i32 to index
    %get3A_289 = arith.index_cast %mul3A_286 : i32 to index
    %get3A_290 = tpu.vector_load %arg5[%get3A_288, %get3A_289] {strides = array<i32>} : memref<16x128xi32, #tpu.memory_space<vmem>>, vector<1x16xi32>,
    %get3A_291 = vector.shape_cast %get3A_290 : vector<1x16xi32> to vector<16xi32>
    %add3A_292 = arith.addi %get3A_291, %mul3A_18 : vector<16xi32>
    %swap3A_293 = arith.constant 2 : i32
    %swap3A_294 = arith.index_cast %swap3A_293 : i32 to index
    %swap3A_295 = arith.index_cast %mul3A_286 : i32 to index
    %swap3A_296 = tpu.vector_load %arg5[%swap3A_294, %swap3A_295] {strides = array<i32>} : memref<16x128xi32, #tpu.memory_space<vmem>>, vector<1x16xi32>,
    %swap3A_297 = vector.shape_cast %swap3A_296 : vector<1x16xi32> to vector<16xi32>
    %swap3A_298 = vector.shape_cast %add3A_292 : vector<16xi32> to vector<1x16xi32>
    tpu.vector_store %arg5[%swap3A_294, %swap3A_295], %swap3A_298 {strides = array<i32>} : memref<16x128xi32, #tpu.memory_space<vmem>>, vector<1x16xi32>,
    %scan3A_299 = arith.constant 1 : i32
    %mul3A_300 = arith.constant 16 : i32
    %mul3A_301 = arith.muli %scan3A_299, %mul3A_300 : i32
    %get3A_302 = arith.constant 2 : i32
    %get3A_303 = arith.index_cast %get3A_302 : i32 to index
    %get3A_304 = arith.index_cast %mul3A_301 : i32 to index
    %get3A_305 = tpu.vector_load %arg5[%get3A_303, %get3A_304] {strides = array<i32>} : memref<16x128xi32, #tpu.memory_space<vmem>>, vector<1x16xi32>,
    %get3A_306 = vector.shape_cast %get3A_305 : vector<1x16xi32> to vector<16xi32>
    %add3A_307 = arith.addi %get3A_306, %mul3A_18 : vector<16xi32>
    %swap3A_308 = arith.constant 2 : i32
    %swap3A_309 = arith.index_cast %swap3A_308 : i32 to index
    %swap3A_310 = arith.index_cast %mul3A_301 : i32 to index
    %swap3A_311 = tpu.vector_load %arg5[%swap3A_309, %swap3A_310] {strides = array<i32>} : memref<16x128xi32, #tpu.memory_space<vmem>>, vector<1x16xi32>,
    %swap3A_312 = vector.shape_cast %swap3A_311 : vector<1x16xi32> to vector<16xi32>
    %swap3A_313 = vector.shape_cast %add3A_307 : vector<16xi32> to vector<1x16xi32>
    tpu.vector_store %arg5[%swap3A_309, %swap3A_310], %swap3A_313 {strides = array<i32>} : memref<16x128xi32, #tpu.memory_space<vmem>>, vector<1x16xi32>,
    %scan3A_314 = arith.constant 2 : i32
    %mul3A_315 = arith.constant 16 : i32
    %mul3A_316 = arith.muli %scan3A_314, %mul3A_315 : i32
    %get3A_317 = arith.constant 2 : i32
    %get3A_318 = arith.index_cast %get3A_317 : i32 to index
    %get3A_319 = arith.index_cast %mul3A_316 : i32 to index
    %get3A_320 = tpu.vector_load %arg5[%get3A_318, %get3A_319] {strides = array<i32>} : memref<16x128xi32, #tpu.memory_space<vmem>>, vector<1x16xi32>,
    %get3A_321 = vector.shape_cast %get3A_320 : vector<1x16xi32> to vector<16xi32>
    %add3A_322 = arith.addi %get3A_321, %mul3A_18 : vector<16xi32>
    %swap3A_323 = arith.constant 2 : i32
    %swap3A_324 = arith.index_cast %swap3A_323 : i32 to index
    %swap3A_325 = arith.index_cast %mul3A_316 : i32 to index
    %swap3A_326 = tpu.vector_load %arg5[%swap3A_324, %swap3A_325] {strides = array<i32>} : memref<16x128xi32, #tpu.memory_space<vmem>>, vector<1x16xi32>,
    %swap3A_327 = vector.shape_cast %swap3A_326 : vector<1x16xi32> to vector<16xi32>
    %swap3A_328 = vector.shape_cast %add3A_322 : vector<16xi32> to vector<1x16xi32>
    tpu.vector_store %arg5[%swap3A_324, %swap3A_325], %swap3A_328 {strides = array<i32>} : memref<16x128xi32, #tpu.memory_space<vmem>>, vector<1x16xi32>,
    %scan3A_329 = arith.constant 3 : i32
    %mul3A_330 = arith.constant 16 : i32
    %mul3A_331 = arith.muli %scan3A_329, %mul3A_330 : i32
    %get3A_332 = arith.constant 2 : i32
    %get3A_333 = arith.index_cast %get3A_332 : i32 to index
    %get3A_334 = arith.index_cast %mul3A_331 : i32 to index
    %get3A_335 = tpu.vector_load %arg5[%get3A_333, %get3A_334] {strides = array<i32>} : memref<16x128xi32, #tpu.memory_space<vmem>>, vector<1x16xi32>,
    %get3A_336 = vector.shape_cast %get3A_335 : vector<1x16xi32> to vector<16xi32>
    %add3A_337 = arith.addi %get3A_336, %mul3A_18 : vector<16xi32>
    %swap3A_338 = arith.constant 2 : i32
    %swap3A_339 = arith.index_cast %swap3A_338 : i32 to index
    %swap3A_340 = arith.index_cast %mul3A_331 : i32 to index
    %swap3A_341 = tpu.vector_load %arg5[%swap3A_339, %swap3A_340] {strides = array<i32>} : memref<16x128xi32, #tpu.memory_space<vmem>>, vector<1x16xi32>,
    %swap3A_342 = vector.shape_cast %swap3A_341 : vector<1x16xi32> to vector<16xi32>
    %swap3A_343 = vector.shape_cast %add3A_337 : vector<16xi32> to vector<1x16xi32>
    tpu.vector_store %arg5[%swap3A_339, %swap3A_340], %swap3A_343 {strides = array<i32>} : memref<16x128xi32, #tpu.memory_space<vmem>>, vector<1x16xi32>,
    %scan3A_344 = arith.constant 4 : i32
    %mul3A_345 = arith.constant 16 : i32
    %mul3A_346 = arith.muli %scan3A_344, %mul3A_345 : i32
    %get3A_347 = arith.constant 2 : i32
    %get3A_348 = arith.index_cast %get3A_347 : i32 to index
    %get3A_349 = arith.index_cast %mul3A_346 : i32 to index
    %get3A_350 = tpu.vector_load %arg5[%get3A_348, %get3A_349] {strides = array<i32>} : memref<16x128xi32, #tpu.memory_space<vmem>>, vector<1x16xi32>,
    %get3A_351 = vector.shape_cast %get3A_350 : vector<1x16xi32> to vector<16xi32>
    %add3A_352 = arith.addi %get3A_351, %mul3A_18 : vector<16xi32>
    %swap3A_353 = arith.constant 2 : i32
    %swap3A_354 = arith.index_cast %swap3A_353 : i32 to index
    %swap3A_355 = arith.index_cast %mul3A_346 : i32 to index
    %swap3A_356 = tpu.vector_load %arg5[%swap3A_354, %swap3A_355] {strides = array<i32>} : memref<16x128xi32, #tpu.memory_space<vmem>>, vector<1x16xi32>,
    %swap3A_357 = vector.shape_cast %swap3A_356 : vector<1x16xi32> to vector<16xi32>
    %swap3A_358 = vector.shape_cast %add3A_352 : vector<16xi32> to vector<1x16xi32>
    tpu.vector_store %arg5[%swap3A_354, %swap3A_355], %swap3A_358 {strides = array<i32>} : memref<16x128xi32, #tpu.memory_space<vmem>>, vector<1x16xi32>,
    %scan3A_359 = arith.constant 5 : i32
    %mul3A_360 = arith.constant 16 : i32
    %mul3A_361 = arith.muli %scan3A_359, %mul3A_360 : i32
    %get3A_362 = arith.constant 2 : i32
    %get3A_363 = arith.index_cast %get3A_362 : i32 to index
    %get3A_364 = arith.index_cast %mul3A_361 : i32 to index
    %get3A_365 = tpu.vector_load %arg5[%get3A_363, %get3A_364] {strides = array<i32>} : memref<16x128xi32, #tpu.memory_space<vmem>>, vector<1x16xi32>,
    %get3A_366 = vector.shape_cast %get3A_365 : vector<1x16xi32> to vector<16xi32>
    %add3A_367 = arith.addi %get3A_366, %mul3A_18 : vector<16xi32>
    %swap3A_368 = arith.constant 2 : i32
    %swap3A_369 = arith.index_cast %swap3A_368 : i32 to index
    %swap3A_370 = arith.index_cast %mul3A_361 : i32 to index
    %swap3A_371 = tpu.vector_load %arg5[%swap3A_369, %swap3A_370] {strides = array<i32>} : memref<16x128xi32, #tpu.memory_space<vmem>>, vector<1x16xi32>,
    %swap3A_372 = vector.shape_cast %swap3A_371 : vector<1x16xi32> to vector<16xi32>
    %swap3A_373 = vector.shape_cast %add3A_367 : vector<16xi32> to vector<1x16xi32>
    tpu.vector_store %arg5[%swap3A_369, %swap3A_370], %swap3A_373 {strides = array<i32>} : memref<16x128xi32, #tpu.memory_space<vmem>>, vector<1x16xi32>,
    %scan3A_374 = arith.constant 6 : i32
    %mul3A_375 = arith.constant 16 : i32
    %mul3A_376 = arith.muli %scan3A_374, %mul3A_375 : i32
    %get3A_377 = arith.constant 2 : i32
    %get3A_378 = arith.index_cast %get3A_377 : i32 to index
    %get3A_379 = arith.index_cast %mul3A_376 : i32 to index
    %get3A_380 = tpu.vector_load %arg5[%get3A_378, %get3A_379] {strides = array<i32>} : memref<16x128xi32, #tpu.memory_space<vmem>>, vector<1x16xi32>,
    %get3A_381 = vector.shape_cast %get3A_380 : vector<1x16xi32> to vector<16xi32>
    %add3A_382 = arith.addi %get3A_381, %mul3A_18 : vector<16xi32>
    %swap3A_383 = arith.constant 2 : i32
    %swap3A_384 = arith.index_cast %swap3A_383 : i32 to index
    %swap3A_385 = arith.index_cast %mul3A_376 : i32 to index
    %swap3A_386 = tpu.vector_load %arg5[%swap3A_384, %swap3A_385] {strides = array<i32>} : memref<16x128xi32, #tpu.memory_space<vmem>>, vector<1x16xi32>,
    %swap3A_387 = vector.shape_cast %swap3A_386 : vector<1x16xi32> to vector<16xi32>
    %swap3A_388 = vector.shape_cast %add3A_382 : vector<16xi32> to vector<1x16xi32>
    tpu.vector_store %arg5[%swap3A_384, %swap3A_385], %swap3A_388 {strides = array<i32>} : memref<16x128xi32, #tpu.memory_space<vmem>>, vector<1x16xi32>,
    %scan3A_389 = arith.constant 7 : i32
    %mul3A_390 = arith.constant 16 : i32
    %mul3A_391 = arith.muli %scan3A_389, %mul3A_390 : i32
    %get3A_392 = arith.constant 2 : i32
    %get3A_393 = arith.index_cast %get3A_392 : i32 to index
    %get3A_394 = arith.index_cast %mul3A_391 : i32 to index
    %get3A_395 = tpu.vector_load %arg5[%get3A_393, %get3A_394] {strides = array<i32>} : memref<16x128xi32, #tpu.memory_space<vmem>>, vector<1x16xi32>,
    %get3A_396 = vector.shape_cast %get3A_395 : vector<1x16xi32> to vector<16xi32>
    %add3A_397 = arith.addi %get3A_396, %mul3A_18 : vector<16xi32>
    %swap3A_398 = arith.constant 2 : i32
    %swap3A_399 = arith.index_cast %swap3A_398 : i32 to index
    %swap3A_400 = arith.index_cast %mul3A_391 : i32 to index
    %swap3A_401 = tpu.vector_load %arg5[%swap3A_399, %swap3A_400] {strides = array<i32>} : memref<16x128xi32, #tpu.memory_space<vmem>>, vector<1x16xi32>,
    %swap3A_402 = vector.shape_cast %swap3A_401 : vector<1x16xi32> to vector<16xi32>
    %swap3A_403 = vector.shape_cast %add3A_397 : vector<16xi32> to vector<1x16xi32>
    tpu.vector_store %arg5[%swap3A_399, %swap3A_400], %swap3A_403 {strides = array<i32>} : memref<16x128xi32, #tpu.memory_space<vmem>>, vector<1x16xi32>,
    %scan3A_404 = arith.constant 8 : i32
    %dma_start3A_405 = arith.constant 2 : i32
    %dma_start3A_406 = arith.constant 2 : i32
    %dma_start3A_407 = arith.constant 0 : i32
    %dma_start3A_408 = arith.constant 0 : i32
    %dma_start3A_409 = tpu.memref_slice %arg6[%dma_start3A_406, %dma_start3A_407, %dma_start3A_408] : memref<16x128x32xf32, #tpu.memory_space<vmem>> -> memref<1x128x32xf32, #tpu.memory_space<vmem>>
    %dma_start3A_410 = tpu.memref_squeeze %dma_start3A_409 : memref<1x128x32xf32, #tpu.memory_space<vmem>> -> memref<128x32xf32, #tpu.memory_space<vmem>>
    %dma_start3A_411 = arith.constant 0 : i32
    %dma_start3A_412 = tpu.memref_slice %arg5[%dma_start3A_405, %dma_start3A_411] : memref<16x128xi32, #tpu.memory_space<vmem>> -> memref<1x128xi32, #tpu.memory_space<vmem>>
    %dma_start3A_413 = tpu.memref_squeeze %dma_start3A_412 : memref<1x128xi32, #tpu.memory_space<vmem>> -> memref<128xi32, #tpu.memory_space<vmem>>
    %dma_start3A_414 = arith.constant 0 : i32
    %dma_start3A_415 = arith.constant 0 : i32
    %dma_start3A_416 = tpu.memref_slice %arg3[%dma_start3A_414, %dma_start3A_415] : memref<400000x32xf32, #tpu.memory_space<hbm>> -> memref<400000x32xf32, #tpu.memory_space<hbm>>
    tpu.enqueue_indirect_dma source(%dma_start3A_416 : memref<400000x32xf32, #tpu.memory_space<hbm>>) target(%dma_start3A_410 : memref<128x32xf32, #tpu.memory_space<vmem>>) offsets(%dma_start3A_413 : memref<128xi32, #tpu.memory_space<vmem>>) semaphore(%arg7 : memref<!tpu.dma_semaphore, #tpu.memory_space<semaphore_mem>>)
    %scan3A_417 = arith.constant 0 : i32
    %scan3A_418 = arith.constant 0 : i32
    %mul3A_419 = arith.constant 16 : i32
    %mul3A_420 = arith.muli %scan3A_418, %mul3A_419 : i32
    %get3A_421 = arith.constant 3 : i32
    %get3A_422 = arith.index_cast %get3A_421 : i32 to index
    %get3A_423 = arith.index_cast %mul3A_420 : i32 to index
    %get3A_424 = tpu.vector_load %arg5[%get3A_422, %get3A_423] {strides = array<i32>} : memref<16x128xi32, #tpu.memory_space<vmem>>, vector<1x16xi32>,
    %get3A_425 = vector.shape_cast %get3A_424 : vector<1x16xi32> to vector<16xi32>
    %add3A_426 = arith.addi %get3A_425, %mul3A_18 : vector<16xi32>
    %swap3A_427 = arith.constant 3 : i32
    %swap3A_428 = arith.index_cast %swap3A_427 : i32 to index
    %swap3A_429 = arith.index_cast %mul3A_420 : i32 to index
    %swap3A_430 = tpu.vector_load %arg5[%swap3A_428, %swap3A_429] {strides = array<i32>} : memref<16x128xi32, #tpu.memory_space<vmem>>, vector<1x16xi32>,
    %swap3A_431 = vector.shape_cast %swap3A_430 : vector<1x16xi32> to vector<16xi32>
    %swap3A_432 = vector.shape_cast %add3A_426 : vector<16xi32> to vector<1x16xi32>
    tpu.vector_store %arg5[%swap3A_428, %swap3A_429], %swap3A_432 {strides = array<i32>} : memref<16x128xi32, #tpu.memory_space<vmem>>, vector<1x16xi32>,
    %scan3A_433 = arith.constant 1 : i32
    %mul3A_434 = arith.constant 16 : i32
    %mul3A_435 = arith.muli %scan3A_433, %mul3A_434 : i32
    %get3A_436 = arith.constant 3 : i32
    %get3A_437 = arith.index_cast %get3A_436 : i32 to index
    %get3A_438 = arith.index_cast %mul3A_435 : i32 to index
    %get3A_439 = tpu.vector_load %arg5[%get3A_437, %get3A_438] {strides = array<i32>} : memref<16x128xi32, #tpu.memory_space<vmem>>, vector<1x16xi32>,
    %get3A_440 = vector.shape_cast %get3A_439 : vector<1x16xi32> to vector<16xi32>
    %add3A_441 = arith.addi %get3A_440, %mul3A_18 : vector<16xi32>
    %swap3A_442 = arith.constant 3 : i32
    %swap3A_443 = arith.index_cast %swap3A_442 : i32 to index
    %swap3A_444 = arith.index_cast %mul3A_435 : i32 to index
    %swap3A_445 = tpu.vector_load %arg5[%swap3A_443, %swap3A_444] {strides = array<i32>} : memref<16x128xi32, #tpu.memory_space<vmem>>, vector<1x16xi32>,
    %swap3A_446 = vector.shape_cast %swap3A_445 : vector<1x16xi32> to vector<16xi32>
    %swap3A_447 = vector.shape_cast %add3A_441 : vector<16xi32> to vector<1x16xi32>
    tpu.vector_store %arg5[%swap3A_443, %swap3A_444], %swap3A_447 {strides = array<i32>} : memref<16x128xi32, #tpu.memory_space<vmem>>, vector<1x16xi32>,
    %scan3A_448 = arith.constant 2 : i32
    %mul3A_449 = arith.constant 16 : i32
    %mul3A_450 = arith.muli %scan3A_448, %mul3A_449 : i32
    %get3A_451 = arith.constant 3 : i32
    %get3A_452 = arith.index_cast %get3A_451 : i32 to index
    %get3A_453 = arith.index_cast %mul3A_450 : i32 to index
    %get3A_454 = tpu.vector_load %arg5[%get3A_452, %get3A_453] {strides = array<i32>} : memref<16x128xi32, #tpu.memory_space<vmem>>, vector<1x16xi32>,
    %get3A_455 = vector.shape_cast %get3A_454 : vector<1x16xi32> to vector<16xi32>
    %add3A_456 = arith.addi %get3A_455, %mul3A_18 : vector<16xi32>
    %swap3A_457 = arith.constant 3 : i32
    %swap3A_458 = arith.index_cast %swap3A_457 : i32 to index
    %swap3A_459 = arith.index_cast %mul3A_450 : i32 to index
    %swap3A_460 = tpu.vector_load %arg5[%swap3A_458, %swap3A_459] {strides = array<i32>} : memref<16x128xi32, #tpu.memory_space<vmem>>, vector<1x16xi32>,
    %swap3A_461 = vector.shape_cast %swap3A_460 : vector<1x16xi32> to vector<16xi32>
    %swap3A_462 = vector.shape_cast %add3A_456 : vector<16xi32> to vector<1x16xi32>
    tpu.vector_store %arg5[%swap3A_458, %swap3A_459], %swap3A_462 {strides = array<i32>} : memref<16x128xi32, #tpu.memory_space<vmem>>, vector<1x16xi32>,
    %scan3A_463 = arith.constant 3 : i32
    %mul3A_464 = arith.constant 16 : i32
    %mul3A_465 = arith.muli %scan3A_463, %mul3A_464 : i32
    %get3A_466 = arith.constant 3 : i32
    %get3A_467 = arith.index_cast %get3A_466 : i32 to index
    %get3A_468 = arith.index_cast %mul3A_465 : i32 to index
    %get3A_469 = tpu.vector_load %arg5[%get3A_467, %get3A_468] {strides = array<i32>} : memref<16x128xi32, #tpu.memory_space<vmem>>, vector<1x16xi32>,
    %get3A_470 = vector.shape_cast %get3A_469 : vector<1x16xi32> to vector<16xi32>
    %add3A_471 = arith.addi %get3A_470, %mul3A_18 : vector<16xi32>
    %swap3A_472 = arith.constant 3 : i32
    %swap3A_473 = arith.index_cast %swap3A_472 : i32 to index
    %swap3A_474 = arith.index_cast %mul3A_465 : i32 to index
    %swap3A_475 = tpu.vector_load %arg5[%swap3A_473, %swap3A_474] {strides = array<i32>} : memref<16x128xi32, #tpu.memory_space<vmem>>, vector<1x16xi32>,
    %swap3A_476 = vector.shape_cast %swap3A_475 : vector<1x16xi32> to vector<16xi32>
    %swap3A_477 = vector.shape_cast %add3A_471 : vector<16xi32> to vector<1x16xi32>
    tpu.vector_store %arg5[%swap3A_473, %swap3A_474], %swap3A_477 {strides = array<i32>} : memref<16x128xi32, #tpu.memory_space<vmem>>, vector<1x16xi32>,
    %scan3A_478 = arith.constant 4 : i32
    %mul3A_479 = arith.constant 16 : i32
    %mul3A_480 = arith.muli %scan3A_478, %mul3A_479 : i32
    %get3A_481 = arith.constant 3 : i32
    %get3A_482 = arith.index_cast %get3A_481 : i32 to index
    %get3A_483 = arith.index_cast %mul3A_480 : i32 to index
    %get3A_484 = tpu.vector_load %arg5[%get3A_482, %get3A_483] {strides = array<i32>} : memref<16x128xi32, #tpu.memory_space<vmem>>, vector<1x16xi32>,
    %get3A_485 = vector.shape_cast %get3A_484 : vector<1x16xi32> to vector<16xi32>
    %add3A_486 = arith.addi %get3A_485, %mul3A_18 : vector<16xi32>
    %swap3A_487 = arith.constant 3 : i32
    %swap3A_488 = arith.index_cast %swap3A_487 : i32 to index
    %swap3A_489 = arith.index_cast %mul3A_480 : i32 to index
    %swap3A_490 = tpu.vector_load %arg5[%swap3A_488, %swap3A_489] {strides = array<i32>} : memref<16x128xi32, #tpu.memory_space<vmem>>, vector<1x16xi32>,
    %swap3A_491 = vector.shape_cast %swap3A_490 : vector<1x16xi32> to vector<16xi32>
    %swap3A_492 = vector.shape_cast %add3A_486 : vector<16xi32> to vector<1x16xi32>
    tpu.vector_store %arg5[%swap3A_488, %swap3A_489], %swap3A_492 {strides = array<i32>} : memref<16x128xi32, #tpu.memory_space<vmem>>, vector<1x16xi32>,
    %scan3A_493 = arith.constant 5 : i32
    %mul3A_494 = arith.constant 16 : i32
    %mul3A_495 = arith.muli %scan3A_493, %mul3A_494 : i32
    %get3A_496 = arith.constant 3 : i32
    %get3A_497 = arith.index_cast %get3A_496 : i32 to index
    %get3A_498 = arith.index_cast %mul3A_495 : i32 to index
    %get3A_499 = tpu.vector_load %arg5[%get3A_497, %get3A_498] {strides = array<i32>} : memref<16x128xi32, #tpu.memory_space<vmem>>, vector<1x16xi32>,
    %get3A_500 = vector.shape_cast %get3A_499 : vector<1x16xi32> to vector<16xi32>
    %add3A_501 = arith.addi %get3A_500, %mul3A_18 : vector<16xi32>
    %swap3A_502 = arith.constant 3 : i32
    %swap3A_503 = arith.index_cast %swap3A_502 : i32 to index
    %swap3A_504 = arith.index_cast %mul3A_495 : i32 to index
    %swap3A_505 = tpu.vector_load %arg5[%swap3A_503, %swap3A_504] {strides = array<i32>} : memref<16x128xi32, #tpu.memory_space<vmem>>, vector<1x16xi32>,
    %swap3A_506 = vector.shape_cast %swap3A_505 : vector<1x16xi32> to vector<16xi32>
    %swap3A_507 = vector.shape_cast %add3A_501 : vector<16xi32> to vector<1x16xi32>
    tpu.vector_store %arg5[%swap3A_503, %swap3A_504], %swap3A_507 {strides = array<i32>} : memref<16x128xi32, #tpu.memory_space<vmem>>, vector<1x16xi32>,
    %scan3A_508 = arith.constant 6 : i32
    %mul3A_509 = arith.constant 16 : i32
    %mul3A_510 = arith.muli %scan3A_508, %mul3A_509 : i32
    %get3A_511 = arith.constant 3 : i32
    %get3A_512 = arith.index_cast %get3A_511 : i32 to index
    %get3A_513 = arith.index_cast %mul3A_510 : i32 to index
    %get3A_514 = tpu.vector_load %arg5[%get3A_512, %get3A_513] {strides = array<i32>} : memref<16x128xi32, #tpu.memory_space<vmem>>, vector<1x16xi32>,
    %get3A_515 = vector.shape_cast %get3A_514 : vector<1x16xi32> to vector<16xi32>
    %add3A_516 = arith.addi %get3A_515, %mul3A_18 : vector<16xi32>
    %swap3A_517 = arith.constant 3 : i32
    %swap3A_518 = arith.index_cast %swap3A_517 : i32 to index
    %swap3A_519 = arith.index_cast %mul3A_510 : i32 to index
    %swap3A_520 = tpu.vector_load %arg5[%swap3A_518, %swap3A_519] {strides = array<i32>} : memref<16x128xi32, #tpu.memory_space<vmem>>, vector<1x16xi32>,
    %swap3A_521 = vector.shape_cast %swap3A_520 : vector<1x16xi32> to vector<16xi32>
    %swap3A_522 = vector.shape_cast %add3A_516 : vector<16xi32> to vector<1x16xi32>
    tpu.vector_store %arg5[%swap3A_518, %swap3A_519], %swap3A_522 {strides = array<i32>} : memref<16x128xi32, #tpu.memory_space<vmem>>, vector<1x16xi32>,
    %scan3A_523 = arith.constant 7 : i32
    %mul3A_524 = arith.constant 16 : i32
    %mul3A_525 = arith.muli %scan3A_523, %mul3A_524 : i32
    %get3A_526 = arith.constant 3 : i32
    %get3A_527 = arith.index_cast %get3A_526 : i32 to index
    %get3A_528 = arith.index_cast %mul3A_525 : i32 to index
    %get3A_529 = tpu.vector_load %arg5[%get3A_527, %get3A_528] {strides = array<i32>} : memref<16x128xi32, #tpu.memory_space<vmem>>, vector<1x16xi32>,
    %get3A_530 = vector.shape_cast %get3A_529 : vector<1x16xi32> to vector<16xi32>
    %add3A_531 = arith.addi %get3A_530, %mul3A_18 : vector<16xi32>
    %swap3A_532 = arith.constant 3 : i32
    %swap3A_533 = arith.index_cast %swap3A_532 : i32 to index
    %swap3A_534 = arith.index_cast %mul3A_525 : i32 to index
    %swap3A_535 = tpu.vector_load %arg5[%swap3A_533, %swap3A_534] {strides = array<i32>} : memref<16x128xi32, #tpu.memory_space<vmem>>, vector<1x16xi32>,
    %swap3A_536 = vector.shape_cast %swap3A_535 : vector<1x16xi32> to vector<16xi32>
    %swap3A_537 = vector.shape_cast %add3A_531 : vector<16xi32> to vector<1x16xi32>
    tpu.vector_store %arg5[%swap3A_533, %swap3A_534], %swap3A_537 {strides = array<i32>} : memref<16x128xi32, #tpu.memory_space<vmem>>, vector<1x16xi32>,
    %scan3A_538 = arith.constant 8 : i32
    %dma_start3A_539 = arith.constant 3 : i32
    %dma_start3A_540 = arith.constant 3 : i32
    %dma_start3A_541 = arith.constant 0 : i32
    %dma_start3A_542 = arith.constant 0 : i32
    %dma_start3A_543 = tpu.memref_slice %arg6[%dma_start3A_540, %dma_start3A_541, %dma_start3A_542] : memref<16x128x32xf32, #tpu.memory_space<vmem>> -> memref<1x128x32xf32, #tpu.memory_space<vmem>>
    %dma_start3A_544 = tpu.memref_squeeze %dma_start3A_543 : memref<1x128x32xf32, #tpu.memory_space<vmem>> -> memref<128x32xf32, #tpu.memory_space<vmem>>
    %dma_start3A_545 = arith.constant 0 : i32
    %dma_start3A_546 = tpu.memref_slice %arg5[%dma_start3A_539, %dma_start3A_545] : memref<16x128xi32, #tpu.memory_space<vmem>> -> memref<1x128xi32, #tpu.memory_space<vmem>>
    %dma_start3A_547 = tpu.memref_squeeze %dma_start3A_546 : memref<1x128xi32, #tpu.memory_space<vmem>> -> memref<128xi32, #tpu.memory_space<vmem>>
    %dma_start3A_548 = arith.constant 0 : i32
    %dma_start3A_549 = arith.constant 0 : i32
    %dma_start3A_550 = tpu.memref_slice %arg3[%dma_start3A_548, %dma_start3A_549] : memref<400000x32xf32, #tpu.memory_space<hbm>> -> memref<400000x32xf32, #tpu.memory_space<hbm>>
    tpu.enqueue_indirect_dma source(%dma_start3A_550 : memref<400000x32xf32, #tpu.memory_space<hbm>>) target(%dma_start3A_544 : memref<128x32xf32, #tpu.memory_space<vmem>>) offsets(%dma_start3A_547 : memref<128xi32, #tpu.memory_space<vmem>>) semaphore(%arg7 : memref<!tpu.dma_semaphore, #tpu.memory_space<semaphore_mem>>)
    %scan3A_551 = arith.constant 0 : i32
    %scan3A_552 = arith.constant 0 : i32
    %mul3A_553 = arith.constant 16 : i32
    %mul3A_554 = arith.muli %scan3A_552, %mul3A_553 : i32
    %get3A_555 = arith.constant 4 : i32
    %get3A_556 = arith.index_cast %get3A_555 : i32 to index
    %get3A_557 = arith.index_cast %mul3A_554 : i32 to index
    %get3A_558 = tpu.vector_load %arg5[%get3A_556, %get3A_557] {strides = array<i32>} : memref<16x128xi32, #tpu.memory_space<vmem>>, vector<1x16xi32>,
    %get3A_559 = vector.shape_cast %get3A_558 : vector<1x16xi32> to vector<16xi32>
    %add3A_560 = arith.addi %get3A_559, %mul3A_18 : vector<16xi32>
    %swap3A_561 = arith.constant 4 : i32
    %swap3A_562 = arith.index_cast %swap3A_561 : i32 to index
    %swap3A_563 = arith.index_cast %mul3A_554 : i32 to index
    %swap3A_564 = tpu.vector_load %arg5[%swap3A_562, %swap3A_563] {strides = array<i32>} : memref<16x128xi32, #tpu.memory_space<vmem>>, vector<1x16xi32>,
    %swap3A_565 = vector.shape_cast %swap3A_564 : vector<1x16xi32> to vector<16xi32>
    %swap3A_566 = vector.shape_cast %add3A_560 : vector<16xi32> to vector<1x16xi32>
    tpu.vector_store %arg5[%swap3A_562, %swap3A_563], %swap3A_566 {strides = array<i32>} : memref<16x128xi32, #tpu.memory_space<vmem>>, vector<1x16xi32>,
    %scan3A_567 = arith.constant 1 : i32
    %mul3A_568 = arith.constant 16 : i32
    %mul3A_569 = arith.muli %scan3A_567, %mul3A_568 : i32
    %get3A_570 = arith.constant 4 : i32
    %get3A_571 = arith.index_cast %get3A_570 : i32 to index
    %get3A_572 = arith.index_cast %mul3A_569 : i32 to index
    %get3A_573 = tpu.vector_load %arg5[%get3A_571, %get3A_572] {strides = array<i32>} : memref<16x128xi32, #tpu.memory_space<vmem>>, vector<1x16xi32>,
    %get3A_574 = vector.shape_cast %get3A_573 : vector<1x16xi32> to vector<16xi32>
    %add3A_575 = arith.addi %get3A_574, %mul3A_18 : vector<16xi32>
    %swap3A_576 = arith.constant 4 : i32
    %swap3A_577 = arith.index_cast %swap3A_576 : i32 to index
    %swap3A_578 = arith.index_cast %mul3A_569 : i32 to index
    %swap3A_579 = tpu.vector_load %arg5[%swap3A_577, %swap3A_578] {strides = array<i32>} : memref<16x128xi32, #tpu.memory_space<vmem>>, vector<1x16xi32>,
    %swap3A_580 = vector.shape_cast %swap3A_579 : vector<1x16xi32> to vector<16xi32>
    %swap3A_581 = vector.shape_cast %add3A_575 : vector<16xi32> to vector<1x16xi32>
    tpu.vector_store %arg5[%swap3A_577, %swap3A_578], %swap3A_581 {strides = array<i32>} : memref<16x128xi32, #tpu.memory_space<vmem>>, vector<1x16xi32>,
    %scan3A_582 = arith.constant 2 : i32
    %mul3A_583 = arith.constant 16 : i32
    %mul3A_584 = arith.muli %scan3A_582, %mul3A_583 : i32
    %get3A_585 = arith.constant 4 : i32
    %get3A_586 = arith.index_cast %get3A_585 : i32 to index
    %get3A_587 = arith.index_cast %mul3A_584 : i32 to index
    %get3A_588 = tpu.vector_load %arg5[%get3A_586, %get3A_587] {strides = array<i32>} : memref<16x128xi32, #tpu.memory_space<vmem>>, vector<1x16xi32>,
    %get3A_589 = vector.shape_cast %get3A_588 : vector<1x16xi32> to vector<16xi32>
    %add3A_590 = arith.addi %get3A_589, %mul3A_18 : vector<16xi32>
    %swap3A_591 = arith.constant 4 : i32
    %swap3A_592 = arith.index_cast %swap3A_591 : i32 to index
    %swap3A_593 = arith.index_cast %mul3A_584 : i32 to index
    %swap3A_594 = tpu.vector_load %arg5[%swap3A_592, %swap3A_593] {strides = array<i32>} : memref<16x128xi32, #tpu.memory_space<vmem>>, vector<1x16xi32>,
    %swap3A_595 = vector.shape_cast %swap3A_594 : vector<1x16xi32> to vector<16xi32>
    %swap3A_596 = vector.shape_cast %add3A_590 : vector<16xi32> to vector<1x16xi32>
    tpu.vector_store %arg5[%swap3A_592, %swap3A_593], %swap3A_596 {strides = array<i32>} : memref<16x128xi32, #tpu.memory_space<vmem>>, vector<1x16xi32>,
    %scan3A_597 = arith.constant 3 : i32
    %mul3A_598 = arith.constant 16 : i32
    %mul3A_599 = arith.muli %scan3A_597, %mul3A_598 : i32
    %get3A_600 = arith.constant 4 : i32
    %get3A_601 = arith.index_cast %get3A_600 : i32 to index
    %get3A_602 = arith.index_cast %mul3A_599 : i32 to index
    %get3A_603 = tpu.vector_load %arg5[%get3A_601, %get3A_602] {strides = array<i32>} : memref<16x128xi32, #tpu.memory_space<vmem>>, vector<1x16xi32>,
    %get3A_604 = vector.shape_cast %get3A_603 : vector<1x16xi32> to vector<16xi32>
    %add3A_605 = arith.addi %get3A_604, %mul3A_18 : vector<16xi32>
    %swap3A_606 = arith.constant 4 : i32
    %swap3A_607 = arith.index_cast %swap3A_606 : i32 to index
    %swap3A_608 = arith.index_cast %mul3A_599 : i32 to index
    %swap3A_609 = tpu.vector_load %arg5[%swap3A_607, %swap3A_608] {strides = array<i32>} : memref<16x128xi32, #tpu.memory_space<vmem>>, vector<1x16xi32>,
    %swap3A_610 = vector.shape_cast %swap3A_609 : vector<1x16xi32> to vector<16xi32>
    %swap3A_611 = vector.shape_cast %add3A_605 : vector<16xi32> to vector<1x16xi32>
    tpu.vector_store %arg5[%swap3A_607, %swap3A_608], %swap3A_611 {strides = array<i32>} : memref<16x128xi32, #tpu.memory_space<vmem>>, vector<1x16xi32>,
    %scan3A_612 = arith.constant 4 : i32
    %mul3A_613 = arith.constant 16 : i32
    %mul3A_614 = arith.muli %scan3A_612, %mul3A_613 : i32
    %get3A_615 = arith.constant 4 : i32
    %get3A_616 = arith.index_cast %get3A_615 : i32 to index
    %get3A_617 = arith.index_cast %mul3A_614 : i32 to index
    %get3A_618 = tpu.vector_load %arg5[%get3A_616, %get3A_617] {strides = array<i32>} : memref<16x128xi32, #tpu.memory_space<vmem>>, vector<1x16xi32>,
    %get3A_619 = vector.shape_cast %get3A_618 : vector<1x16xi32> to vector<16xi32>
    %add3A_620 = arith.addi %get3A_619, %mul3A_18 : vector<16xi32>
    %swap3A_621 = arith.constant 4 : i32
    %swap3A_622 = arith.index_cast %swap3A_621 : i32 to index
    %swap3A_623 = arith.index_cast %mul3A_614 : i32 to index
    %swap3A_624 = tpu.vector_load %arg5[%swap3A_622, %swap3A_623] {strides = array<i32>} : memref<16x128xi32, #tpu.memory_space<vmem>>, vector<1x16xi32>,
    %swap3A_625 = vector.shape_cast %swap3A_624 : vector<1x16xi32> to vector<16xi32>
    %swap3A_626 = vector.shape_cast %add3A_620 : vector<16xi32> to vector<1x16xi32>
    tpu.vector_store %arg5[%swap3A_622, %swap3A_623], %swap3A_626 {strides = array<i32>} : memref<16x128xi32, #tpu.memory_space<vmem>>, vector<1x16xi32>,
    %scan3A_627 = arith.constant 5 : i32
    %mul3A_628 = arith.constant 16 : i32
    %mul3A_629 = arith.muli %scan3A_627, %mul3A_628 : i32
    %get3A_630 = arith.constant 4 : i32
    %get3A_631 = arith.index_cast %get3A_630 : i32 to index
    %get3A_632 = arith.index_cast %mul3A_629 : i32 to index
    %get3A_633 = tpu.vector_load %arg5[%get3A_631, %get3A_632] {strides = array<i32>} : memref<16x128xi32, #tpu.memory_space<vmem>>, vector<1x16xi32>,
    %get3A_634 = vector.shape_cast %get3A_633 : vector<1x16xi32> to vector<16xi32>
    %add3A_635 = arith.addi %get3A_634, %mul3A_18 : vector<16xi32>
    %swap3A_636 = arith.constant 4 : i32
    %swap3A_637 = arith.index_cast %swap3A_636 : i32 to index
    %swap3A_638 = arith.index_cast %mul3A_629 : i32 to index
    %swap3A_639 = tpu.vector_load %arg5[%swap3A_637, %swap3A_638] {strides = array<i32>} : memref<16x128xi32, #tpu.memory_space<vmem>>, vector<1x16xi32>,
    %swap3A_640 = vector.shape_cast %swap3A_639 : vector<1x16xi32> to vector<16xi32>
    %swap3A_641 = vector.shape_cast %add3A_635 : vector<16xi32> to vector<1x16xi32>
    tpu.vector_store %arg5[%swap3A_637, %swap3A_638], %swap3A_641 {strides = array<i32>} : memref<16x128xi32, #tpu.memory_space<vmem>>, vector<1x16xi32>,
    %scan3A_642 = arith.constant 6 : i32
    %mul3A_643 = arith.constant 16 : i32
    %mul3A_644 = arith.muli %scan3A_642, %mul3A_643 : i32
    %get3A_645 = arith.constant 4 : i32
    %get3A_646 = arith.index_cast %get3A_645 : i32 to index
    %get3A_647 = arith.index_cast %mul3A_644 : i32 to index
    %get3A_648 = tpu.vector_load %arg5[%get3A_646, %get3A_647] {strides = array<i32>} : memref<16x128xi32, #tpu.memory_space<vmem>>, vector<1x16xi32>,
    %get3A_649 = vector.shape_cast %get3A_648 : vector<1x16xi32> to vector<16xi32>
    %add3A_650 = arith.addi %get3A_649, %mul3A_18 : vector<16xi32>
    %swap3A_651 = arith.constant 4 : i32
    %swap3A_652 = arith.index_cast %swap3A_651 : i32 to index
    %swap3A_653 = arith.index_cast %mul3A_644 : i32 to index
    %swap3A_654 = tpu.vector_load %arg5[%swap3A_652, %swap3A_653] {strides = array<i32>} : memref<16x128xi32, #tpu.memory_space<vmem>>, vector<1x16xi32>,
    %swap3A_655 = vector.shape_cast %swap3A_654 : vector<1x16xi32> to vector<16xi32>
    %swap3A_656 = vector.shape_cast %add3A_650 : vector<16xi32> to vector<1x16xi32>
    tpu.vector_store %arg5[%swap3A_652, %swap3A_653], %swap3A_656 {strides = array<i32>} : memref<16x128xi32, #tpu.memory_space<vmem>>, vector<1x16xi32>,
    %scan3A_657 = arith.constant 7 : i32
    %mul3A_658 = arith.constant 16 : i32
    %mul3A_659 = arith.muli %scan3A_657, %mul3A_658 : i32
    %get3A_660 = arith.constant 4 : i32
    %get3A_661 = arith.index_cast %get3A_660 : i32 to index
    %get3A_662 = arith.index_cast %mul3A_659 : i32 to index
    %get3A_663 = tpu.vector_load %arg5[%get3A_661, %get3A_662] {strides = array<i32>} : memref<16x128xi32, #tpu.memory_space<vmem>>, vector<1x16xi32>,
    %get3A_664 = vector.shape_cast %get3A_663 : vector<1x16xi32> to vector<16xi32>
    %add3A_665 = arith.addi %get3A_664, %mul3A_18 : vector<16xi32>
    %swap3A_666 = arith.constant 4 : i32
    %swap3A_667 = arith.index_cast %swap3A_666 : i32 to index
    %swap3A_668 = arith.index_cast %mul3A_659 : i32 to index
    %swap3A_669 = tpu.vector_load %arg5[%swap3A_667, %swap3A_668] {strides = array<i32>} : memref<16x128xi32, #tpu.memory_space<vmem>>, vector<1x16xi32>,
    %swap3A_670 = vector.shape_cast %swap3A_669 : vector<1x16xi32> to vector<16xi32>
    %swap3A_671 = vector.shape_cast %add3A_665 : vector<16xi32> to vector<1x16xi32>
    tpu.vector_store %arg5[%swap3A_667, %swap3A_668], %swap3A_671 {strides = array<i32>} : memref<16x128xi32, #tpu.memory_space<vmem>>, vector<1x16xi32>,
    %scan3A_672 = arith.constant 8 : i32
    %dma_start3A_673 = arith.constant 4 : i32
    %dma_start3A_674 = arith.constant 4 : i32
    %dma_start3A_675 = arith.constant 0 : i32
    %dma_start3A_676 = arith.constant 0 : i32
    %dma_start3A_677 = tpu.memref_slice %arg6[%dma_start3A_674, %dma_start3A_675, %dma_start3A_676] : memref<16x128x32xf32, #tpu.memory_space<vmem>> -> memref<1x128x32xf32, #tpu.memory_space<vmem>>
    %dma_start3A_678 = tpu.memref_squeeze %dma_start3A_677 : memref<1x128x32xf32, #tpu.memory_space<vmem>> -> memref<128x32xf32, #tpu.memory_space<vmem>>
    %dma_start3A_679 = arith.constant 0 : i32
    %dma_start3A_680 = tpu.memref_slice %arg5[%dma_start3A_673, %dma_start3A_679] : memref<16x128xi32, #tpu.memory_space<vmem>> -> memref<1x128xi32, #tpu.memory_space<vmem>>
    %dma_start3A_681 = tpu.memref_squeeze %dma_start3A_680 : memref<1x128xi32, #tpu.memory_space<vmem>> -> memref<128xi32, #tpu.memory_space<vmem>>
    %dma_start3A_682 = arith.constant 0 : i32
    %dma_start3A_683 = arith.constant 0 : i32
    %dma_start3A_684 = tpu.memref_slice %arg3[%dma_start3A_682, %dma_start3A_683] : memref<400000x32xf32, #tpu.memory_space<hbm>> -> memref<400000x32xf32, #tpu.memory_space<hbm>>
    tpu.enqueue_indirect_dma source(%dma_start3A_684 : memref<400000x32xf32, #tpu.memory_space<hbm>>) target(%dma_start3A_678 : memref<128x32xf32, #tpu.memory_space<vmem>>) offsets(%dma_start3A_681 : memref<128xi32, #tpu.memory_space<vmem>>) semaphore(%arg7 : memref<!tpu.dma_semaphore, #tpu.memory_space<semaphore_mem>>)
    %scan3A_685 = arith.constant 0 : i32
    %scan3A_686 = arith.constant 0 : i32
    %mul3A_687 = arith.constant 16 : i32
    %mul3A_688 = arith.muli %scan3A_686, %mul3A_687 : i32
    %get3A_689 = arith.constant 5 : i32
    %get3A_690 = arith.index_cast %get3A_689 : i32 to index
    %get3A_691 = arith.index_cast %mul3A_688 : i32 to index
    %get3A_692 = tpu.vector_load %arg5[%get3A_690, %get3A_691] {strides = array<i32>} : memref<16x128xi32, #tpu.memory_space<vmem>>, vector<1x16xi32>,
    %get3A_693 = vector.shape_cast %get3A_692 : vector<1x16xi32> to vector<16xi32>
    %add3A_694 = arith.addi %get3A_693, %mul3A_18 : vector<16xi32>
    %swap3A_695 = arith.constant 5 : i32
    %swap3A_696 = arith.index_cast %swap3A_695 : i32 to index
    %swap3A_697 = arith.index_cast %mul3A_688 : i32 to index
    %swap3A_698 = tpu.vector_load %arg5[%swap3A_696, %swap3A_697] {strides = array<i32>} : memref<16x128xi32, #tpu.memory_space<vmem>>, vector<1x16xi32>,
    %swap3A_699 = vector.shape_cast %swap3A_698 : vector<1x16xi32> to vector<16xi32>
    %swap3A_700 = vector.shape_cast %add3A_694 : vector<16xi32> to vector<1x16xi32>
    tpu.vector_store %arg5[%swap3A_696, %swap3A_697], %swap3A_700 {strides = array<i32>} : memref<16x128xi32, #tpu.memory_space<vmem>>, vector<1x16xi32>,
    %scan3A_701 = arith.constant 1 : i32
    %mul3A_702 = arith.constant 16 : i32
    %mul3A_703 = arith.muli %scan3A_701, %mul3A_702 : i32
    %get3A_704 = arith.constant 5 : i32
    %get3A_705 = arith.index_cast %get3A_704 : i32 to index
    %get3A_706 = arith.index_cast %mul3A_703 : i32 to index
    %get3A_707 = tpu.vector_load %arg5[%get3A_705, %get3A_706] {strides = array<i32>} : memref<16x128xi32, #tpu.memory_space<vmem>>, vector<1x16xi32>,
    %get3A_708 = vector.shape_cast %get3A_707 : vector<1x16xi32> to vector<16xi32>
    %add3A_709 = arith.addi %get3A_708, %mul3A_18 : vector<16xi32>
    %swap3A_710 = arith.constant 5 : i32
    %swap3A_711 = arith.index_cast %swap3A_710 : i32 to index
    %swap3A_712 = arith.index_cast %mul3A_703 : i32 to index
    %swap3A_713 = tpu.vector_load %arg5[%swap3A_711, %swap3A_712] {strides = array<i32>} : memref<16x128xi32, #tpu.memory_space<vmem>>, vector<1x16xi32>,
    %swap3A_714 = vector.shape_cast %swap3A_713 : vector<1x16xi32> to vector<16xi32>
    %swap3A_715 = vector.shape_cast %add3A_709 : vector<16xi32> to vector<1x16xi32>
    tpu.vector_store %arg5[%swap3A_711, %swap3A_712], %swap3A_715 {strides = array<i32>} : memref<16x128xi32, #tpu.memory_space<vmem>>, vector<1x16xi32>,
    %scan3A_716 = arith.constant 2 : i32
    %mul3A_717 = arith.constant 16 : i32
    %mul3A_718 = arith.muli %scan3A_716, %mul3A_717 : i32
    %get3A_719 = arith.constant 5 : i32
    %get3A_720 = arith.index_cast %get3A_719 : i32 to index
    %get3A_721 = arith.index_cast %mul3A_718 : i32 to index
    %get3A_722 = tpu.vector_load %arg5[%get3A_720, %get3A_721] {strides = array<i32>} : memref<16x128xi32, #tpu.memory_space<vmem>>, vector<1x16xi32>,
    %get3A_723 = vector.shape_cast %get3A_722 : vector<1x16xi32> to vector<16xi32>
    %add3A_724 = arith.addi %get3A_723, %mul3A_18 : vector<16xi32>
    %swap3A_725 = arith.constant 5 : i32
    %swap3A_726 = arith.index_cast %swap3A_725 : i32 to index
    %swap3A_727 = arith.index_cast %mul3A_718 : i32 to index
    %swap3A_728 = tpu.vector_load %arg5[%swap3A_726, %swap3A_727] {strides = array<i32>} : memref<16x128xi32, #tpu.memory_space<vmem>>, vector<1x16xi32>,
    %swap3A_729 = vector.shape_cast %swap3A_728 : vector<1x16xi32> to vector<16xi32>
    %swap3A_730 = vector.shape_cast %add3A_724 : vector<16xi32> to vector<1x16xi32>
    tpu.vector_store %arg5[%swap3A_726, %swap3A_727], %swap3A_730 {strides = array<i32>} : memref<16x128xi32, #tpu.memory_space<vmem>>, vector<1x16xi32>,
    %scan3A_731 = arith.constant 3 : i32
    %mul3A_732 = arith.constant 16 : i32
    %mul3A_733 = arith.muli %scan3A_731, %mul3A_732 : i32
    %get3A_734 = arith.constant 5 : i32
    %get3A_735 = arith.index_cast %get3A_734 : i32 to index
    %get3A_736 = arith.index_cast %mul3A_733 : i32 to index
    %get3A_737 = tpu.vector_load %arg5[%get3A_735, %get3A_736] {strides = array<i32>} : memref<16x128xi32, #tpu.memory_space<vmem>>, vector<1x16xi32>,
    %get3A_738 = vector.shape_cast %get3A_737 : vector<1x16xi32> to vector<16xi32>
    %add3A_739 = arith.addi %get3A_738, %mul3A_18 : vector<16xi32>
    %swap3A_740 = arith.constant 5 : i32
    %swap3A_741 = arith.index_cast %swap3A_740 : i32 to index
    %swap3A_742 = arith.index_cast %mul3A_733 : i32 to index
    %swap3A_743 = tpu.vector_load %arg5[%swap3A_741, %swap3A_742] {strides = array<i32>} : memref<16x128xi32, #tpu.memory_space<vmem>>, vector<1x16xi32>,
    %swap3A_744 = vector.shape_cast %swap3A_743 : vector<1x16xi32> to vector<16xi32>
    %swap3A_745 = vector.shape_cast %add3A_739 : vector<16xi32> to vector<1x16xi32>
    tpu.vector_store %arg5[%swap3A_741, %swap3A_742], %swap3A_745 {strides = array<i32>} : memref<16x128xi32, #tpu.memory_space<vmem>>, vector<1x16xi32>,
    %scan3A_746 = arith.constant 4 : i32
    %mul3A_747 = arith.constant 16 : i32
    %mul3A_748 = arith.muli %scan3A_746, %mul3A_747 : i32
    %get3A_749 = arith.constant 5 : i32
    %get3A_750 = arith.index_cast %get3A_749 : i32 to index
    %get3A_751 = arith.index_cast %mul3A_748 : i32 to index
    %get3A_752 = tpu.vector_load %arg5[%get3A_750, %get3A_751] {strides = array<i32>} : memref<16x128xi32, #tpu.memory_space<vmem>>, vector<1x16xi32>,
    %get3A_753 = vector.shape_cast %get3A_752 : vector<1x16xi32> to vector<16xi32>
    %add3A_754 = arith.addi %get3A_753, %mul3A_18 : vector<16xi32>
    %swap3A_755 = arith.constant 5 : i32
    %swap3A_756 = arith.index_cast %swap3A_755 : i32 to index
    %swap3A_757 = arith.index_cast %mul3A_748 : i32 to index
    %swap3A_758 = tpu.vector_load %arg5[%swap3A_756, %swap3A_757] {strides = array<i32>} : memref<16x128xi32, #tpu.memory_space<vmem>>, vector<1x16xi32>,
    %swap3A_759 = vector.shape_cast %swap3A_758 : vector<1x16xi32> to vector<16xi32>
    %swap3A_760 = vector.shape_cast %add3A_754 : vector<16xi32> to vector<1x16xi32>
    tpu.vector_store %arg5[%swap3A_756, %swap3A_757], %swap3A_760 {strides = array<i32>} : memref<16x128xi32, #tpu.memory_space<vmem>>, vector<1x16xi32>,
    %scan3A_761 = arith.constant 5 : i32
    %mul3A_762 = arith.constant 16 : i32
    %mul3A_763 = arith.muli %scan3A_761, %mul3A_762 : i32
    %get3A_764 = arith.constant 5 : i32
    %get3A_765 = arith.index_cast %get3A_764 : i32 to index
    %get3A_766 = arith.index_cast %mul3A_763 : i32 to index
    %get3A_767 = tpu.vector_load %arg5[%get3A_765, %get3A_766] {strides = array<i32>} : memref<16x128xi32, #tpu.memory_space<vmem>>, vector<1x16xi32>,
    %get3A_768 = vector.shape_cast %get3A_767 : vector<1x16xi32> to vector<16xi32>
    %add3A_769 = arith.addi %get3A_768, %mul3A_18 : vector<16xi32>
    %swap3A_770 = arith.constant 5 : i32
    %swap3A_771 = arith.index_cast %swap3A_770 : i32 to index
    %swap3A_772 = arith.index_cast %mul3A_763 : i32 to index
    %swap3A_773 = tpu.vector_load %arg5[%swap3A_771, %swap3A_772] {strides = array<i32>} : memref<16x128xi32, #tpu.memory_space<vmem>>, vector<1x16xi32>,
    %swap3A_774 = vector.shape_cast %swap3A_773 : vector<1x16xi32> to vector<16xi32>
    %swap3A_775 = vector.shape_cast %add3A_769 : vector<16xi32> to vector<1x16xi32>
    tpu.vector_store %arg5[%swap3A_771, %swap3A_772], %swap3A_775 {strides = array<i32>} : memref<16x128xi32, #tpu.memory_space<vmem>>, vector<1x16xi32>,
    %scan3A_776 = arith.constant 6 : i32
    %mul3A_777 = arith.constant 16 : i32
    %mul3A_778 = arith.muli %scan3A_776, %mul3A_777 : i32
    %get3A_779 = arith.constant 5 : i32
    %get3A_780 = arith.index_cast %get3A_779 : i32 to index
    %get3A_781 = arith.index_cast %mul3A_778 : i32 to index
    %get3A_782 = tpu.vector_load %arg5[%get3A_780, %get3A_781] {strides = array<i32>} : memref<16x128xi32, #tpu.memory_space<vmem>>, vector<1x16xi32>,
    %get3A_783 = vector.shape_cast %get3A_782 : vector<1x16xi32> to vector<16xi32>
    %add3A_784 = arith.addi %get3A_783, %mul3A_18 : vector<16xi32>
    %swap3A_785 = arith.constant 5 : i32
    %swap3A_786 = arith.index_cast %swap3A_785 : i32 to index
    %swap3A_787 = arith.index_cast %mul3A_778 : i32 to index
    %swap3A_788 = tpu.vector_load %arg5[%swap3A_786, %swap3A_787] {strides = array<i32>} : memref<16x128xi32, #tpu.memory_space<vmem>>, vector<1x16xi32>,
    %swap3A_789 = vector.shape_cast %swap3A_788 : vector<1x16xi32> to vector<16xi32>
    %swap3A_790 = vector.shape_cast %add3A_784 : vector<16xi32> to vector<1x16xi32>
    tpu.vector_store %arg5[%swap3A_786, %swap3A_787], %swap3A_790 {strides = array<i32>} : memref<16x128xi32, #tpu.memory_space<vmem>>, vector<1x16xi32>,
    %scan3A_791 = arith.constant 7 : i32
    %mul3A_792 = arith.constant 16 : i32
    %mul3A_793 = arith.muli %scan3A_791, %mul3A_792 : i32
    %get3A_794 = arith.constant 5 : i32
    %get3A_795 = arith.index_cast %get3A_794 : i32 to index
    %get3A_796 = arith.index_cast %mul3A_793 : i32 to index
    %get3A_797 = tpu.vector_load %arg5[%get3A_795, %get3A_796] {strides = array<i32>} : memref<16x128xi32, #tpu.memory_space<vmem>>, vector<1x16xi32>,
    %get3A_798 = vector.shape_cast %get3A_797 : vector<1x16xi32> to vector<16xi32>
    %add3A_799 = arith.addi %get3A_798, %mul3A_18 : vector<16xi32>
    %swap3A_800 = arith.constant 5 : i32
    %swap3A_801 = arith.index_cast %swap3A_800 : i32 to index
    %swap3A_802 = arith.index_cast %mul3A_793 : i32 to index
    %swap3A_803 = tpu.vector_load %arg5[%swap3A_801, %swap3A_802] {strides = array<i32>} : memref<16x128xi32, #tpu.memory_space<vmem>>, vector<1x16xi32>,
    %swap3A_804 = vector.shape_cast %swap3A_803 : vector<1x16xi32> to vector<16xi32>
    %swap3A_805 = vector.shape_cast %add3A_799 : vector<16xi32> to vector<1x16xi32>
    tpu.vector_store %arg5[%swap3A_801, %swap3A_802], %swap3A_805 {strides = array<i32>} : memref<16x128xi32, #tpu.memory_space<vmem>>, vector<1x16xi32>,
    %scan3A_806 = arith.constant 8 : i32
    %dma_start3A_807 = arith.constant 5 : i32
    %dma_start3A_808 = arith.constant 5 : i32
    %dma_start3A_809 = arith.constant 0 : i32
    %dma_start3A_810 = arith.constant 0 : i32
    %dma_start3A_811 = tpu.memref_slice %arg6[%dma_start3A_808, %dma_start3A_809, %dma_start3A_810] : memref<16x128x32xf32, #tpu.memory_space<vmem>> -> memref<1x128x32xf32, #tpu.memory_space<vmem>>
    %dma_start3A_812 = tpu.memref_squeeze %dma_start3A_811 : memref<1x128x32xf32, #tpu.memory_space<vmem>> -> memref<128x32xf32, #tpu.memory_space<vmem>>
    %dma_start3A_813 = arith.constant 0 : i32
    %dma_start3A_814 = tpu.memref_slice %arg5[%dma_start3A_807, %dma_start3A_813] : memref<16x128xi32, #tpu.memory_space<vmem>> -> memref<1x128xi32, #tpu.memory_space<vmem>>
    %dma_start3A_815 = tpu.memref_squeeze %dma_start3A_814 : memref<1x128xi32, #tpu.memory_space<vmem>> -> memref<128xi32, #tpu.memory_space<vmem>>
    %dma_start3A_816 = arith.constant 0 : i32
    %dma_start3A_817 = arith.constant 0 : i32
    %dma_start3A_818 = tpu.memref_slice %arg3[%dma_start3A_816, %dma_start3A_817] : memref<400000x32xf32, #tpu.memory_space<hbm>> -> memref<400000x32xf32, #tpu.memory_space<hbm>>
    tpu.enqueue_indirect_dma source(%dma_start3A_818 : memref<400000x32xf32, #tpu.memory_space<hbm>>) target(%dma_start3A_812 : memref<128x32xf32, #tpu.memory_space<vmem>>) offsets(%dma_start3A_815 : memref<128xi32, #tpu.memory_space<vmem>>) semaphore(%arg7 : memref<!tpu.dma_semaphore, #tpu.memory_space<semaphore_mem>>)
    %scan3A_819 = arith.constant 0 : i32
    %scan3A_820 = arith.constant 0 : i32
    %mul3A_821 = arith.constant 16 : i32
    %mul3A_822 = arith.muli %scan3A_820, %mul3A_821 : i32
    %get3A_823 = arith.constant 6 : i32
    %get3A_824 = arith.index_cast %get3A_823 : i32 to index
    %get3A_825 = arith.index_cast %mul3A_822 : i32 to index
    %get3A_826 = tpu.vector_load %arg5[%get3A_824, %get3A_825] {strides = array<i32>} : memref<16x128xi32, #tpu.memory_space<vmem>>, vector<1x16xi32>,
    %get3A_827 = vector.shape_cast %get3A_826 : vector<1x16xi32> to vector<16xi32>
    %add3A_828 = arith.addi %get3A_827, %mul3A_18 : vector<16xi32>
    %swap3A_829 = arith.constant 6 : i32
    %swap3A_830 = arith.index_cast %swap3A_829 : i32 to index
    %swap3A_831 = arith.index_cast %mul3A_822 : i32 to index
    %swap3A_832 = tpu.vector_load %arg5[%swap3A_830, %swap3A_831] {strides = array<i32>} : memref<16x128xi32, #tpu.memory_space<vmem>>, vector<1x16xi32>,
    %swap3A_833 = vector.shape_cast %swap3A_832 : vector<1x16xi32> to vector<16xi32>
    %swap3A_834 = vector.shape_cast %add3A_828 : vector<16xi32> to vector<1x16xi32>
    tpu.vector_store %arg5[%swap3A_830, %swap3A_831], %swap3A_834 {strides = array<i32>} : memref<16x128xi32, #tpu.memory_space<vmem>>, vector<1x16xi32>,
    %scan3A_835 = arith.constant 1 : i32
    %mul3A_836 = arith.constant 16 : i32
    %mul3A_837 = arith.muli %scan3A_835, %mul3A_836 : i32
    %get3A_838 = arith.constant 6 : i32
    %get3A_839 = arith.index_cast %get3A_838 : i32 to index
    %get3A_840 = arith.index_cast %mul3A_837 : i32 to index
    %get3A_841 = tpu.vector_load %arg5[%get3A_839, %get3A_840] {strides = array<i32>} : memref<16x128xi32, #tpu.memory_space<vmem>>, vector<1x16xi32>,
    %get3A_842 = vector.shape_cast %get3A_841 : vector<1x16xi32> to vector<16xi32>
    %add3A_843 = arith.addi %get3A_842, %mul3A_18 : vector<16xi32>
    %swap3A_844 = arith.constant 6 : i32
    %swap3A_845 = arith.index_cast %swap3A_844 : i32 to index
    %swap3A_846 = arith.index_cast %mul3A_837 : i32 to index
    %swap3A_847 = tpu.vector_load %arg5[%swap3A_845, %swap3A_846] {strides = array<i32>} : memref<16x128xi32, #tpu.memory_space<vmem>>, vector<1x16xi32>,
    %swap3A_848 = vector.shape_cast %swap3A_847 : vector<1x16xi32> to vector<16xi32>
    %swap3A_849 = vector.shape_cast %add3A_843 : vector<16xi32> to vector<1x16xi32>
    tpu.vector_store %arg5[%swap3A_845, %swap3A_846], %swap3A_849 {strides = array<i32>} : memref<16x128xi32, #tpu.memory_space<vmem>>, vector<1x16xi32>,
    %scan3A_850 = arith.constant 2 : i32
    %mul3A_851 = arith.constant 16 : i32
    %mul3A_852 = arith.muli %scan3A_850, %mul3A_851 : i32
    %get3A_853 = arith.constant 6 : i32
    %get3A_854 = arith.index_cast %get3A_853 : i32 to index
    %get3A_855 = arith.index_cast %mul3A_852 : i32 to index
    %get3A_856 = tpu.vector_load %arg5[%get3A_854, %get3A_855] {strides = array<i32>} : memref<16x128xi32, #tpu.memory_space<vmem>>, vector<1x16xi32>,
    %get3A_857 = vector.shape_cast %get3A_856 : vector<1x16xi32> to vector<16xi32>
    %add3A_858 = arith.addi %get3A_857, %mul3A_18 : vector<16xi32>
    %swap3A_859 = arith.constant 6 : i32
    %swap3A_860 = arith.index_cast %swap3A_859 : i32 to index
    %swap3A_861 = arith.index_cast %mul3A_852 : i32 to index
    %swap3A_862 = tpu.vector_load %arg5[%swap3A_860, %swap3A_861] {strides = array<i32>} : memref<16x128xi32, #tpu.memory_space<vmem>>, vector<1x16xi32>,
    %swap3A_863 = vector.shape_cast %swap3A_862 : vector<1x16xi32> to vector<16xi32>
    %swap3A_864 = vector.shape_cast %add3A_858 : vector<16xi32> to vector<1x16xi32>
    tpu.vector_store %arg5[%swap3A_860, %swap3A_861], %swap3A_864 {strides = array<i32>} : memref<16x128xi32, #tpu.memory_space<vmem>>, vector<1x16xi32>,
    %scan3A_865 = arith.constant 3 : i32
    %mul3A_866 = arith.constant 16 : i32
    %mul3A_867 = arith.muli %scan3A_865, %mul3A_866 : i32
    %get3A_868 = arith.constant 6 : i32
    %get3A_869 = arith.index_cast %get3A_868 : i32 to index
    %get3A_870 = arith.index_cast %mul3A_867 : i32 to index
    %get3A_871 = tpu.vector_load %arg5[%get3A_869, %get3A_870] {strides = array<i32>} : memref<16x128xi32, #tpu.memory_space<vmem>>, vector<1x16xi32>,
    %get3A_872 = vector.shape_cast %get3A_871 : vector<1x16xi32> to vector<16xi32>
    %add3A_873 = arith.addi %get3A_872, %mul3A_18 : vector<16xi32>
    %swap3A_874 = arith.constant 6 : i32
    %swap3A_875 = arith.index_cast %swap3A_874 : i32 to index
    %swap3A_876 = arith.index_cast %mul3A_867 : i32 to index
    %swap3A_877 = tpu.vector_load %arg5[%swap3A_875, %swap3A_876] {strides = array<i32>} : memref<16x128xi32, #tpu.memory_space<vmem>>, vector<1x16xi32>,
    %swap3A_878 = vector.shape_cast %swap3A_877 : vector<1x16xi32> to vector<16xi32>
    %swap3A_879 = vector.shape_cast %add3A_873 : vector<16xi32> to vector<1x16xi32>
    tpu.vector_store %arg5[%swap3A_875, %swap3A_876], %swap3A_879 {strides = array<i32>} : memref<16x128xi32, #tpu.memory_space<vmem>>, vector<1x16xi32>,
    %scan3A_880 = arith.constant 4 : i32
    %mul3A_881 = arith.constant 16 : i32
    %mul3A_882 = arith.muli %scan3A_880, %mul3A_881 : i32
    %get3A_883 = arith.constant 6 : i32
    %get3A_884 = arith.index_cast %get3A_883 : i32 to index
    %get3A_885 = arith.index_cast %mul3A_882 : i32 to index
    %get3A_886 = tpu.vector_load %arg5[%get3A_884, %get3A_885] {strides = array<i32>} : memref<16x128xi32, #tpu.memory_space<vmem>>, vector<1x16xi32>,
    %get3A_887 = vector.shape_cast %get3A_886 : vector<1x16xi32> to vector<16xi32>
    %add3A_888 = arith.addi %get3A_887, %mul3A_18 : vector<16xi32>
    %swap3A_889 = arith.constant 6 : i32
    %swap3A_890 = arith.index_cast %swap3A_889 : i32 to index
    %swap3A_891 = arith.index_cast %mul3A_882 : i32 to index
    %swap3A_892 = tpu.vector_load %arg5[%swap3A_890, %swap3A_891] {strides = array<i32>} : memref<16x128xi32, #tpu.memory_space<vmem>>, vector<1x16xi32>,
    %swap3A_893 = vector.shape_cast %swap3A_892 : vector<1x16xi32> to vector<16xi32>
    %swap3A_894 = vector.shape_cast %add3A_888 : vector<16xi32> to vector<1x16xi32>
    tpu.vector_store %arg5[%swap3A_890, %swap3A_891], %swap3A_894 {strides = array<i32>} : memref<16x128xi32, #tpu.memory_space<vmem>>, vector<1x16xi32>,
    %scan3A_895 = arith.constant 5 : i32
    %mul3A_896 = arith.constant 16 : i32
    %mul3A_897 = arith.muli %scan3A_895, %mul3A_896 : i32
    %get3A_898 = arith.constant 6 : i32
    %get3A_899 = arith.index_cast %get3A_898 : i32 to index
    %get3A_900 = arith.index_cast %mul3A_897 : i32 to index
    %get3A_901 = tpu.vector_load %arg5[%get3A_899, %get3A_900] {strides = array<i32>} : memref<16x128xi32, #tpu.memory_space<vmem>>, vector<1x16xi32>,
    %get3A_902 = vector.shape_cast %get3A_901 : vector<1x16xi32> to vector<16xi32>
    %add3A_903 = arith.addi %get3A_902, %mul3A_18 : vector<16xi32>
    %swap3A_904 = arith.constant 6 : i32
    %swap3A_905 = arith.index_cast %swap3A_904 : i32 to index
    %swap3A_906 = arith.index_cast %mul3A_897 : i32 to index
    %swap3A_907 = tpu.vector_load %arg5[%swap3A_905, %swap3A_906] {strides = array<i32>} : memref<16x128xi32, #tpu.memory_space<vmem>>, vector<1x16xi32>,
    %swap3A_908 = vector.shape_cast %swap3A_907 : vector<1x16xi32> to vector<16xi32>
    %swap3A_909 = vector.shape_cast %add3A_903 : vector<16xi32> to vector<1x16xi32>
    tpu.vector_store %arg5[%swap3A_905, %swap3A_906], %swap3A_909 {strides = array<i32>} : memref<16x128xi32, #tpu.memory_space<vmem>>, vector<1x16xi32>,
    %scan3A_910 = arith.constant 6 : i32
    %mul3A_911 = arith.constant 16 : i32
    %mul3A_912 = arith.muli %scan3A_910, %mul3A_911 : i32
    %get3A_913 = arith.constant 6 : i32
    %get3A_914 = arith.index_cast %get3A_913 : i32 to index
    %get3A_915 = arith.index_cast %mul3A_912 : i32 to index
    %get3A_916 = tpu.vector_load %arg5[%get3A_914, %get3A_915] {strides = array<i32>} : memref<16x128xi32, #tpu.memory_space<vmem>>, vector<1x16xi32>,
    %get3A_917 = vector.shape_cast %get3A_916 : vector<1x16xi32> to vector<16xi32>
    %add3A_918 = arith.addi %get3A_917, %mul3A_18 : vector<16xi32>
    %swap3A_919 = arith.constant 6 : i32
    %swap3A_920 = arith.index_cast %swap3A_919 : i32 to index
    %swap3A_921 = arith.index_cast %mul3A_912 : i32 to index
    %swap3A_922 = tpu.vector_load %arg5[%swap3A_920, %swap3A_921] {strides = array<i32>} : memref<16x128xi32, #tpu.memory_space<vmem>>, vector<1x16xi32>,
    %swap3A_923 = vector.shape_cast %swap3A_922 : vector<1x16xi32> to vector<16xi32>
    %swap3A_924 = vector.shape_cast %add3A_918 : vector<16xi32> to vector<1x16xi32>
    tpu.vector_store %arg5[%swap3A_920, %swap3A_921], %swap3A_924 {strides = array<i32>} : memref<16x128xi32, #tpu.memory_space<vmem>>, vector<1x16xi32>,
    %scan3A_925 = arith.constant 7 : i32
    %mul3A_926 = arith.constant 16 : i32
    %mul3A_927 = arith.muli %scan3A_925, %mul3A_926 : i32
    %get3A_928 = arith.constant 6 : i32
    %get3A_929 = arith.index_cast %get3A_928 : i32 to index
    %get3A_930 = arith.index_cast %mul3A_927 : i32 to index
    %get3A_931 = tpu.vector_load %arg5[%get3A_929, %get3A_930] {strides = array<i32>} : memref<16x128xi32, #tpu.memory_space<vmem>>, vector<1x16xi32>,
    %get3A_932 = vector.shape_cast %get3A_931 : vector<1x16xi32> to vector<16xi32>
    %add3A_933 = arith.addi %get3A_932, %mul3A_18 : vector<16xi32>
    %swap3A_934 = arith.constant 6 : i32
    %swap3A_935 = arith.index_cast %swap3A_934 : i32 to index
    %swap3A_936 = arith.index_cast %mul3A_927 : i32 to index
    %swap3A_937 = tpu.vector_load %arg5[%swap3A_935, %swap3A_936] {strides = array<i32>} : memref<16x128xi32, #tpu.memory_space<vmem>>, vector<1x16xi32>,
    %swap3A_938 = vector.shape_cast %swap3A_937 : vector<1x16xi32> to vector<16xi32>
    %swap3A_939 = vector.shape_cast %add3A_933 : vector<16xi32> to vector<1x16xi32>
    tpu.vector_store %arg5[%swap3A_935, %swap3A_936], %swap3A_939 {strides = array<i32>} : memref<16x128xi32, #tpu.memory_space<vmem>>, vector<1x16xi32>,
    %scan3A_940 = arith.constant 8 : i32
    %dma_start3A_941 = arith.constant 6 : i32
    %dma_start3A_942 = arith.constant 6 : i32
    %dma_start3A_943 = arith.constant 0 : i32
    %dma_start3A_944 = arith.constant 0 : i32
    %dma_start3A_945 = tpu.memref_slice %arg6[%dma_start3A_942, %dma_start3A_943, %dma_start3A_944] : memref<16x128x32xf32, #tpu.memory_space<vmem>> -> memref<1x128x32xf32, #tpu.memory_space<vmem>>
    %dma_start3A_946 = tpu.memref_squeeze %dma_start3A_945 : memref<1x128x32xf32, #tpu.memory_space<vmem>> -> memref<128x32xf32, #tpu.memory_space<vmem>>
    %dma_start3A_947 = arith.constant 0 : i32
    %dma_start3A_948 = tpu.memref_slice %arg5[%dma_start3A_941, %dma_start3A_947] : memref<16x128xi32, #tpu.memory_space<vmem>> -> memref<1x128xi32, #tpu.memory_space<vmem>>
    %dma_start3A_949 = tpu.memref_squeeze %dma_start3A_948 : memref<1x128xi32, #tpu.memory_space<vmem>> -> memref<128xi32, #tpu.memory_space<vmem>>
    %dma_start3A_950 = arith.constant 0 : i32
    %dma_start3A_951 = arith.constant 0 : i32
    %dma_start3A_952 = tpu.memref_slice %arg3[%dma_start3A_950, %dma_start3A_951] : memref<400000x32xf32, #tpu.memory_space<hbm>> -> memref<400000x32xf32, #tpu.memory_space<hbm>>
    tpu.enqueue_indirect_dma source(%dma_start3A_952 : memref<400000x32xf32, #tpu.memory_space<hbm>>) target(%dma_start3A_946 : memref<128x32xf32, #tpu.memory_space<vmem>>) offsets(%dma_start3A_949 : memref<128xi32, #tpu.memory_space<vmem>>) semaphore(%arg7 : memref<!tpu.dma_semaphore, #tpu.memory_space<semaphore_mem>>)
    %scan3A_953 = arith.constant 0 : i32
    %scan3A_954 = arith.constant 0 : i32
    %mul3A_955 = arith.constant 16 : i32
    %mul3A_956 = arith.muli %scan3A_954, %mul3A_955 : i32
    %get3A_957 = arith.constant 7 : i32
    %get3A_958 = arith.index_cast %get3A_957 : i32 to index
    %get3A_959 = arith.index_cast %mul3A_956 : i32 to index
    %get3A_960 = tpu.vector_load %arg5[%get3A_958, %get3A_959] {strides = array<i32>} : memref<16x128xi32, #tpu.memory_space<vmem>>, vector<1x16xi32>,
    %get3A_961 = vector.shape_cast %get3A_960 : vector<1x16xi32> to vector<16xi32>
    %add3A_962 = arith.addi %get3A_961, %mul3A_18 : vector<16xi32>
    %swap3A_963 = arith.constant 7 : i32
    %swap3A_964 = arith.index_cast %swap3A_963 : i32 to index
    %swap3A_965 = arith.index_cast %mul3A_956 : i32 to index
    %swap3A_966 = tpu.vector_load %arg5[%swap3A_964, %swap3A_965] {strides = array<i32>} : memref<16x128xi32, #tpu.memory_space<vmem>>, vector<1x16xi32>,
    %swap3A_967 = vector.shape_cast %swap3A_966 : vector<1x16xi32> to vector<16xi32>
    %swap3A_968 = vector.shape_cast %add3A_962 : vector<16xi32> to vector<1x16xi32>
    tpu.vector_store %arg5[%swap3A_964, %swap3A_965], %swap3A_968 {strides = array<i32>} : memref<16x128xi32, #tpu.memory_space<vmem>>, vector<1x16xi32>,
    %scan3A_969 = arith.constant 1 : i32
    %mul3A_970 = arith.constant 16 : i32
    %mul3A_971 = arith.muli %scan3A_969, %mul3A_970 : i32
    %get3A_972 = arith.constant 7 : i32
    %get3A_973 = arith.index_cast %get3A_972 : i32 to index
    %get3A_974 = arith.index_cast %mul3A_971 : i32 to index
    %get3A_975 = tpu.vector_load %arg5[%get3A_973, %get3A_974] {strides = array<i32>} : memref<16x128xi32, #tpu.memory_space<vmem>>, vector<1x16xi32>,
    %get3A_976 = vector.shape_cast %get3A_975 : vector<1x16xi32> to vector<16xi32>
    %add3A_977 = arith.addi %get3A_976, %mul3A_18 : vector<16xi32>
    %swap3A_978 = arith.constant 7 : i32
    %swap3A_979 = arith.index_cast %swap3A_978 : i32 to index
    %swap3A_980 = arith.index_cast %mul3A_971 : i32 to index
    %swap3A_981 = tpu.vector_load %arg5[%swap3A_979, %swap3A_980] {strides = array<i32>} : memref<16x128xi32, #tpu.memory_space<vmem>>, vector<1x16xi32>,
    %swap3A_982 = vector.shape_cast %swap3A_981 : vector<1x16xi32> to vector<16xi32>
    %swap3A_983 = vector.shape_cast %add3A_977 : vector<16xi32> to vector<1x16xi32>
    tpu.vector_store %arg5[%swap3A_979, %swap3A_980], %swap3A_983 {strides = array<i32>} : memref<16x128xi32, #tpu.memory_space<vmem>>, vector<1x16xi32>,
    %scan3A_984 = arith.constant 2 : i32
    %mul3A_985 = arith.constant 16 : i32
    %mul3A_986 = arith.muli %scan3A_984, %mul3A_985 : i32
    %get3A_987 = arith.constant 7 : i32
    %get3A_988 = arith.index_cast %get3A_987 : i32 to index
    %get3A_989 = arith.index_cast %mul3A_986 : i32 to index
    %get3A_990 = tpu.vector_load %arg5[%get3A_988, %get3A_989] {strides = array<i32>} : memref<16x128xi32, #tpu.memory_space<vmem>>, vector<1x16xi32>,
    %get3A_991 = vector.shape_cast %get3A_990 : vector<1x16xi32> to vector<16xi32>
    %add3A_992 = arith.addi %get3A_991, %mul3A_18 : vector<16xi32>
    %swap3A_993 = arith.constant 7 : i32
    %swap3A_994 = arith.index_cast %swap3A_993 : i32 to index
    %swap3A_995 = arith.index_cast %mul3A_986 : i32 to index
    %swap3A_996 = tpu.vector_load %arg5[%swap3A_994, %swap3A_995] {strides = array<i32>} : memref<16x128xi32, #tpu.memory_space<vmem>>, vector<1x16xi32>,
    %swap3A_997 = vector.shape_cast %swap3A_996 : vector<1x16xi32> to vector<16xi32>
    %swap3A_998 = vector.shape_cast %add3A_992 : vector<16xi32> to vector<1x16xi32>
    tpu.vector_store %arg5[%swap3A_994, %swap3A_995], %swap3A_998 {strides = array<i32>} : memref<16x128xi32, #tpu.memory_space<vmem>>, vector<1x16xi32>,
    %scan3A_999 = arith.constant 3 : i32
    %mul3A_1000 = arith.constant 16 : i32
    %mul3A_1001 = arith.muli %scan3A_999, %mul3A_1000 : i32
    %get3A_1002 = arith.constant 7 : i32
    %get3A_1003 = arith.index_cast %get3A_1002 : i32 to index
    %get3A_1004 = arith.index_cast %mul3A_1001 : i32 to index
    %get3A_1005 = tpu.vector_load %arg5[%get3A_1003, %get3A_1004] {strides = array<i32>} : memref<16x128xi32, #tpu.memory_space<vmem>>, vector<1x16xi32>,
    %get3A_1006 = vector.shape_cast %get3A_1005 : vector<1x16xi32> to vector<16xi32>
    %add3A_1007 = arith.addi %get3A_1006, %mul3A_18 : vector<16xi32>
    %swap3A_1008 = arith.constant 7 : i32
    %swap3A_1009 = arith.index_cast %swap3A_1008 : i32 to index
    %swap3A_1010 = arith.index_cast %mul3A_1001 : i32 to index
    %swap3A_1011 = tpu.vector_load %arg5[%swap3A_1009, %swap3A_1010] {strides = array<i32>} : memref<16x128xi32, #tpu.memory_space<vmem>>, vector<1x16xi32>,
    %swap3A_1012 = vector.shape_cast %swap3A_1011 : vector<1x16xi32> to vector<16xi32>
    %swap3A_1013 = vector.shape_cast %add3A_1007 : vector<16xi32> to vector<1x16xi32>
    tpu.vector_store %arg5[%swap3A_1009, %swap3A_1010], %swap3A_1013 {strides = array<i32>} : memref<16x128xi32, #tpu.memory_space<vmem>>, vector<1x16xi32>,
    %scan3A_1014 = arith.constant 4 : i32
    %mul3A_1015 = arith.constant 16 : i32
    %mul3A_1016 = arith.muli %scan3A_1014, %mul3A_1015 : i32
    %get3A_1017 = arith.constant 7 : i32
    %get3A_1018 = arith.index_cast %get3A_1017 : i32 to index
    %get3A_1019 = arith.index_cast %mul3A_1016 : i32 to index
    %get3A_1020 = tpu.vector_load %arg5[%get3A_1018, %get3A_1019] {strides = array<i32>} : memref<16x128xi32, #tpu.memory_space<vmem>>, vector<1x16xi32>,
    %get3A_1021 = vector.shape_cast %get3A_1020 : vector<1x16xi32> to vector<16xi32>
    %add3A_1022 = arith.addi %get3A_1021, %mul3A_18 : vector<16xi32>
    %swap3A_1023 = arith.constant 7 : i32
    %swap3A_1024 = arith.index_cast %swap3A_1023 : i32 to index
    %swap3A_1025 = arith.index_cast %mul3A_1016 : i32 to index
    %swap3A_1026 = tpu.vector_load %arg5[%swap3A_1024, %swap3A_1025] {strides = array<i32>} : memref<16x128xi32, #tpu.memory_space<vmem>>, vector<1x16xi32>,
    %swap3A_1027 = vector.shape_cast %swap3A_1026 : vector<1x16xi32> to vector<16xi32>
    %swap3A_1028 = vector.shape_cast %add3A_1022 : vector<16xi32> to vector<1x16xi32>
    tpu.vector_store %arg5[%swap3A_1024, %swap3A_1025], %swap3A_1028 {strides = array<i32>} : memref<16x128xi32, #tpu.memory_space<vmem>>, vector<1x16xi32>,
    %scan3A_1029 = arith.constant 5 : i32
    %mul3A_1030 = arith.constant 16 : i32
    %mul3A_1031 = arith.muli %scan3A_1029, %mul3A_1030 : i32
    %get3A_1032 = arith.constant 7 : i32
    %get3A_1033 = arith.index_cast %get3A_1032 : i32 to index
    %get3A_1034 = arith.index_cast %mul3A_1031 : i32 to index
    %get3A_1035 = tpu.vector_load %arg5[%get3A_1033, %get3A_1034] {strides = array<i32>} : memref<16x128xi32, #tpu.memory_space<vmem>>, vector<1x16xi32>,
    %get3A_1036 = vector.shape_cast %get3A_1035 : vector<1x16xi32> to vector<16xi32>
    %add3A_1037 = arith.addi %get3A_1036, %mul3A_18 : vector<16xi32>
    %swap3A_1038 = arith.constant 7 : i32
    %swap3A_1039 = arith.index_cast %swap3A_1038 : i32 to index
    %swap3A_1040 = arith.index_cast %mul3A_1031 : i32 to index
    %swap3A_1041 = tpu.vector_load %arg5[%swap3A_1039, %swap3A_1040] {strides = array<i32>} : memref<16x128xi32, #tpu.memory_space<vmem>>, vector<1x16xi32>,
    %swap3A_1042 = vector.shape_cast %swap3A_1041 : vector<1x16xi32> to vector<16xi32>
    %swap3A_1043 = vector.shape_cast %add3A_1037 : vector<16xi32> to vector<1x16xi32>
    tpu.vector_store %arg5[%swap3A_1039, %swap3A_1040], %swap3A_1043 {strides = array<i32>} : memref<16x128xi32, #tpu.memory_space<vmem>>, vector<1x16xi32>,
    %scan3A_1044 = arith.constant 6 : i32
    %mul3A_1045 = arith.constant 16 : i32
    %mul3A_1046 = arith.muli %scan3A_1044, %mul3A_1045 : i32
    %get3A_1047 = arith.constant 7 : i32
    %get3A_1048 = arith.index_cast %get3A_1047 : i32 to index
    %get3A_1049 = arith.index_cast %mul3A_1046 : i32 to index
    %get3A_1050 = tpu.vector_load %arg5[%get3A_1048, %get3A_1049] {strides = array<i32>} : memref<16x128xi32, #tpu.memory_space<vmem>>, vector<1x16xi32>,
    %get3A_1051 = vector.shape_cast %get3A_1050 : vector<1x16xi32> to vector<16xi32>
    %add3A_1052 = arith.addi %get3A_1051, %mul3A_18 : vector<16xi32>
    %swap3A_1053 = arith.constant 7 : i32
    %swap3A_1054 = arith.index_cast %swap3A_1053 : i32 to index
    %swap3A_1055 = arith.index_cast %mul3A_1046 : i32 to index
    %swap3A_1056 = tpu.vector_load %arg5[%swap3A_1054, %swap3A_1055] {strides = array<i32>} : memref<16x128xi32, #tpu.memory_space<vmem>>, vector<1x16xi32>,
    %swap3A_1057 = vector.shape_cast %swap3A_1056 : vector<1x16xi32> to vector<16xi32>
    %swap3A_1058 = vector.shape_cast %add3A_1052 : vector<16xi32> to vector<1x16xi32>
    tpu.vector_store %arg5[%swap3A_1054, %swap3A_1055], %swap3A_1058 {strides = array<i32>} : memref<16x128xi32, #tpu.memory_space<vmem>>, vector<1x16xi32>,
    %scan3A_1059 = arith.constant 7 : i32
    %mul3A_1060 = arith.constant 16 : i32
    %mul3A_1061 = arith.muli %scan3A_1059, %mul3A_1060 : i32
    %get3A_1062 = arith.constant 7 : i32
    %get3A_1063 = arith.index_cast %get3A_1062 : i32 to index
    %get3A_1064 = arith.index_cast %mul3A_1061 : i32 to index
    %get3A_1065 = tpu.vector_load %arg5[%get3A_1063, %get3A_1064] {strides = array<i32>} : memref<16x128xi32, #tpu.memory_space<vmem>>, vector<1x16xi32>,
    %get3A_1066 = vector.shape_cast %get3A_1065 : vector<1x16xi32> to vector<16xi32>
    %add3A_1067 = arith.addi %get3A_1066, %mul3A_18 : vector<16xi32>
    %swap3A_1068 = arith.constant 7 : i32
    %swap3A_1069 = arith.index_cast %swap3A_1068 : i32 to index
    %swap3A_1070 = arith.index_cast %mul3A_1061 : i32 to index
    %swap3A_1071 = tpu.vector_load %arg5[%swap3A_1069, %swap3A_1070] {strides = array<i32>} : memref<16x128xi32, #tpu.memory_space<vmem>>, vector<1x16xi32>,
    %swap3A_1072 = vector.shape_cast %swap3A_1071 : vector<1x16xi32> to vector<16xi32>
    %swap3A_1073 = vector.shape_cast %add3A_1067 : vector<16xi32> to vector<1x16xi32>
    tpu.vector_store %arg5[%swap3A_1069, %swap3A_1070], %swap3A_1073 {strides = array<i32>} : memref<16x128xi32, #tpu.memory_space<vmem>>, vector<1x16xi32>,
    %scan3A_1074 = arith.constant 8 : i32
    %dma_start3A_1075 = arith.constant 7 : i32
    %dma_start3A_1076 = arith.constant 7 : i32
    %dma_start3A_1077 = arith.constant 0 : i32
    %dma_start3A_1078 = arith.constant 0 : i32
    %dma_start3A_1079 = tpu.memref_slice %arg6[%dma_start3A_1076, %dma_start3A_1077, %dma_start3A_1078] : memref<16x128x32xf32, #tpu.memory_space<vmem>> -> memref<1x128x32xf32, #tpu.memory_space<vmem>>
    %dma_start3A_1080 = tpu.memref_squeeze %dma_start3A_1079 : memref<1x128x32xf32, #tpu.memory_space<vmem>> -> memref<128x32xf32, #tpu.memory_space<vmem>>
    %dma_start3A_1081 = arith.constant 0 : i32
    %dma_start3A_1082 = tpu.memref_slice %arg5[%dma_start3A_1075, %dma_start3A_1081] : memref<16x128xi32, #tpu.memory_space<vmem>> -> memref<1x128xi32, #tpu.memory_space<vmem>>
    %dma_start3A_1083 = tpu.memref_squeeze %dma_start3A_1082 : memref<1x128xi32, #tpu.memory_space<vmem>> -> memref<128xi32, #tpu.memory_space<vmem>>
    %dma_start3A_1084 = arith.constant 0 : i32
    %dma_start3A_1085 = arith.constant 0 : i32
    %dma_start3A_1086 = tpu.memref_slice %arg3[%dma_start3A_1084, %dma_start3A_1085] : memref<400000x32xf32, #tpu.memory_space<hbm>> -> memref<400000x32xf32, #tpu.memory_space<hbm>>
    tpu.enqueue_indirect_dma source(%dma_start3A_1086 : memref<400000x32xf32, #tpu.memory_space<hbm>>) target(%dma_start3A_1080 : memref<128x32xf32, #tpu.memory_space<vmem>>) offsets(%dma_start3A_1083 : memref<128xi32, #tpu.memory_space<vmem>>) semaphore(%arg7 : memref<!tpu.dma_semaphore, #tpu.memory_space<semaphore_mem>>)
    %scan3A_1087 = arith.constant 0 : i32
    %scan3A_1088 = arith.constant 0 : i32
    %mul3A_1089 = arith.constant 16 : i32
    %mul3A_1090 = arith.muli %scan3A_1088, %mul3A_1089 : i32
    %get3A_1091 = arith.constant 8 : i32
    %get3A_1092 = arith.index_cast %get3A_1091 : i32 to index
    %get3A_1093 = arith.index_cast %mul3A_1090 : i32 to index
    %get3A_1094 = tpu.vector_load %arg5[%get3A_1092, %get3A_1093] {strides = array<i32>} : memref<16x128xi32, #tpu.memory_space<vmem>>, vector<1x16xi32>,
    %get3A_1095 = vector.shape_cast %get3A_1094 : vector<1x16xi32> to vector<16xi32>
    %add3A_1096 = arith.addi %get3A_1095, %mul3A_18 : vector<16xi32>
    %swap3A_1097 = arith.constant 8 : i32
    %swap3A_1098 = arith.index_cast %swap3A_1097 : i32 to index
    %swap3A_1099 = arith.index_cast %mul3A_1090 : i32 to index
    %swap3A_1100 = tpu.vector_load %arg5[%swap3A_1098, %swap3A_1099] {strides = array<i32>} : memref<16x128xi32, #tpu.memory_space<vmem>>, vector<1x16xi32>,
    %swap3A_1101 = vector.shape_cast %swap3A_1100 : vector<1x16xi32> to vector<16xi32>
    %swap3A_1102 = vector.shape_cast %add3A_1096 : vector<16xi32> to vector<1x16xi32>
    tpu.vector_store %arg5[%swap3A_1098, %swap3A_1099], %swap3A_1102 {strides = array<i32>} : memref<16x128xi32, #tpu.memory_space<vmem>>, vector<1x16xi32>,
    %scan3A_1103 = arith.constant 1 : i32
    %mul3A_1104 = arith.constant 16 : i32
    %mul3A_1105 = arith.muli %scan3A_1103, %mul3A_1104 : i32
    %get3A_1106 = arith.constant 8 : i32
    %get3A_1107 = arith.index_cast %get3A_1106 : i32 to index
    %get3A_1108 = arith.index_cast %mul3A_1105 : i32 to index
    %get3A_1109 = tpu.vector_load %arg5[%get3A_1107, %get3A_1108] {strides = array<i32>} : memref<16x128xi32, #tpu.memory_space<vmem>>, vector<1x16xi32>,
    %get3A_1110 = vector.shape_cast %get3A_1109 : vector<1x16xi32> to vector<16xi32>
    %add3A_1111 = arith.addi %get3A_1110, %mul3A_18 : vector<16xi32>
    %swap3A_1112 = arith.constant 8 : i32
    %swap3A_1113 = arith.index_cast %swap3A_1112 : i32 to index
    %swap3A_1114 = arith.index_cast %mul3A_1105 : i32 to index
    %swap3A_1115 = tpu.vector_load %arg5[%swap3A_1113, %swap3A_1114] {strides = array<i32>} : memref<16x128xi32, #tpu.memory_space<vmem>>, vector<1x16xi32>,
    %swap3A_1116 = vector.shape_cast %swap3A_1115 : vector<1x16xi32> to vector<16xi32>
    %swap3A_1117 = vector.shape_cast %add3A_1111 : vector<16xi32> to vector<1x16xi32>
    tpu.vector_store %arg5[%swap3A_1113, %swap3A_1114], %swap3A_1117 {strides = array<i32>} : memref<16x128xi32, #tpu.memory_space<vmem>>, vector<1x16xi32>,
    %scan3A_1118 = arith.constant 2 : i32
    %mul3A_1119 = arith.constant 16 : i32
    %mul3A_1120 = arith.muli %scan3A_1118, %mul3A_1119 : i32
    %get3A_1121 = arith.constant 8 : i32
    %get3A_1122 = arith.index_cast %get3A_1121 : i32 to index
    %get3A_1123 = arith.index_cast %mul3A_1120 : i32 to index
    %get3A_1124 = tpu.vector_load %arg5[%get3A_1122, %get3A_1123] {strides = array<i32>} : memref<16x128xi32, #tpu.memory_space<vmem>>, vector<1x16xi32>,
    %get3A_1125 = vector.shape_cast %get3A_1124 : vector<1x16xi32> to vector<16xi32>
    %add3A_1126 = arith.addi %get3A_1125, %mul3A_18 : vector<16xi32>
    %swap3A_1127 = arith.constant 8 : i32
    %swap3A_1128 = arith.index_cast %swap3A_1127 : i32 to index
    %swap3A_1129 = arith.index_cast %mul3A_1120 : i32 to index
    %swap3A_1130 = tpu.vector_load %arg5[%swap3A_1128, %swap3A_1129] {strides = array<i32>} : memref<16x128xi32, #tpu.memory_space<vmem>>, vector<1x16xi32>,
    %swap3A_1131 = vector.shape_cast %swap3A_1130 : vector<1x16xi32> to vector<16xi32>
    %swap3A_1132 = vector.shape_cast %add3A_1126 : vector<16xi32> to vector<1x16xi32>
    tpu.vector_store %arg5[%swap3A_1128, %swap3A_1129], %swap3A_1132 {strides = array<i32>} : memref<16x128xi32, #tpu.memory_space<vmem>>, vector<1x16xi32>,
    %scan3A_1133 = arith.constant 3 : i32
    %mul3A_1134 = arith.constant 16 : i32
    %mul3A_1135 = arith.muli %scan3A_1133, %mul3A_1134 : i32
    %get3A_1136 = arith.constant 8 : i32
    %get3A_1137 = arith.index_cast %get3A_1136 : i32 to index
    %get3A_1138 = arith.index_cast %mul3A_1135 : i32 to index
    %get3A_1139 = tpu.vector_load %arg5[%get3A_1137, %get3A_1138] {strides = array<i32>} : memref<16x128xi32, #tpu.memory_space<vmem>>, vector<1x16xi32>,
    %get3A_1140 = vector.shape_cast %get3A_1139 : vector<1x16xi32> to vector<16xi32>
    %add3A_1141 = arith.addi %get3A_1140, %mul3A_18 : vector<16xi32>
    %swap3A_1142 = arith.constant 8 : i32
    %swap3A_1143 = arith.index_cast %swap3A_1142 : i32 to index
    %swap3A_1144 = arith.index_cast %mul3A_1135 : i32 to index
    %swap3A_1145 = tpu.vector_load %arg5[%swap3A_1143, %swap3A_1144] {strides = array<i32>} : memref<16x128xi32, #tpu.memory_space<vmem>>, vector<1x16xi32>,
    %swap3A_1146 = vector.shape_cast %swap3A_1145 : vector<1x16xi32> to vector<16xi32>
    %swap3A_1147 = vector.shape_cast %add3A_1141 : vector<16xi32> to vector<1x16xi32>
    tpu.vector_store %arg5[%swap3A_1143, %swap3A_1144], %swap3A_1147 {strides = array<i32>} : memref<16x128xi32, #tpu.memory_space<vmem>>, vector<1x16xi32>,
    %scan3A_1148 = arith.constant 4 : i32
    %mul3A_1149 = arith.constant 16 : i32
    %mul3A_1150 = arith.muli %scan3A_1148, %mul3A_1149 : i32
    %get3A_1151 = arith.constant 8 : i32
    %get3A_1152 = arith.index_cast %get3A_1151 : i32 to index
    %get3A_1153 = arith.index_cast %mul3A_1150 : i32 to index
    %get3A_1154 = tpu.vector_load %arg5[%get3A_1152, %get3A_1153] {strides = array<i32>} : memref<16x128xi32, #tpu.memory_space<vmem>>, vector<1x16xi32>,
    %get3A_1155 = vector.shape_cast %get3A_1154 : vector<1x16xi32> to vector<16xi32>
    %add3A_1156 = arith.addi %get3A_1155, %mul3A_18 : vector<16xi32>
    %swap3A_1157 = arith.constant 8 : i32
    %swap3A_1158 = arith.index_cast %swap3A_1157 : i32 to index
    %swap3A_1159 = arith.index_cast %mul3A_1150 : i32 to index
    %swap3A_1160 = tpu.vector_load %arg5[%swap3A_1158, %swap3A_1159] {strides = array<i32>} : memref<16x128xi32, #tpu.memory_space<vmem>>, vector<1x16xi32>,
    %swap3A_1161 = vector.shape_cast %swap3A_1160 : vector<1x16xi32> to vector<16xi32>
    %swap3A_1162 = vector.shape_cast %add3A_1156 : vector<16xi32> to vector<1x16xi32>
    tpu.vector_store %arg5[%swap3A_1158, %swap3A_1159], %swap3A_1162 {strides = array<i32>} : memref<16x128xi32, #tpu.memory_space<vmem>>, vector<1x16xi32>,
    %scan3A_1163 = arith.constant 5 : i32
    %mul3A_1164 = arith.constant 16 : i32
    %mul3A_1165 = arith.muli %scan3A_1163, %mul3A_1164 : i32
    %get3A_1166 = arith.constant 8 : i32
    %get3A_1167 = arith.index_cast %get3A_1166 : i32 to index
    %get3A_1168 = arith.index_cast %mul3A_1165 : i32 to index
    %get3A_1169 = tpu.vector_load %arg5[%get3A_1167, %get3A_1168] {strides = array<i32>} : memref<16x128xi32, #tpu.memory_space<vmem>>, vector<1x16xi32>,
    %get3A_1170 = vector.shape_cast %get3A_1169 : vector<1x16xi32> to vector<16xi32>
    %add3A_1171 = arith.addi %get3A_1170, %mul3A_18 : vector<16xi32>
    %swap3A_1172 = arith.constant 8 : i32
    %swap3A_1173 = arith.index_cast %swap3A_1172 : i32 to index
    %swap3A_1174 = arith.index_cast %mul3A_1165 : i32 to index
    %swap3A_1175 = tpu.vector_load %arg5[%swap3A_1173, %swap3A_1174] {strides = array<i32>} : memref<16x128xi32, #tpu.memory_space<vmem>>, vector<1x16xi32>,
    %swap3A_1176 = vector.shape_cast %swap3A_1175 : vector<1x16xi32> to vector<16xi32>
    %swap3A_1177 = vector.shape_cast %add3A_1171 : vector<16xi32> to vector<1x16xi32>
    tpu.vector_store %arg5[%swap3A_1173, %swap3A_1174], %swap3A_1177 {strides = array<i32>} : memref<16x128xi32, #tpu.memory_space<vmem>>, vector<1x16xi32>,
    %scan3A_1178 = arith.constant 6 : i32
    %mul3A_1179 = arith.constant 16 : i32
    %mul3A_1180 = arith.muli %scan3A_1178, %mul3A_1179 : i32
    %get3A_1181 = arith.constant 8 : i32
    %get3A_1182 = arith.index_cast %get3A_1181 : i32 to index
    %get3A_1183 = arith.index_cast %mul3A_1180 : i32 to index
    %get3A_1184 = tpu.vector_load %arg5[%get3A_1182, %get3A_1183] {strides = array<i32>} : memref<16x128xi32, #tpu.memory_space<vmem>>, vector<1x16xi32>,
    %get3A_1185 = vector.shape_cast %get3A_1184 : vector<1x16xi32> to vector<16xi32>
    %add3A_1186 = arith.addi %get3A_1185, %mul3A_18 : vector<16xi32>
    %swap3A_1187 = arith.constant 8 : i32
    %swap3A_1188 = arith.index_cast %swap3A_1187 : i32 to index
    %swap3A_1189 = arith.index_cast %mul3A_1180 : i32 to index
    %swap3A_1190 = tpu.vector_load %arg5[%swap3A_1188, %swap3A_1189] {strides = array<i32>} : memref<16x128xi32, #tpu.memory_space<vmem>>, vector<1x16xi32>,
    %swap3A_1191 = vector.shape_cast %swap3A_1190 : vector<1x16xi32> to vector<16xi32>
    %swap3A_1192 = vector.shape_cast %add3A_1186 : vector<16xi32> to vector<1x16xi32>
    tpu.vector_store %arg5[%swap3A_1188, %swap3A_1189], %swap3A_1192 {strides = array<i32>} : memref<16x128xi32, #tpu.memory_space<vmem>>, vector<1x16xi32>,
    %scan3A_1193 = arith.constant 7 : i32
    %mul3A_1194 = arith.constant 16 : i32
    %mul3A_1195 = arith.muli %scan3A_1193, %mul3A_1194 : i32
    %get3A_1196 = arith.constant 8 : i32
    %get3A_1197 = arith.index_cast %get3A_1196 : i32 to index
    %get3A_1198 = arith.index_cast %mul3A_1195 : i32 to index
    %get3A_1199 = tpu.vector_load %arg5[%get3A_1197, %get3A_1198] {strides = array<i32>} : memref<16x128xi32, #tpu.memory_space<vmem>>, vector<1x16xi32>,
    %get3A_1200 = vector.shape_cast %get3A_1199 : vector<1x16xi32> to vector<16xi32>
    %add3A_1201 = arith.addi %get3A_1200, %mul3A_18 : vector<16xi32>
    %swap3A_1202 = arith.constant 8 : i32
    %swap3A_1203 = arith.index_cast %swap3A_1202 : i32 to index
    %swap3A_1204 = arith.index_cast %mul3A_1195 : i32 to index
    %swap3A_1205 = tpu.vector_load %arg5[%swap3A_1203, %swap3A_1204] {strides = array<i32>} : memref<16x128xi32, #tpu.memory_space<vmem>>, vector<1x16xi32>,
    %swap3A_1206 = vector.shape_cast %swap3A_1205 : vector<1x16xi32> to vector<16xi32>
    %swap3A_1207 = vector.shape_cast %add3A_1201 : vector<16xi32> to vector<1x16xi32>
    tpu.vector_store %arg5[%swap3A_1203, %swap3A_1204], %swap3A_1207 {strides = array<i32>} : memref<16x128xi32, #tpu.memory_space<vmem>>, vector<1x16xi32>,
    %scan3A_1208 = arith.constant 8 : i32
    %dma_start3A_1209 = arith.constant 8 : i32
    %dma_start3A_1210 = arith.constant 8 : i32
    %dma_start3A_1211 = arith.constant 0 : i32
    %dma_start3A_1212 = arith.constant 0 : i32
    %dma_start3A_1213 = tpu.memref_slice %arg6[%dma_start3A_1210, %dma_start3A_1211, %dma_start3A_1212] : memref<16x128x32xf32, #tpu.memory_space<vmem>> -> memref<1x128x32xf32, #tpu.memory_space<vmem>>
    %dma_start3A_1214 = tpu.memref_squeeze %dma_start3A_1213 : memref<1x128x32xf32, #tpu.memory_space<vmem>> -> memref<128x32xf32, #tpu.memory_space<vmem>>
    %dma_start3A_1215 = arith.constant 0 : i32
    %dma_start3A_1216 = tpu.memref_slice %arg5[%dma_start3A_1209, %dma_start3A_1215] : memref<16x128xi32, #tpu.memory_space<vmem>> -> memref<1x128xi32, #tpu.memory_space<vmem>>
    %dma_start3A_1217 = tpu.memref_squeeze %dma_start3A_1216 : memref<1x128xi32, #tpu.memory_space<vmem>> -> memref<128xi32, #tpu.memory_space<vmem>>
    %dma_start3A_1218 = arith.constant 0 : i32
    %dma_start3A_1219 = arith.constant 0 : i32
    %dma_start3A_1220 = tpu.memref_slice %arg3[%dma_start3A_1218, %dma_start3A_1219] : memref<400000x32xf32, #tpu.memory_space<hbm>> -> memref<400000x32xf32, #tpu.memory_space<hbm>>
    tpu.enqueue_indirect_dma source(%dma_start3A_1220 : memref<400000x32xf32, #tpu.memory_space<hbm>>) target(%dma_start3A_1214 : memref<128x32xf32, #tpu.memory_space<vmem>>) offsets(%dma_start3A_1217 : memref<128xi32, #tpu.memory_space<vmem>>) semaphore(%arg7 : memref<!tpu.dma_semaphore, #tpu.memory_space<semaphore_mem>>)
    %scan3A_1221 = arith.constant 0 : i32
    %scan3A_1222 = arith.constant 0 : i32
    %mul3A_1223 = arith.constant 16 : i32
    %mul3A_1224 = arith.muli %scan3A_1222, %mul3A_1223 : i32
    %get3A_1225 = arith.constant 9 : i32
    %get3A_1226 = arith.index_cast %get3A_1225 : i32 to index
    %get3A_1227 = arith.index_cast %mul3A_1224 : i32 to index
    %get3A_1228 = tpu.vector_load %arg5[%get3A_1226, %get3A_1227] {strides = array<i32>} : memref<16x128xi32, #tpu.memory_space<vmem>>, vector<1x16xi32>,
    %get3A_1229 = vector.shape_cast %get3A_1228 : vector<1x16xi32> to vector<16xi32>
    %add3A_1230 = arith.addi %get3A_1229, %mul3A_18 : vector<16xi32>
    %swap3A_1231 = arith.constant 9 : i32
    %swap3A_1232 = arith.index_cast %swap3A_1231 : i32 to index
    %swap3A_1233 = arith.index_cast %mul3A_1224 : i32 to index
    %swap3A_1234 = tpu.vector_load %arg5[%swap3A_1232, %swap3A_1233] {strides = array<i32>} : memref<16x128xi32, #tpu.memory_space<vmem>>, vector<1x16xi32>,
    %swap3A_1235 = vector.shape_cast %swap3A_1234 : vector<1x16xi32> to vector<16xi32>
    %swap3A_1236 = vector.shape_cast %add3A_1230 : vector<16xi32> to vector<1x16xi32>
    tpu.vector_store %arg5[%swap3A_1232, %swap3A_1233], %swap3A_1236 {strides = array<i32>} : memref<16x128xi32, #tpu.memory_space<vmem>>, vector<1x16xi32>,
    %scan3A_1237 = arith.constant 1 : i32
    %mul3A_1238 = arith.constant 16 : i32
    %mul3A_1239 = arith.muli %scan3A_1237, %mul3A_1238 : i32
    %get3A_1240 = arith.constant 9 : i32
    %get3A_1241 = arith.index_cast %get3A_1240 : i32 to index
    %get3A_1242 = arith.index_cast %mul3A_1239 : i32 to index
    %get3A_1243 = tpu.vector_load %arg5[%get3A_1241, %get3A_1242] {strides = array<i32>} : memref<16x128xi32, #tpu.memory_space<vmem>>, vector<1x16xi32>,
    %get3A_1244 = vector.shape_cast %get3A_1243 : vector<1x16xi32> to vector<16xi32>
    %add3A_1245 = arith.addi %get3A_1244, %mul3A_18 : vector<16xi32>
    %swap3A_1246 = arith.constant 9 : i32
    %swap3A_1247 = arith.index_cast %swap3A_1246 : i32 to index
    %swap3A_1248 = arith.index_cast %mul3A_1239 : i32 to index
    %swap3A_1249 = tpu.vector_load %arg5[%swap3A_1247, %swap3A_1248] {strides = array<i32>} : memref<16x128xi32, #tpu.memory_space<vmem>>, vector<1x16xi32>,
    %swap3A_1250 = vector.shape_cast %swap3A_1249 : vector<1x16xi32> to vector<16xi32>
    %swap3A_1251 = vector.shape_cast %add3A_1245 : vector<16xi32> to vector<1x16xi32>
    tpu.vector_store %arg5[%swap3A_1247, %swap3A_1248], %swap3A_1251 {strides = array<i32>} : memref<16x128xi32, #tpu.memory_space<vmem>>, vector<1x16xi32>,
    %scan3A_1252 = arith.constant 2 : i32
    %mul3A_1253 = arith.constant 16 : i32
    %mul3A_1254 = arith.muli %scan3A_1252, %mul3A_1253 : i32
    %get3A_1255 = arith.constant 9 : i32
    %get3A_1256 = arith.index_cast %get3A_1255 : i32 to index
    %get3A_1257 = arith.index_cast %mul3A_1254 : i32 to index
    %get3A_1258 = tpu.vector_load %arg5[%get3A_1256, %get3A_1257] {strides = array<i32>} : memref<16x128xi32, #tpu.memory_space<vmem>>, vector<1x16xi32>,
    %get3A_1259 = vector.shape_cast %get3A_1258 : vector<1x16xi32> to vector<16xi32>
    %add3A_1260 = arith.addi %get3A_1259, %mul3A_18 : vector<16xi32>
    %swap3A_1261 = arith.constant 9 : i32
    %swap3A_1262 = arith.index_cast %swap3A_1261 : i32 to index
    %swap3A_1263 = arith.index_cast %mul3A_1254 : i32 to index
    %swap3A_1264 = tpu.vector_load %arg5[%swap3A_1262, %swap3A_1263] {strides = array<i32>} : memref<16x128xi32, #tpu.memory_space<vmem>>, vector<1x16xi32>,
    %swap3A_1265 = vector.shape_cast %swap3A_1264 : vector<1x16xi32> to vector<16xi32>
    %swap3A_1266 = vector.shape_cast %add3A_1260 : vector<16xi32> to vector<1x16xi32>
    tpu.vector_store %arg5[%swap3A_1262, %swap3A_1263], %swap3A_1266 {strides = array<i32>} : memref<16x128xi32, #tpu.memory_space<vmem>>, vector<1x16xi32>,
    %scan3A_1267 = arith.constant 3 : i32
    %mul3A_1268 = arith.constant 16 : i32
    %mul3A_1269 = arith.muli %scan3A_1267, %mul3A_1268 : i32
    %get3A_1270 = arith.constant 9 : i32
    %get3A_1271 = arith.index_cast %get3A_1270 : i32 to index
    %get3A_1272 = arith.index_cast %mul3A_1269 : i32 to index
    %get3A_1273 = tpu.vector_load %arg5[%get3A_1271, %get3A_1272] {strides = array<i32>} : memref<16x128xi32, #tpu.memory_space<vmem>>, vector<1x16xi32>,
    %get3A_1274 = vector.shape_cast %get3A_1273 : vector<1x16xi32> to vector<16xi32>
    %add3A_1275 = arith.addi %get3A_1274, %mul3A_18 : vector<16xi32>
    %swap3A_1276 = arith.constant 9 : i32
    %swap3A_1277 = arith.index_cast %swap3A_1276 : i32 to index
    %swap3A_1278 = arith.index_cast %mul3A_1269 : i32 to index
    %swap3A_1279 = tpu.vector_load %arg5[%swap3A_1277, %swap3A_1278] {strides = array<i32>} : memref<16x128xi32, #tpu.memory_space<vmem>>, vector<1x16xi32>,
    %swap3A_1280 = vector.shape_cast %swap3A_1279 : vector<1x16xi32> to vector<16xi32>
    %swap3A_1281 = vector.shape_cast %add3A_1275 : vector<16xi32> to vector<1x16xi32>
    tpu.vector_store %arg5[%swap3A_1277, %swap3A_1278], %swap3A_1281 {strides = array<i32>} : memref<16x128xi32, #tpu.memory_space<vmem>>, vector<1x16xi32>,
    %scan3A_1282 = arith.constant 4 : i32
    %mul3A_1283 = arith.constant 16 : i32
    %mul3A_1284 = arith.muli %scan3A_1282, %mul3A_1283 : i32
    %get3A_1285 = arith.constant 9 : i32
    %get3A_1286 = arith.index_cast %get3A_1285 : i32 to index
    %get3A_1287 = arith.index_cast %mul3A_1284 : i32 to index
    %get3A_1288 = tpu.vector_load %arg5[%get3A_1286, %get3A_1287] {strides = array<i32>} : memref<16x128xi32, #tpu.memory_space<vmem>>, vector<1x16xi32>,
    %get3A_1289 = vector.shape_cast %get3A_1288 : vector<1x16xi32> to vector<16xi32>
    %add3A_1290 = arith.addi %get3A_1289, %mul3A_18 : vector<16xi32>
    %swap3A_1291 = arith.constant 9 : i32
    %swap3A_1292 = arith.index_cast %swap3A_1291 : i32 to index
    %swap3A_1293 = arith.index_cast %mul3A_1284 : i32 to index
    %swap3A_1294 = tpu.vector_load %arg5[%swap3A_1292, %swap3A_1293] {strides = array<i32>} : memref<16x128xi32, #tpu.memory_space<vmem>>, vector<1x16xi32>,
    %swap3A_1295 = vector.shape_cast %swap3A_1294 : vector<1x16xi32> to vector<16xi32>
    %swap3A_1296 = vector.shape_cast %add3A_1290 : vector<16xi32> to vector<1x16xi32>
    tpu.vector_store %arg5[%swap3A_1292, %swap3A_1293], %swap3A_1296 {strides = array<i32>} : memref<16x128xi32, #tpu.memory_space<vmem>>, vector<1x16xi32>,
    %scan3A_1297 = arith.constant 5 : i32
    %mul3A_1298 = arith.constant 16 : i32
    %mul3A_1299 = arith.muli %scan3A_1297, %mul3A_1298 : i32
    %get3A_1300 = arith.constant 9 : i32
    %get3A_1301 = arith.index_cast %get3A_1300 : i32 to index
    %get3A_1302 = arith.index_cast %mul3A_1299 : i32 to index
    %get3A_1303 = tpu.vector_load %arg5[%get3A_1301, %get3A_1302] {strides = array<i32>} : memref<16x128xi32, #tpu.memory_space<vmem>>, vector<1x16xi32>,
    %get3A_1304 = vector.shape_cast %get3A_1303 : vector<1x16xi32> to vector<16xi32>
    %add3A_1305 = arith.addi %get3A_1304, %mul3A_18 : vector<16xi32>
    %swap3A_1306 = arith.constant 9 : i32
    %swap3A_1307 = arith.index_cast %swap3A_1306 : i32 to index
    %swap3A_1308 = arith.index_cast %mul3A_1299 : i32 to index
    %swap3A_1309 = tpu.vector_load %arg5[%swap3A_1307, %swap3A_1308] {strides = array<i32>} : memref<16x128xi32, #tpu.memory_space<vmem>>, vector<1x16xi32>,
    %swap3A_1310 = vector.shape_cast %swap3A_1309 : vector<1x16xi32> to vector<16xi32>
    %swap3A_1311 = vector.shape_cast %add3A_1305 : vector<16xi32> to vector<1x16xi32>
    tpu.vector_store %arg5[%swap3A_1307, %swap3A_1308], %swap3A_1311 {strides = array<i32>} : memref<16x128xi32, #tpu.memory_space<vmem>>, vector<1x16xi32>,
    %scan3A_1312 = arith.constant 6 : i32
    %mul3A_1313 = arith.constant 16 : i32
    %mul3A_1314 = arith.muli %scan3A_1312, %mul3A_1313 : i32
    %get3A_1315 = arith.constant 9 : i32
    %get3A_1316 = arith.index_cast %get3A_1315 : i32 to index
    %get3A_1317 = arith.index_cast %mul3A_1314 : i32 to index
    %get3A_1318 = tpu.vector_load %arg5[%get3A_1316, %get3A_1317] {strides = array<i32>} : memref<16x128xi32, #tpu.memory_space<vmem>>, vector<1x16xi32>,
    %get3A_1319 = vector.shape_cast %get3A_1318 : vector<1x16xi32> to vector<16xi32>
    %add3A_1320 = arith.addi %get3A_1319, %mul3A_18 : vector<16xi32>
    %swap3A_1321 = arith.constant 9 : i32
    %swap3A_1322 = arith.index_cast %swap3A_1321 : i32 to index
    %swap3A_1323 = arith.index_cast %mul3A_1314 : i32 to index
    %swap3A_1324 = tpu.vector_load %arg5[%swap3A_1322, %swap3A_1323] {strides = array<i32>} : memref<16x128xi32, #tpu.memory_space<vmem>>, vector<1x16xi32>,
    %swap3A_1325 = vector.shape_cast %swap3A_1324 : vector<1x16xi32> to vector<16xi32>
    %swap3A_1326 = vector.shape_cast %add3A_1320 : vector<16xi32> to vector<1x16xi32>
    tpu.vector_store %arg5[%swap3A_1322, %swap3A_1323], %swap3A_1326 {strides = array<i32>} : memref<16x128xi32, #tpu.memory_space<vmem>>, vector<1x16xi32>,
    %scan3A_1327 = arith.constant 7 : i32
    %mul3A_1328 = arith.constant 16 : i32
    %mul3A_1329 = arith.muli %scan3A_1327, %mul3A_1328 : i32
    %get3A_1330 = arith.constant 9 : i32
    %get3A_1331 = arith.index_cast %get3A_1330 : i32 to index
    %get3A_1332 = arith.index_cast %mul3A_1329 : i32 to index
    %get3A_1333 = tpu.vector_load %arg5[%get3A_1331, %get3A_1332] {strides = array<i32>} : memref<16x128xi32, #tpu.memory_space<vmem>>, vector<1x16xi32>,
    %get3A_1334 = vector.shape_cast %get3A_1333 : vector<1x16xi32> to vector<16xi32>
    %add3A_1335 = arith.addi %get3A_1334, %mul3A_18 : vector<16xi32>
    %swap3A_1336 = arith.constant 9 : i32
    %swap3A_1337 = arith.index_cast %swap3A_1336 : i32 to index
    %swap3A_1338 = arith.index_cast %mul3A_1329 : i32 to index
    %swap3A_1339 = tpu.vector_load %arg5[%swap3A_1337, %swap3A_1338] {strides = array<i32>} : memref<16x128xi32, #tpu.memory_space<vmem>>, vector<1x16xi32>,
    %swap3A_1340 = vector.shape_cast %swap3A_1339 : vector<1x16xi32> to vector<16xi32>
    %swap3A_1341 = vector.shape_cast %add3A_1335 : vector<16xi32> to vector<1x16xi32>
    tpu.vector_store %arg5[%swap3A_1337, %swap3A_1338], %swap3A_1341 {strides = array<i32>} : memref<16x128xi32, #tpu.memory_space<vmem>>, vector<1x16xi32>,
    %scan3A_1342 = arith.constant 8 : i32
    %dma_start3A_1343 = arith.constant 9 : i32
    %dma_start3A_1344 = arith.constant 9 : i32
    %dma_start3A_1345 = arith.constant 0 : i32
    %dma_start3A_1346 = arith.constant 0 : i32
    %dma_start3A_1347 = tpu.memref_slice %arg6[%dma_start3A_1344, %dma_start3A_1345, %dma_start3A_1346] : memref<16x128x32xf32, #tpu.memory_space<vmem>> -> memref<1x128x32xf32, #tpu.memory_space<vmem>>
    %dma_start3A_1348 = tpu.memref_squeeze %dma_start3A_1347 : memref<1x128x32xf32, #tpu.memory_space<vmem>> -> memref<128x32xf32, #tpu.memory_space<vmem>>
    %dma_start3A_1349 = arith.constant 0 : i32
    %dma_start3A_1350 = tpu.memref_slice %arg5[%dma_start3A_1343, %dma_start3A_1349] : memref<16x128xi32, #tpu.memory_space<vmem>> -> memref<1x128xi32, #tpu.memory_space<vmem>>
    %dma_start3A_1351 = tpu.memref_squeeze %dma_start3A_1350 : memref<1x128xi32, #tpu.memory_space<vmem>> -> memref<128xi32, #tpu.memory_space<vmem>>
    %dma_start3A_1352 = arith.constant 0 : i32
    %dma_start3A_1353 = arith.constant 0 : i32
    %dma_start3A_1354 = tpu.memref_slice %arg3[%dma_start3A_1352, %dma_start3A_1353] : memref<400000x32xf32, #tpu.memory_space<hbm>> -> memref<400000x32xf32, #tpu.memory_space<hbm>>
    tpu.enqueue_indirect_dma source(%dma_start3A_1354 : memref<400000x32xf32, #tpu.memory_space<hbm>>) target(%dma_start3A_1348 : memref<128x32xf32, #tpu.memory_space<vmem>>) offsets(%dma_start3A_1351 : memref<128xi32, #tpu.memory_space<vmem>>) semaphore(%arg7 : memref<!tpu.dma_semaphore, #tpu.memory_space<semaphore_mem>>)
    %scan3A_1355 = arith.constant 0 : i32
    %scan3A_1356 = arith.constant 0 : i32
    %mul3A_1357 = arith.constant 16 : i32
    %mul3A_1358 = arith.muli %scan3A_1356, %mul3A_1357 : i32
    %get3A_1359 = arith.constant 10 : i32
    %get3A_1360 = arith.index_cast %get3A_1359 : i32 to index
    %get3A_1361 = arith.index_cast %mul3A_1358 : i32 to index
    %get3A_1362 = tpu.vector_load %arg5[%get3A_1360, %get3A_1361] {strides = array<i32>} : memref<16x128xi32, #tpu.memory_space<vmem>>, vector<1x16xi32>,
    %get3A_1363 = vector.shape_cast %get3A_1362 : vector<1x16xi32> to vector<16xi32>
    %add3A_1364 = arith.addi %get3A_1363, %mul3A_18 : vector<16xi32>
    %swap3A_1365 = arith.constant 10 : i32
    %swap3A_1366 = arith.index_cast %swap3A_1365 : i32 to index
    %swap3A_1367 = arith.index_cast %mul3A_1358 : i32 to index
    %swap3A_1368 = tpu.vector_load %arg5[%swap3A_1366, %swap3A_1367] {strides = array<i32>} : memref<16x128xi32, #tpu.memory_space<vmem>>, vector<1x16xi32>,
    %swap3A_1369 = vector.shape_cast %swap3A_1368 : vector<1x16xi32> to vector<16xi32>
    %swap3A_1370 = vector.shape_cast %add3A_1364 : vector<16xi32> to vector<1x16xi32>
    tpu.vector_store %arg5[%swap3A_1366, %swap3A_1367], %swap3A_1370 {strides = array<i32>} : memref<16x128xi32, #tpu.memory_space<vmem>>, vector<1x16xi32>,
    %scan3A_1371 = arith.constant 1 : i32
    %mul3A_1372 = arith.constant 16 : i32
    %mul3A_1373 = arith.muli %scan3A_1371, %mul3A_1372 : i32
    %get3A_1374 = arith.constant 10 : i32
    %get3A_1375 = arith.index_cast %get3A_1374 : i32 to index
    %get3A_1376 = arith.index_cast %mul3A_1373 : i32 to index
    %get3A_1377 = tpu.vector_load %arg5[%get3A_1375, %get3A_1376] {strides = array<i32>} : memref<16x128xi32, #tpu.memory_space<vmem>>, vector<1x16xi32>,
    %get3A_1378 = vector.shape_cast %get3A_1377 : vector<1x16xi32> to vector<16xi32>
    %add3A_1379 = arith.addi %get3A_1378, %mul3A_18 : vector<16xi32>
    %swap3A_1380 = arith.constant 10 : i32
    %swap3A_1381 = arith.index_cast %swap3A_1380 : i32 to index
    %swap3A_1382 = arith.index_cast %mul3A_1373 : i32 to index
    %swap3A_1383 = tpu.vector_load %arg5[%swap3A_1381, %swap3A_1382] {strides = array<i32>} : memref<16x128xi32, #tpu.memory_space<vmem>>, vector<1x16xi32>,
    %swap3A_1384 = vector.shape_cast %swap3A_1383 : vector<1x16xi32> to vector<16xi32>
    %swap3A_1385 = vector.shape_cast %add3A_1379 : vector<16xi32> to vector<1x16xi32>
    tpu.vector_store %arg5[%swap3A_1381, %swap3A_1382], %swap3A_1385 {strides = array<i32>} : memref<16x128xi32, #tpu.memory_space<vmem>>, vector<1x16xi32>,
    %scan3A_1386 = arith.constant 2 : i32
    %mul3A_1387 = arith.constant 16 : i32
    %mul3A_1388 = arith.muli %scan3A_1386, %mul3A_1387 : i32
    %get3A_1389 = arith.constant 10 : i32
    %get3A_1390 = arith.index_cast %get3A_1389 : i32 to index
    %get3A_1391 = arith.index_cast %mul3A_1388 : i32 to index
    %get3A_1392 = tpu.vector_load %arg5[%get3A_1390, %get3A_1391] {strides = array<i32>} : memref<16x128xi32, #tpu.memory_space<vmem>>, vector<1x16xi32>,
    %get3A_1393 = vector.shape_cast %get3A_1392 : vector<1x16xi32> to vector<16xi32>
    %add3A_1394 = arith.addi %get3A_1393, %mul3A_18 : vector<16xi32>
    %swap3A_1395 = arith.constant 10 : i32
    %swap3A_1396 = arith.index_cast %swap3A_1395 : i32 to index
    %swap3A_1397 = arith.index_cast %mul3A_1388 : i32 to index
    %swap3A_1398 = tpu.vector_load %arg5[%swap3A_1396, %swap3A_1397] {strides = array<i32>} : memref<16x128xi32, #tpu.memory_space<vmem>>, vector<1x16xi32>,
    %swap3A_1399 = vector.shape_cast %swap3A_1398 : vector<1x16xi32> to vector<16xi32>
    %swap3A_1400 = vector.shape_cast %add3A_1394 : vector<16xi32> to vector<1x16xi32>
    tpu.vector_store %arg5[%swap3A_1396, %swap3A_1397], %swap3A_1400 {strides = array<i32>} : memref<16x128xi32, #tpu.memory_space<vmem>>, vector<1x16xi32>,
    %scan3A_1401 = arith.constant 3 : i32
    %mul3A_1402 = arith.constant 16 : i32
    %mul3A_1403 = arith.muli %scan3A_1401, %mul3A_1402 : i32
    %get3A_1404 = arith.constant 10 : i32
    %get3A_1405 = arith.index_cast %get3A_1404 : i32 to index
    %get3A_1406 = arith.index_cast %mul3A_1403 : i32 to index
    %get3A_1407 = tpu.vector_load %arg5[%get3A_1405, %get3A_1406] {strides = array<i32>} : memref<16x128xi32, #tpu.memory_space<vmem>>, vector<1x16xi32>,
    %get3A_1408 = vector.shape_cast %get3A_1407 : vector<1x16xi32> to vector<16xi32>
    %add3A_1409 = arith.addi %get3A_1408, %mul3A_18 : vector<16xi32>
    %swap3A_1410 = arith.constant 10 : i32
    %swap3A_1411 = arith.index_cast %swap3A_1410 : i32 to index
    %swap3A_1412 = arith.index_cast %mul3A_1403 : i32 to index
    %swap3A_1413 = tpu.vector_load %arg5[%swap3A_1411, %swap3A_1412] {strides = array<i32>} : memref<16x128xi32, #tpu.memory_space<vmem>>, vector<1x16xi32>,
    %swap3A_1414 = vector.shape_cast %swap3A_1413 : vector<1x16xi32> to vector<16xi32>
    %swap3A_1415 = vector.shape_cast %add3A_1409 : vector<16xi32> to vector<1x16xi32>
    tpu.vector_store %arg5[%swap3A_1411, %swap3A_1412], %swap3A_1415 {strides = array<i32>} : memref<16x128xi32, #tpu.memory_space<vmem>>, vector<1x16xi32>,
    %scan3A_1416 = arith.constant 4 : i32
    %mul3A_1417 = arith.constant 16 : i32
    %mul3A_1418 = arith.muli %scan3A_1416, %mul3A_1417 : i32
    %get3A_1419 = arith.constant 10 : i32
    %get3A_1420 = arith.index_cast %get3A_1419 : i32 to index
    %get3A_1421 = arith.index_cast %mul3A_1418 : i32 to index
    %get3A_1422 = tpu.vector_load %arg5[%get3A_1420, %get3A_1421] {strides = array<i32>} : memref<16x128xi32, #tpu.memory_space<vmem>>, vector<1x16xi32>,
    %get3A_1423 = vector.shape_cast %get3A_1422 : vector<1x16xi32> to vector<16xi32>
    %add3A_1424 = arith.addi %get3A_1423, %mul3A_18 : vector<16xi32>
    %swap3A_1425 = arith.constant 10 : i32
    %swap3A_1426 = arith.index_cast %swap3A_1425 : i32 to index
    %swap3A_1427 = arith.index_cast %mul3A_1418 : i32 to index
    %swap3A_1428 = tpu.vector_load %arg5[%swap3A_1426, %swap3A_1427] {strides = array<i32>} : memref<16x128xi32, #tpu.memory_space<vmem>>, vector<1x16xi32>,
    %swap3A_1429 = vector.shape_cast %swap3A_1428 : vector<1x16xi32> to vector<16xi32>
    %swap3A_1430 = vector.shape_cast %add3A_1424 : vector<16xi32> to vector<1x16xi32>
    tpu.vector_store %arg5[%swap3A_1426, %swap3A_1427], %swap3A_1430 {strides = array<i32>} : memref<16x128xi32, #tpu.memory_space<vmem>>, vector<1x16xi32>,
    %scan3A_1431 = arith.constant 5 : i32
    %mul3A_1432 = arith.constant 16 : i32
    %mul3A_1433 = arith.muli %scan3A_1431, %mul3A_1432 : i32
    %get3A_1434 = arith.constant 10 : i32
    %get3A_1435 = arith.index_cast %get3A_1434 : i32 to index
    %get3A_1436 = arith.index_cast %mul3A_1433 : i32 to index
    %get3A_1437 = tpu.vector_load %arg5[%get3A_1435, %get3A_1436] {strides = array<i32>} : memref<16x128xi32, #tpu.memory_space<vmem>>, vector<1x16xi32>,
    %get3A_1438 = vector.shape_cast %get3A_1437 : vector<1x16xi32> to vector<16xi32>
    %add3A_1439 = arith.addi %get3A_1438, %mul3A_18 : vector<16xi32>
    %swap3A_1440 = arith.constant 10 : i32
    %swap3A_1441 = arith.index_cast %swap3A_1440 : i32 to index
    %swap3A_1442 = arith.index_cast %mul3A_1433 : i32 to index
    %swap3A_1443 = tpu.vector_load %arg5[%swap3A_1441, %swap3A_1442] {strides = array<i32>} : memref<16x128xi32, #tpu.memory_space<vmem>>, vector<1x16xi32>,
    %swap3A_1444 = vector.shape_cast %swap3A_1443 : vector<1x16xi32> to vector<16xi32>
    %swap3A_1445 = vector.shape_cast %add3A_1439 : vector<16xi32> to vector<1x16xi32>
    tpu.vector_store %arg5[%swap3A_1441, %swap3A_1442], %swap3A_1445 {strides = array<i32>} : memref<16x128xi32, #tpu.memory_space<vmem>>, vector<1x16xi32>,
    %scan3A_1446 = arith.constant 6 : i32
    %mul3A_1447 = arith.constant 16 : i32
    %mul3A_1448 = arith.muli %scan3A_1446, %mul3A_1447 : i32
    %get3A_1449 = arith.constant 10 : i32
    %get3A_1450 = arith.index_cast %get3A_1449 : i32 to index
    %get3A_1451 = arith.index_cast %mul3A_1448 : i32 to index
    %get3A_1452 = tpu.vector_load %arg5[%get3A_1450, %get3A_1451] {strides = array<i32>} : memref<16x128xi32, #tpu.memory_space<vmem>>, vector<1x16xi32>,
    %get3A_1453 = vector.shape_cast %get3A_1452 : vector<1x16xi32> to vector<16xi32>
    %add3A_1454 = arith.addi %get3A_1453, %mul3A_18 : vector<16xi32>
    %swap3A_1455 = arith.constant 10 : i32
    %swap3A_1456 = arith.index_cast %swap3A_1455 : i32 to index
    %swap3A_1457 = arith.index_cast %mul3A_1448 : i32 to index
    %swap3A_1458 = tpu.vector_load %arg5[%swap3A_1456, %swap3A_1457] {strides = array<i32>} : memref<16x128xi32, #tpu.memory_space<vmem>>, vector<1x16xi32>,
    %swap3A_1459 = vector.shape_cast %swap3A_1458 : vector<1x16xi32> to vector<16xi32>
    %swap3A_1460 = vector.shape_cast %add3A_1454 : vector<16xi32> to vector<1x16xi32>
    tpu.vector_store %arg5[%swap3A_1456, %swap3A_1457], %swap3A_1460 {strides = array<i32>} : memref<16x128xi32, #tpu.memory_space<vmem>>, vector<1x16xi32>,
    %scan3A_1461 = arith.constant 7 : i32
    %mul3A_1462 = arith.constant 16 : i32
    %mul3A_1463 = arith.muli %scan3A_1461, %mul3A_1462 : i32
    %get3A_1464 = arith.constant 10 : i32
    %get3A_1465 = arith.index_cast %get3A_1464 : i32 to index
    %get3A_1466 = arith.index_cast %mul3A_1463 : i32 to index
    %get3A_1467 = tpu.vector_load %arg5[%get3A_1465, %get3A_1466] {strides = array<i32>} : memref<16x128xi32, #tpu.memory_space<vmem>>, vector<1x16xi32>,
    %get3A_1468 = vector.shape_cast %get3A_1467 : vector<1x16xi32> to vector<16xi32>
    %add3A_1469 = arith.addi %get3A_1468, %mul3A_18 : vector<16xi32>
    %swap3A_1470 = arith.constant 10 : i32
    %swap3A_1471 = arith.index_cast %swap3A_1470 : i32 to index
    %swap3A_1472 = arith.index_cast %mul3A_1463 : i32 to index
    %swap3A_1473 = tpu.vector_load %arg5[%swap3A_1471, %swap3A_1472] {strides = array<i32>} : memref<16x128xi32, #tpu.memory_space<vmem>>, vector<1x16xi32>,
    %swap3A_1474 = vector.shape_cast %swap3A_1473 : vector<1x16xi32> to vector<16xi32>
    %swap3A_1475 = vector.shape_cast %add3A_1469 : vector<16xi32> to vector<1x16xi32>
    tpu.vector_store %arg5[%swap3A_1471, %swap3A_1472], %swap3A_1475 {strides = array<i32>} : memref<16x128xi32, #tpu.memory_space<vmem>>, vector<1x16xi32>,
    %scan3A_1476 = arith.constant 8 : i32
    %dma_start3A_1477 = arith.constant 10 : i32
    %dma_start3A_1478 = arith.constant 10 : i32
    %dma_start3A_1479 = arith.constant 0 : i32
    %dma_start3A_1480 = arith.constant 0 : i32
    %dma_start3A_1481 = tpu.memref_slice %arg6[%dma_start3A_1478, %dma_start3A_1479, %dma_start3A_1480] : memref<16x128x32xf32, #tpu.memory_space<vmem>> -> memref<1x128x32xf32, #tpu.memory_space<vmem>>
    %dma_start3A_1482 = tpu.memref_squeeze %dma_start3A_1481 : memref<1x128x32xf32, #tpu.memory_space<vmem>> -> memref<128x32xf32, #tpu.memory_space<vmem>>
    %dma_start3A_1483 = arith.constant 0 : i32
    %dma_start3A_1484 = tpu.memref_slice %arg5[%dma_start3A_1477, %dma_start3A_1483] : memref<16x128xi32, #tpu.memory_space<vmem>> -> memref<1x128xi32, #tpu.memory_space<vmem>>
    %dma_start3A_1485 = tpu.memref_squeeze %dma_start3A_1484 : memref<1x128xi32, #tpu.memory_space<vmem>> -> memref<128xi32, #tpu.memory_space<vmem>>
    %dma_start3A_1486 = arith.constant 0 : i32
    %dma_start3A_1487 = arith.constant 0 : i32
    %dma_start3A_1488 = tpu.memref_slice %arg3[%dma_start3A_1486, %dma_start3A_1487] : memref<400000x32xf32, #tpu.memory_space<hbm>> -> memref<400000x32xf32, #tpu.memory_space<hbm>>
    tpu.enqueue_indirect_dma source(%dma_start3A_1488 : memref<400000x32xf32, #tpu.memory_space<hbm>>) target(%dma_start3A_1482 : memref<128x32xf32, #tpu.memory_space<vmem>>) offsets(%dma_start3A_1485 : memref<128xi32, #tpu.memory_space<vmem>>) semaphore(%arg7 : memref<!tpu.dma_semaphore, #tpu.memory_space<semaphore_mem>>)
    %scan3A_1489 = arith.constant 0 : i32
    %scan3A_1490 = arith.constant 0 : i32
    %mul3A_1491 = arith.constant 16 : i32
    %mul3A_1492 = arith.muli %scan3A_1490, %mul3A_1491 : i32
    %get3A_1493 = arith.constant 11 : i32
    %get3A_1494 = arith.index_cast %get3A_1493 : i32 to index
    %get3A_1495 = arith.index_cast %mul3A_1492 : i32 to index
    %get3A_1496 = tpu.vector_load %arg5[%get3A_1494, %get3A_1495] {strides = array<i32>} : memref<16x128xi32, #tpu.memory_space<vmem>>, vector<1x16xi32>,
    %get3A_1497 = vector.shape_cast %get3A_1496 : vector<1x16xi32> to vector<16xi32>
    %add3A_1498 = arith.addi %get3A_1497, %mul3A_18 : vector<16xi32>
    %swap3A_1499 = arith.constant 11 : i32
    %swap3A_1500 = arith.index_cast %swap3A_1499 : i32 to index
    %swap3A_1501 = arith.index_cast %mul3A_1492 : i32 to index
    %swap3A_1502 = tpu.vector_load %arg5[%swap3A_1500, %swap3A_1501] {strides = array<i32>} : memref<16x128xi32, #tpu.memory_space<vmem>>, vector<1x16xi32>,
    %swap3A_1503 = vector.shape_cast %swap3A_1502 : vector<1x16xi32> to vector<16xi32>
    %swap3A_1504 = vector.shape_cast %add3A_1498 : vector<16xi32> to vector<1x16xi32>
    tpu.vector_store %arg5[%swap3A_1500, %swap3A_1501], %swap3A_1504 {strides = array<i32>} : memref<16x128xi32, #tpu.memory_space<vmem>>, vector<1x16xi32>,
    %scan3A_1505 = arith.constant 1 : i32
    %mul3A_1506 = arith.constant 16 : i32
    %mul3A_1507 = arith.muli %scan3A_1505, %mul3A_1506 : i32
    %get3A_1508 = arith.constant 11 : i32
    %get3A_1509 = arith.index_cast %get3A_1508 : i32 to index
    %get3A_1510 = arith.index_cast %mul3A_1507 : i32 to index
    %get3A_1511 = tpu.vector_load %arg5[%get3A_1509, %get3A_1510] {strides = array<i32>} : memref<16x128xi32, #tpu.memory_space<vmem>>, vector<1x16xi32>,
    %get3A_1512 = vector.shape_cast %get3A_1511 : vector<1x16xi32> to vector<16xi32>
    %add3A_1513 = arith.addi %get3A_1512, %mul3A_18 : vector<16xi32>
    %swap3A_1514 = arith.constant 11 : i32
    %swap3A_1515 = arith.index_cast %swap3A_1514 : i32 to index
    %swap3A_1516 = arith.index_cast %mul3A_1507 : i32 to index
    %swap3A_1517 = tpu.vector_load %arg5[%swap3A_1515, %swap3A_1516] {strides = array<i32>} : memref<16x128xi32, #tpu.memory_space<vmem>>, vector<1x16xi32>,
    %swap3A_1518 = vector.shape_cast %swap3A_1517 : vector<1x16xi32> to vector<16xi32>
    %swap3A_1519 = vector.shape_cast %add3A_1513 : vector<16xi32> to vector<1x16xi32>
    tpu.vector_store %arg5[%swap3A_1515, %swap3A_1516], %swap3A_1519 {strides = array<i32>} : memref<16x128xi32, #tpu.memory_space<vmem>>, vector<1x16xi32>,
    %scan3A_1520 = arith.constant 2 : i32
    %mul3A_1521 = arith.constant 16 : i32
    %mul3A_1522 = arith.muli %scan3A_1520, %mul3A_1521 : i32
    %get3A_1523 = arith.constant 11 : i32
    %get3A_1524 = arith.index_cast %get3A_1523 : i32 to index
    %get3A_1525 = arith.index_cast %mul3A_1522 : i32 to index
    %get3A_1526 = tpu.vector_load %arg5[%get3A_1524, %get3A_1525] {strides = array<i32>} : memref<16x128xi32, #tpu.memory_space<vmem>>, vector<1x16xi32>,
    %get3A_1527 = vector.shape_cast %get3A_1526 : vector<1x16xi32> to vector<16xi32>
    %add3A_1528 = arith.addi %get3A_1527, %mul3A_18 : vector<16xi32>
    %swap3A_1529 = arith.constant 11 : i32
    %swap3A_1530 = arith.index_cast %swap3A_1529 : i32 to index
    %swap3A_1531 = arith.index_cast %mul3A_1522 : i32 to index
    %swap3A_1532 = tpu.vector_load %arg5[%swap3A_1530, %swap3A_1531] {strides = array<i32>} : memref<16x128xi32, #tpu.memory_space<vmem>>, vector<1x16xi32>,
    %swap3A_1533 = vector.shape_cast %swap3A_1532 : vector<1x16xi32> to vector<16xi32>
    %swap3A_1534 = vector.shape_cast %add3A_1528 : vector<16xi32> to vector<1x16xi32>
    tpu.vector_store %arg5[%swap3A_1530, %swap3A_1531], %swap3A_1534 {strides = array<i32>} : memref<16x128xi32, #tpu.memory_space<vmem>>, vector<1x16xi32>,
    %scan3A_1535 = arith.constant 3 : i32
    %mul3A_1536 = arith.constant 16 : i32
    %mul3A_1537 = arith.muli %scan3A_1535, %mul3A_1536 : i32
    %get3A_1538 = arith.constant 11 : i32
    %get3A_1539 = arith.index_cast %get3A_1538 : i32 to index
    %get3A_1540 = arith.index_cast %mul3A_1537 : i32 to index
    %get3A_1541 = tpu.vector_load %arg5[%get3A_1539, %get3A_1540] {strides = array<i32>} : memref<16x128xi32, #tpu.memory_space<vmem>>, vector<1x16xi32>,
    %get3A_1542 = vector.shape_cast %get3A_1541 : vector<1x16xi32> to vector<16xi32>
    %add3A_1543 = arith.addi %get3A_1542, %mul3A_18 : vector<16xi32>
    %swap3A_1544 = arith.constant 11 : i32
    %swap3A_1545 = arith.index_cast %swap3A_1544 : i32 to index
    %swap3A_1546 = arith.index_cast %mul3A_1537 : i32 to index
    %swap3A_1547 = tpu.vector_load %arg5[%swap3A_1545, %swap3A_1546] {strides = array<i32>} : memref<16x128xi32, #tpu.memory_space<vmem>>, vector<1x16xi32>,
    %swap3A_1548 = vector.shape_cast %swap3A_1547 : vector<1x16xi32> to vector<16xi32>
    %swap3A_1549 = vector.shape_cast %add3A_1543 : vector<16xi32> to vector<1x16xi32>
    tpu.vector_store %arg5[%swap3A_1545, %swap3A_1546], %swap3A_1549 {strides = array<i32>} : memref<16x128xi32, #tpu.memory_space<vmem>>, vector<1x16xi32>,
    %scan3A_1550 = arith.constant 4 : i32
    %mul3A_1551 = arith.constant 16 : i32
    %mul3A_1552 = arith.muli %scan3A_1550, %mul3A_1551 : i32
    %get3A_1553 = arith.constant 11 : i32
    %get3A_1554 = arith.index_cast %get3A_1553 : i32 to index
    %get3A_1555 = arith.index_cast %mul3A_1552 : i32 to index
    %get3A_1556 = tpu.vector_load %arg5[%get3A_1554, %get3A_1555] {strides = array<i32>} : memref<16x128xi32, #tpu.memory_space<vmem>>, vector<1x16xi32>,
    %get3A_1557 = vector.shape_cast %get3A_1556 : vector<1x16xi32> to vector<16xi32>
    %add3A_1558 = arith.addi %get3A_1557, %mul3A_18 : vector<16xi32>
    %swap3A_1559 = arith.constant 11 : i32
    %swap3A_1560 = arith.index_cast %swap3A_1559 : i32 to index
    %swap3A_1561 = arith.index_cast %mul3A_1552 : i32 to index
    %swap3A_1562 = tpu.vector_load %arg5[%swap3A_1560, %swap3A_1561] {strides = array<i32>} : memref<16x128xi32, #tpu.memory_space<vmem>>, vector<1x16xi32>,
    %swap3A_1563 = vector.shape_cast %swap3A_1562 : vector<1x16xi32> to vector<16xi32>
    %swap3A_1564 = vector.shape_cast %add3A_1558 : vector<16xi32> to vector<1x16xi32>
    tpu.vector_store %arg5[%swap3A_1560, %swap3A_1561], %swap3A_1564 {strides = array<i32>} : memref<16x128xi32, #tpu.memory_space<vmem>>, vector<1x16xi32>,
    %scan3A_1565 = arith.constant 5 : i32
    %mul3A_1566 = arith.constant 16 : i32
    %mul3A_1567 = arith.muli %scan3A_1565, %mul3A_1566 : i32
    %get3A_1568 = arith.constant 11 : i32
    %get3A_1569 = arith.index_cast %get3A_1568 : i32 to index
    %get3A_1570 = arith.index_cast %mul3A_1567 : i32 to index
    %get3A_1571 = tpu.vector_load %arg5[%get3A_1569, %get3A_1570] {strides = array<i32>} : memref<16x128xi32, #tpu.memory_space<vmem>>, vector<1x16xi32>,
    %get3A_1572 = vector.shape_cast %get3A_1571 : vector<1x16xi32> to vector<16xi32>
    %add3A_1573 = arith.addi %get3A_1572, %mul3A_18 : vector<16xi32>
    %swap3A_1574 = arith.constant 11 : i32
    %swap3A_1575 = arith.index_cast %swap3A_1574 : i32 to index
    %swap3A_1576 = arith.index_cast %mul3A_1567 : i32 to index
    %swap3A_1577 = tpu.vector_load %arg5[%swap3A_1575, %swap3A_1576] {strides = array<i32>} : memref<16x128xi32, #tpu.memory_space<vmem>>, vector<1x16xi32>,
    %swap3A_1578 = vector.shape_cast %swap3A_1577 : vector<1x16xi32> to vector<16xi32>
    %swap3A_1579 = vector.shape_cast %add3A_1573 : vector<16xi32> to vector<1x16xi32>
    tpu.vector_store %arg5[%swap3A_1575, %swap3A_1576], %swap3A_1579 {strides = array<i32>} : memref<16x128xi32, #tpu.memory_space<vmem>>, vector<1x16xi32>,
    %scan3A_1580 = arith.constant 6 : i32
    %mul3A_1581 = arith.constant 16 : i32
    %mul3A_1582 = arith.muli %scan3A_1580, %mul3A_1581 : i32
    %get3A_1583 = arith.constant 11 : i32
    %get3A_1584 = arith.index_cast %get3A_1583 : i32 to index
    %get3A_1585 = arith.index_cast %mul3A_1582 : i32 to index
    %get3A_1586 = tpu.vector_load %arg5[%get3A_1584, %get3A_1585] {strides = array<i32>} : memref<16x128xi32, #tpu.memory_space<vmem>>, vector<1x16xi32>,
    %get3A_1587 = vector.shape_cast %get3A_1586 : vector<1x16xi32> to vector<16xi32>
    %add3A_1588 = arith.addi %get3A_1587, %mul3A_18 : vector<16xi32>
    %swap3A_1589 = arith.constant 11 : i32
    %swap3A_1590 = arith.index_cast %swap3A_1589 : i32 to index
    %swap3A_1591 = arith.index_cast %mul3A_1582 : i32 to index
    %swap3A_1592 = tpu.vector_load %arg5[%swap3A_1590, %swap3A_1591] {strides = array<i32>} : memref<16x128xi32, #tpu.memory_space<vmem>>, vector<1x16xi32>,
    %swap3A_1593 = vector.shape_cast %swap3A_1592 : vector<1x16xi32> to vector<16xi32>
    %swap3A_1594 = vector.shape_cast %add3A_1588 : vector<16xi32> to vector<1x16xi32>
    tpu.vector_store %arg5[%swap3A_1590, %swap3A_1591], %swap3A_1594 {strides = array<i32>} : memref<16x128xi32, #tpu.memory_space<vmem>>, vector<1x16xi32>,
    %scan3A_1595 = arith.constant 7 : i32
    %mul3A_1596 = arith.constant 16 : i32
    %mul3A_1597 = arith.muli %scan3A_1595, %mul3A_1596 : i32
    %get3A_1598 = arith.constant 11 : i32
    %get3A_1599 = arith.index_cast %get3A_1598 : i32 to index
    %get3A_1600 = arith.index_cast %mul3A_1597 : i32 to index
    %get3A_1601 = tpu.vector_load %arg5[%get3A_1599, %get3A_1600] {strides = array<i32>} : memref<16x128xi32, #tpu.memory_space<vmem>>, vector<1x16xi32>,
    %get3A_1602 = vector.shape_cast %get3A_1601 : vector<1x16xi32> to vector<16xi32>
    %add3A_1603 = arith.addi %get3A_1602, %mul3A_18 : vector<16xi32>
    %swap3A_1604 = arith.constant 11 : i32
    %swap3A_1605 = arith.index_cast %swap3A_1604 : i32 to index
    %swap3A_1606 = arith.index_cast %mul3A_1597 : i32 to index
    %swap3A_1607 = tpu.vector_load %arg5[%swap3A_1605, %swap3A_1606] {strides = array<i32>} : memref<16x128xi32, #tpu.memory_space<vmem>>, vector<1x16xi32>,
    %swap3A_1608 = vector.shape_cast %swap3A_1607 : vector<1x16xi32> to vector<16xi32>
    %swap3A_1609 = vector.shape_cast %add3A_1603 : vector<16xi32> to vector<1x16xi32>
    tpu.vector_store %arg5[%swap3A_1605, %swap3A_1606], %swap3A_1609 {strides = array<i32>} : memref<16x128xi32, #tpu.memory_space<vmem>>, vector<1x16xi32>,
    %scan3A_1610 = arith.constant 8 : i32
    %dma_start3A_1611 = arith.constant 11 : i32
    %dma_start3A_1612 = arith.constant 11 : i32
    %dma_start3A_1613 = arith.constant 0 : i32
    %dma_start3A_1614 = arith.constant 0 : i32
    %dma_start3A_1615 = tpu.memref_slice %arg6[%dma_start3A_1612, %dma_start3A_1613, %dma_start3A_1614] : memref<16x128x32xf32, #tpu.memory_space<vmem>> -> memref<1x128x32xf32, #tpu.memory_space<vmem>>
    %dma_start3A_1616 = tpu.memref_squeeze %dma_start3A_1615 : memref<1x128x32xf32, #tpu.memory_space<vmem>> -> memref<128x32xf32, #tpu.memory_space<vmem>>
    %dma_start3A_1617 = arith.constant 0 : i32
    %dma_start3A_1618 = tpu.memref_slice %arg5[%dma_start3A_1611, %dma_start3A_1617] : memref<16x128xi32, #tpu.memory_space<vmem>> -> memref<1x128xi32, #tpu.memory_space<vmem>>
    %dma_start3A_1619 = tpu.memref_squeeze %dma_start3A_1618 : memref<1x128xi32, #tpu.memory_space<vmem>> -> memref<128xi32, #tpu.memory_space<vmem>>
    %dma_start3A_1620 = arith.constant 0 : i32
    %dma_start3A_1621 = arith.constant 0 : i32
    %dma_start3A_1622 = tpu.memref_slice %arg3[%dma_start3A_1620, %dma_start3A_1621] : memref<400000x32xf32, #tpu.memory_space<hbm>> -> memref<400000x32xf32, #tpu.memory_space<hbm>>
    tpu.enqueue_indirect_dma source(%dma_start3A_1622 : memref<400000x32xf32, #tpu.memory_space<hbm>>) target(%dma_start3A_1616 : memref<128x32xf32, #tpu.memory_space<vmem>>) offsets(%dma_start3A_1619 : memref<128xi32, #tpu.memory_space<vmem>>) semaphore(%arg7 : memref<!tpu.dma_semaphore, #tpu.memory_space<semaphore_mem>>)
    %scan3A_1623 = arith.constant 0 : i32
    %scan3A_1624 = arith.constant 0 : i32
    %mul3A_1625 = arith.constant 16 : i32
    %mul3A_1626 = arith.muli %scan3A_1624, %mul3A_1625 : i32
    %get3A_1627 = arith.constant 12 : i32
    %get3A_1628 = arith.index_cast %get3A_1627 : i32 to index
    %get3A_1629 = arith.index_cast %mul3A_1626 : i32 to index
    %get3A_1630 = tpu.vector_load %arg5[%get3A_1628, %get3A_1629] {strides = array<i32>} : memref<16x128xi32, #tpu.memory_space<vmem>>, vector<1x16xi32>,
    %get3A_1631 = vector.shape_cast %get3A_1630 : vector<1x16xi32> to vector<16xi32>
    %add3A_1632 = arith.addi %get3A_1631, %mul3A_18 : vector<16xi32>
    %swap3A_1633 = arith.constant 12 : i32
    %swap3A_1634 = arith.index_cast %swap3A_1633 : i32 to index
    %swap3A_1635 = arith.index_cast %mul3A_1626 : i32 to index
    %swap3A_1636 = tpu.vector_load %arg5[%swap3A_1634, %swap3A_1635] {strides = array<i32>} : memref<16x128xi32, #tpu.memory_space<vmem>>, vector<1x16xi32>,
    %swap3A_1637 = vector.shape_cast %swap3A_1636 : vector<1x16xi32> to vector<16xi32>
    %swap3A_1638 = vector.shape_cast %add3A_1632 : vector<16xi32> to vector<1x16xi32>
    tpu.vector_store %arg5[%swap3A_1634, %swap3A_1635], %swap3A_1638 {strides = array<i32>} : memref<16x128xi32, #tpu.memory_space<vmem>>, vector<1x16xi32>,
    %scan3A_1639 = arith.constant 1 : i32
    %mul3A_1640 = arith.constant 16 : i32
    %mul3A_1641 = arith.muli %scan3A_1639, %mul3A_1640 : i32
    %get3A_1642 = arith.constant 12 : i32
    %get3A_1643 = arith.index_cast %get3A_1642 : i32 to index
    %get3A_1644 = arith.index_cast %mul3A_1641 : i32 to index
    %get3A_1645 = tpu.vector_load %arg5[%get3A_1643, %get3A_1644] {strides = array<i32>} : memref<16x128xi32, #tpu.memory_space<vmem>>, vector<1x16xi32>,
    %get3A_1646 = vector.shape_cast %get3A_1645 : vector<1x16xi32> to vector<16xi32>
    %add3A_1647 = arith.addi %get3A_1646, %mul3A_18 : vector<16xi32>
    %swap3A_1648 = arith.constant 12 : i32
    %swap3A_1649 = arith.index_cast %swap3A_1648 : i32 to index
    %swap3A_1650 = arith.index_cast %mul3A_1641 : i32 to index
    %swap3A_1651 = tpu.vector_load %arg5[%swap3A_1649, %swap3A_1650] {strides = array<i32>} : memref<16x128xi32, #tpu.memory_space<vmem>>, vector<1x16xi32>,
    %swap3A_1652 = vector.shape_cast %swap3A_1651 : vector<1x16xi32> to vector<16xi32>
    %swap3A_1653 = vector.shape_cast %add3A_1647 : vector<16xi32> to vector<1x16xi32>
    tpu.vector_store %arg5[%swap3A_1649, %swap3A_1650], %swap3A_1653 {strides = array<i32>} : memref<16x128xi32, #tpu.memory_space<vmem>>, vector<1x16xi32>,
    %scan3A_1654 = arith.constant 2 : i32
    %mul3A_1655 = arith.constant 16 : i32
    %mul3A_1656 = arith.muli %scan3A_1654, %mul3A_1655 : i32
    %get3A_1657 = arith.constant 12 : i32
    %get3A_1658 = arith.index_cast %get3A_1657 : i32 to index
    %get3A_1659 = arith.index_cast %mul3A_1656 : i32 to index
    %get3A_1660 = tpu.vector_load %arg5[%get3A_1658, %get3A_1659] {strides = array<i32>} : memref<16x128xi32, #tpu.memory_space<vmem>>, vector<1x16xi32>,
    %get3A_1661 = vector.shape_cast %get3A_1660 : vector<1x16xi32> to vector<16xi32>
    %add3A_1662 = arith.addi %get3A_1661, %mul3A_18 : vector<16xi32>
    %swap3A_1663 = arith.constant 12 : i32
    %swap3A_1664 = arith.index_cast %swap3A_1663 : i32 to index
    %swap3A_1665 = arith.index_cast %mul3A_1656 : i32 to index
    %swap3A_1666 = tpu.vector_load %arg5[%swap3A_1664, %swap3A_1665] {strides = array<i32>} : memref<16x128xi32, #tpu.memory_space<vmem>>, vector<1x16xi32>,
    %swap3A_1667 = vector.shape_cast %swap3A_1666 : vector<1x16xi32> to vector<16xi32>
    %swap3A_1668 = vector.shape_cast %add3A_1662 : vector<16xi32> to vector<1x16xi32>
    tpu.vector_store %arg5[%swap3A_1664, %swap3A_1665], %swap3A_1668 {strides = array<i32>} : memref<16x128xi32, #tpu.memory_space<vmem>>, vector<1x16xi32>,
    %scan3A_1669 = arith.constant 3 : i32
    %mul3A_1670 = arith.constant 16 : i32
    %mul3A_1671 = arith.muli %scan3A_1669, %mul3A_1670 : i32
    %get3A_1672 = arith.constant 12 : i32
    %get3A_1673 = arith.index_cast %get3A_1672 : i32 to index
    %get3A_1674 = arith.index_cast %mul3A_1671 : i32 to index
    %get3A_1675 = tpu.vector_load %arg5[%get3A_1673, %get3A_1674] {strides = array<i32>} : memref<16x128xi32, #tpu.memory_space<vmem>>, vector<1x16xi32>,
    %get3A_1676 = vector.shape_cast %get3A_1675 : vector<1x16xi32> to vector<16xi32>
    %add3A_1677 = arith.addi %get3A_1676, %mul3A_18 : vector<16xi32>
    %swap3A_1678 = arith.constant 12 : i32
    %swap3A_1679 = arith.index_cast %swap3A_1678 : i32 to index
    %swap3A_1680 = arith.index_cast %mul3A_1671 : i32 to index
    %swap3A_1681 = tpu.vector_load %arg5[%swap3A_1679, %swap3A_1680] {strides = array<i32>} : memref<16x128xi32, #tpu.memory_space<vmem>>, vector<1x16xi32>,
    %swap3A_1682 = vector.shape_cast %swap3A_1681 : vector<1x16xi32> to vector<16xi32>
    %swap3A_1683 = vector.shape_cast %add3A_1677 : vector<16xi32> to vector<1x16xi32>
    tpu.vector_store %arg5[%swap3A_1679, %swap3A_1680], %swap3A_1683 {strides = array<i32>} : memref<16x128xi32, #tpu.memory_space<vmem>>, vector<1x16xi32>,
    %scan3A_1684 = arith.constant 4 : i32
    %mul3A_1685 = arith.constant 16 : i32
    %mul3A_1686 = arith.muli %scan3A_1684, %mul3A_1685 : i32
    %get3A_1687 = arith.constant 12 : i32
    %get3A_1688 = arith.index_cast %get3A_1687 : i32 to index
    %get3A_1689 = arith.index_cast %mul3A_1686 : i32 to index
    %get3A_1690 = tpu.vector_load %arg5[%get3A_1688, %get3A_1689] {strides = array<i32>} : memref<16x128xi32, #tpu.memory_space<vmem>>, vector<1x16xi32>,
    %get3A_1691 = vector.shape_cast %get3A_1690 : vector<1x16xi32> to vector<16xi32>
    %add3A_1692 = arith.addi %get3A_1691, %mul3A_18 : vector<16xi32>
    %swap3A_1693 = arith.constant 12 : i32
    %swap3A_1694 = arith.index_cast %swap3A_1693 : i32 to index
    %swap3A_1695 = arith.index_cast %mul3A_1686 : i32 to index
    %swap3A_1696 = tpu.vector_load %arg5[%swap3A_1694, %swap3A_1695] {strides = array<i32>} : memref<16x128xi32, #tpu.memory_space<vmem>>, vector<1x16xi32>,
    %swap3A_1697 = vector.shape_cast %swap3A_1696 : vector<1x16xi32> to vector<16xi32>
    %swap3A_1698 = vector.shape_cast %add3A_1692 : vector<16xi32> to vector<1x16xi32>
    tpu.vector_store %arg5[%swap3A_1694, %swap3A_1695], %swap3A_1698 {strides = array<i32>} : memref<16x128xi32, #tpu.memory_space<vmem>>, vector<1x16xi32>,
    %scan3A_1699 = arith.constant 5 : i32
    %mul3A_1700 = arith.constant 16 : i32
    %mul3A_1701 = arith.muli %scan3A_1699, %mul3A_1700 : i32
    %get3A_1702 = arith.constant 12 : i32
    %get3A_1703 = arith.index_cast %get3A_1702 : i32 to index
    %get3A_1704 = arith.index_cast %mul3A_1701 : i32 to index
    %get3A_1705 = tpu.vector_load %arg5[%get3A_1703, %get3A_1704] {strides = array<i32>} : memref<16x128xi32, #tpu.memory_space<vmem>>, vector<1x16xi32>,
    %get3A_1706 = vector.shape_cast %get3A_1705 : vector<1x16xi32> to vector<16xi32>
    %add3A_1707 = arith.addi %get3A_1706, %mul3A_18 : vector<16xi32>
    %swap3A_1708 = arith.constant 12 : i32
    %swap3A_1709 = arith.index_cast %swap3A_1708 : i32 to index
    %swap3A_1710 = arith.index_cast %mul3A_1701 : i32 to index
    %swap3A_1711 = tpu.vector_load %arg5[%swap3A_1709, %swap3A_1710] {strides = array<i32>} : memref<16x128xi32, #tpu.memory_space<vmem>>, vector<1x16xi32>,
    %swap3A_1712 = vector.shape_cast %swap3A_1711 : vector<1x16xi32> to vector<16xi32>
    %swap3A_1713 = vector.shape_cast %add3A_1707 : vector<16xi32> to vector<1x16xi32>
    tpu.vector_store %arg5[%swap3A_1709, %swap3A_1710], %swap3A_1713 {strides = array<i32>} : memref<16x128xi32, #tpu.memory_space<vmem>>, vector<1x16xi32>,
    %scan3A_1714 = arith.constant 6 : i32
    %mul3A_1715 = arith.constant 16 : i32
    %mul3A_1716 = arith.muli %scan3A_1714, %mul3A_1715 : i32
    %get3A_1717 = arith.constant 12 : i32
    %get3A_1718 = arith.index_cast %get3A_1717 : i32 to index
    %get3A_1719 = arith.index_cast %mul3A_1716 : i32 to index
    %get3A_1720 = tpu.vector_load %arg5[%get3A_1718, %get3A_1719] {strides = array<i32>} : memref<16x128xi32, #tpu.memory_space<vmem>>, vector<1x16xi32>,
    %get3A_1721 = vector.shape_cast %get3A_1720 : vector<1x16xi32> to vector<16xi32>
    %add3A_1722 = arith.addi %get3A_1721, %mul3A_18 : vector<16xi32>
    %swap3A_1723 = arith.constant 12 : i32
    %swap3A_1724 = arith.index_cast %swap3A_1723 : i32 to index
    %swap3A_1725 = arith.index_cast %mul3A_1716 : i32 to index
    %swap3A_1726 = tpu.vector_load %arg5[%swap3A_1724, %swap3A_1725] {strides = array<i32>} : memref<16x128xi32, #tpu.memory_space<vmem>>, vector<1x16xi32>,
    %swap3A_1727 = vector.shape_cast %swap3A_1726 : vector<1x16xi32> to vector<16xi32>
    %swap3A_1728 = vector.shape_cast %add3A_1722 : vector<16xi32> to vector<1x16xi32>
    tpu.vector_store %arg5[%swap3A_1724, %swap3A_1725], %swap3A_1728 {strides = array<i32>} : memref<16x128xi32, #tpu.memory_space<vmem>>, vector<1x16xi32>,
    %scan3A_1729 = arith.constant 7 : i32
    %mul3A_1730 = arith.constant 16 : i32
    %mul3A_1731 = arith.muli %scan3A_1729, %mul3A_1730 : i32
    %get3A_1732 = arith.constant 12 : i32
    %get3A_1733 = arith.index_cast %get3A_1732 : i32 to index
    %get3A_1734 = arith.index_cast %mul3A_1731 : i32 to index
    %get3A_1735 = tpu.vector_load %arg5[%get3A_1733, %get3A_1734] {strides = array<i32>} : memref<16x128xi32, #tpu.memory_space<vmem>>, vector<1x16xi32>,
    %get3A_1736 = vector.shape_cast %get3A_1735 : vector<1x16xi32> to vector<16xi32>
    %add3A_1737 = arith.addi %get3A_1736, %mul3A_18 : vector<16xi32>
    %swap3A_1738 = arith.constant 12 : i32
    %swap3A_1739 = arith.index_cast %swap3A_1738 : i32 to index
    %swap3A_1740 = arith.index_cast %mul3A_1731 : i32 to index
    %swap3A_1741 = tpu.vector_load %arg5[%swap3A_1739, %swap3A_1740] {strides = array<i32>} : memref<16x128xi32, #tpu.memory_space<vmem>>, vector<1x16xi32>,
    %swap3A_1742 = vector.shape_cast %swap3A_1741 : vector<1x16xi32> to vector<16xi32>
    %swap3A_1743 = vector.shape_cast %add3A_1737 : vector<16xi32> to vector<1x16xi32>
    tpu.vector_store %arg5[%swap3A_1739, %swap3A_1740], %swap3A_1743 {strides = array<i32>} : memref<16x128xi32, #tpu.memory_space<vmem>>, vector<1x16xi32>,
    %scan3A_1744 = arith.constant 8 : i32
    %dma_start3A_1745 = arith.constant 12 : i32
    %dma_start3A_1746 = arith.constant 12 : i32
    %dma_start3A_1747 = arith.constant 0 : i32
    %dma_start3A_1748 = arith.constant 0 : i32
    %dma_start3A_1749 = tpu.memref_slice %arg6[%dma_start3A_1746, %dma_start3A_1747, %dma_start3A_1748] : memref<16x128x32xf32, #tpu.memory_space<vmem>> -> memref<1x128x32xf32, #tpu.memory_space<vmem>>
    %dma_start3A_1750 = tpu.memref_squeeze %dma_start3A_1749 : memref<1x128x32xf32, #tpu.memory_space<vmem>> -> memref<128x32xf32, #tpu.memory_space<vmem>>
    %dma_start3A_1751 = arith.constant 0 : i32
    %dma_start3A_1752 = tpu.memref_slice %arg5[%dma_start3A_1745, %dma_start3A_1751] : memref<16x128xi32, #tpu.memory_space<vmem>> -> memref<1x128xi32, #tpu.memory_space<vmem>>
    %dma_start3A_1753 = tpu.memref_squeeze %dma_start3A_1752 : memref<1x128xi32, #tpu.memory_space<vmem>> -> memref<128xi32, #tpu.memory_space<vmem>>
    %dma_start3A_1754 = arith.constant 0 : i32
    %dma_start3A_1755 = arith.constant 0 : i32
    %dma_start3A_1756 = tpu.memref_slice %arg3[%dma_start3A_1754, %dma_start3A_1755] : memref<400000x32xf32, #tpu.memory_space<hbm>> -> memref<400000x32xf32, #tpu.memory_space<hbm>>
    tpu.enqueue_indirect_dma source(%dma_start3A_1756 : memref<400000x32xf32, #tpu.memory_space<hbm>>) target(%dma_start3A_1750 : memref<128x32xf32, #tpu.memory_space<vmem>>) offsets(%dma_start3A_1753 : memref<128xi32, #tpu.memory_space<vmem>>) semaphore(%arg7 : memref<!tpu.dma_semaphore, #tpu.memory_space<semaphore_mem>>)
    %scan3A_1757 = arith.constant 0 : i32
    %scan3A_1758 = arith.constant 0 : i32
    %mul3A_1759 = arith.constant 16 : i32
    %mul3A_1760 = arith.muli %scan3A_1758, %mul3A_1759 : i32
    %get3A_1761 = arith.constant 13 : i32
    %get3A_1762 = arith.index_cast %get3A_1761 : i32 to index
    %get3A_1763 = arith.index_cast %mul3A_1760 : i32 to index
    %get3A_1764 = tpu.vector_load %arg5[%get3A_1762, %get3A_1763] {strides = array<i32>} : memref<16x128xi32, #tpu.memory_space<vmem>>, vector<1x16xi32>,
    %get3A_1765 = vector.shape_cast %get3A_1764 : vector<1x16xi32> to vector<16xi32>
    %add3A_1766 = arith.addi %get3A_1765, %mul3A_18 : vector<16xi32>
    %swap3A_1767 = arith.constant 13 : i32
    %swap3A_1768 = arith.index_cast %swap3A_1767 : i32 to index
    %swap3A_1769 = arith.index_cast %mul3A_1760 : i32 to index
    %swap3A_1770 = tpu.vector_load %arg5[%swap3A_1768, %swap3A_1769] {strides = array<i32>} : memref<16x128xi32, #tpu.memory_space<vmem>>, vector<1x16xi32>,
    %swap3A_1771 = vector.shape_cast %swap3A_1770 : vector<1x16xi32> to vector<16xi32>
    %swap3A_1772 = vector.shape_cast %add3A_1766 : vector<16xi32> to vector<1x16xi32>
    tpu.vector_store %arg5[%swap3A_1768, %swap3A_1769], %swap3A_1772 {strides = array<i32>} : memref<16x128xi32, #tpu.memory_space<vmem>>, vector<1x16xi32>,
    %scan3A_1773 = arith.constant 1 : i32
    %mul3A_1774 = arith.constant 16 : i32
    %mul3A_1775 = arith.muli %scan3A_1773, %mul3A_1774 : i32
    %get3A_1776 = arith.constant 13 : i32
    %get3A_1777 = arith.index_cast %get3A_1776 : i32 to index
    %get3A_1778 = arith.index_cast %mul3A_1775 : i32 to index
    %get3A_1779 = tpu.vector_load %arg5[%get3A_1777, %get3A_1778] {strides = array<i32>} : memref<16x128xi32, #tpu.memory_space<vmem>>, vector<1x16xi32>,
    %get3A_1780 = vector.shape_cast %get3A_1779 : vector<1x16xi32> to vector<16xi32>
    %add3A_1781 = arith.addi %get3A_1780, %mul3A_18 : vector<16xi32>
    %swap3A_1782 = arith.constant 13 : i32
    %swap3A_1783 = arith.index_cast %swap3A_1782 : i32 to index
    %swap3A_1784 = arith.index_cast %mul3A_1775 : i32 to index
    %swap3A_1785 = tpu.vector_load %arg5[%swap3A_1783, %swap3A_1784] {strides = array<i32>} : memref<16x128xi32, #tpu.memory_space<vmem>>, vector<1x16xi32>,
    %swap3A_1786 = vector.shape_cast %swap3A_1785 : vector<1x16xi32> to vector<16xi32>
    %swap3A_1787 = vector.shape_cast %add3A_1781 : vector<16xi32> to vector<1x16xi32>
    tpu.vector_store %arg5[%swap3A_1783, %swap3A_1784], %swap3A_1787 {strides = array<i32>} : memref<16x128xi32, #tpu.memory_space<vmem>>, vector<1x16xi32>,
    %scan3A_1788 = arith.constant 2 : i32
    %mul3A_1789 = arith.constant 16 : i32
    %mul3A_1790 = arith.muli %scan3A_1788, %mul3A_1789 : i32
    %get3A_1791 = arith.constant 13 : i32
    %get3A_1792 = arith.index_cast %get3A_1791 : i32 to index
    %get3A_1793 = arith.index_cast %mul3A_1790 : i32 to index
    %get3A_1794 = tpu.vector_load %arg5[%get3A_1792, %get3A_1793] {strides = array<i32>} : memref<16x128xi32, #tpu.memory_space<vmem>>, vector<1x16xi32>,
    %get3A_1795 = vector.shape_cast %get3A_1794 : vector<1x16xi32> to vector<16xi32>
    %add3A_1796 = arith.addi %get3A_1795, %mul3A_18 : vector<16xi32>
    %swap3A_1797 = arith.constant 13 : i32
    %swap3A_1798 = arith.index_cast %swap3A_1797 : i32 to index
    %swap3A_1799 = arith.index_cast %mul3A_1790 : i32 to index
    %swap3A_1800 = tpu.vector_load %arg5[%swap3A_1798, %swap3A_1799] {strides = array<i32>} : memref<16x128xi32, #tpu.memory_space<vmem>>, vector<1x16xi32>,
    %swap3A_1801 = vector.shape_cast %swap3A_1800 : vector<1x16xi32> to vector<16xi32>
    %swap3A_1802 = vector.shape_cast %add3A_1796 : vector<16xi32> to vector<1x16xi32>
    tpu.vector_store %arg5[%swap3A_1798, %swap3A_1799], %swap3A_1802 {strides = array<i32>} : memref<16x128xi32, #tpu.memory_space<vmem>>, vector<1x16xi32>,
    %scan3A_1803 = arith.constant 3 : i32
    %mul3A_1804 = arith.constant 16 : i32
    %mul3A_1805 = arith.muli %scan3A_1803, %mul3A_1804 : i32
    %get3A_1806 = arith.constant 13 : i32
    %get3A_1807 = arith.index_cast %get3A_1806 : i32 to index
    %get3A_1808 = arith.index_cast %mul3A_1805 : i32 to index
    %get3A_1809 = tpu.vector_load %arg5[%get3A_1807, %get3A_1808] {strides = array<i32>} : memref<16x128xi32, #tpu.memory_space<vmem>>, vector<1x16xi32>,
    %get3A_1810 = vector.shape_cast %get3A_1809 : vector<1x16xi32> to vector<16xi32>
    %add3A_1811 = arith.addi %get3A_1810, %mul3A_18 : vector<16xi32>
    %swap3A_1812 = arith.constant 13 : i32
    %swap3A_1813 = arith.index_cast %swap3A_1812 : i32 to index
    %swap3A_1814 = arith.index_cast %mul3A_1805 : i32 to index
    %swap3A_1815 = tpu.vector_load %arg5[%swap3A_1813, %swap3A_1814] {strides = array<i32>} : memref<16x128xi32, #tpu.memory_space<vmem>>, vector<1x16xi32>,
    %swap3A_1816 = vector.shape_cast %swap3A_1815 : vector<1x16xi32> to vector<16xi32>
    %swap3A_1817 = vector.shape_cast %add3A_1811 : vector<16xi32> to vector<1x16xi32>
    tpu.vector_store %arg5[%swap3A_1813, %swap3A_1814], %swap3A_1817 {strides = array<i32>} : memref<16x128xi32, #tpu.memory_space<vmem>>, vector<1x16xi32>,
    %scan3A_1818 = arith.constant 4 : i32
    %mul3A_1819 = arith.constant 16 : i32
    %mul3A_1820 = arith.muli %scan3A_1818, %mul3A_1819 : i32
    %get3A_1821 = arith.constant 13 : i32
    %get3A_1822 = arith.index_cast %get3A_1821 : i32 to index
    %get3A_1823 = arith.index_cast %mul3A_1820 : i32 to index
    %get3A_1824 = tpu.vector_load %arg5[%get3A_1822, %get3A_1823] {strides = array<i32>} : memref<16x128xi32, #tpu.memory_space<vmem>>, vector<1x16xi32>,
    %get3A_1825 = vector.shape_cast %get3A_1824 : vector<1x16xi32> to vector<16xi32>
    %add3A_1826 = arith.addi %get3A_1825, %mul3A_18 : vector<16xi32>
    %swap3A_1827 = arith.constant 13 : i32
    %swap3A_1828 = arith.index_cast %swap3A_1827 : i32 to index
    %swap3A_1829 = arith.index_cast %mul3A_1820 : i32 to index
    %swap3A_1830 = tpu.vector_load %arg5[%swap3A_1828, %swap3A_1829] {strides = array<i32>} : memref<16x128xi32, #tpu.memory_space<vmem>>, vector<1x16xi32>,
    %swap3A_1831 = vector.shape_cast %swap3A_1830 : vector<1x16xi32> to vector<16xi32>
    %swap3A_1832 = vector.shape_cast %add3A_1826 : vector<16xi32> to vector<1x16xi32>
    tpu.vector_store %arg5[%swap3A_1828, %swap3A_1829], %swap3A_1832 {strides = array<i32>} : memref<16x128xi32, #tpu.memory_space<vmem>>, vector<1x16xi32>,
    %scan3A_1833 = arith.constant 5 : i32
    %mul3A_1834 = arith.constant 16 : i32
    %mul3A_1835 = arith.muli %scan3A_1833, %mul3A_1834 : i32
    %get3A_1836 = arith.constant 13 : i32
    %get3A_1837 = arith.index_cast %get3A_1836 : i32 to index
    %get3A_1838 = arith.index_cast %mul3A_1835 : i32 to index
    %get3A_1839 = tpu.vector_load %arg5[%get3A_1837, %get3A_1838] {strides = array<i32>} : memref<16x128xi32, #tpu.memory_space<vmem>>, vector<1x16xi32>,
    %get3A_1840 = vector.shape_cast %get3A_1839 : vector<1x16xi32> to vector<16xi32>
    %add3A_1841 = arith.addi %get3A_1840, %mul3A_18 : vector<16xi32>
    %swap3A_1842 = arith.constant 13 : i32
    %swap3A_1843 = arith.index_cast %swap3A_1842 : i32 to index
    %swap3A_1844 = arith.index_cast %mul3A_1835 : i32 to index
    %swap3A_1845 = tpu.vector_load %arg5[%swap3A_1843, %swap3A_1844] {strides = array<i32>} : memref<16x128xi32, #tpu.memory_space<vmem>>, vector<1x16xi32>,
    %swap3A_1846 = vector.shape_cast %swap3A_1845 : vector<1x16xi32> to vector<16xi32>
    %swap3A_1847 = vector.shape_cast %add3A_1841 : vector<16xi32> to vector<1x16xi32>
    tpu.vector_store %arg5[%swap3A_1843, %swap3A_1844], %swap3A_1847 {strides = array<i32>} : memref<16x128xi32, #tpu.memory_space<vmem>>, vector<1x16xi32>,
    %scan3A_1848 = arith.constant 6 : i32
    %mul3A_1849 = arith.constant 16 : i32
    %mul3A_1850 = arith.muli %scan3A_1848, %mul3A_1849 : i32
    %get3A_1851 = arith.constant 13 : i32
    %get3A_1852 = arith.index_cast %get3A_1851 : i32 to index
    %get3A_1853 = arith.index_cast %mul3A_1850 : i32 to index
    %get3A_1854 = tpu.vector_load %arg5[%get3A_1852, %get3A_1853] {strides = array<i32>} : memref<16x128xi32, #tpu.memory_space<vmem>>, vector<1x16xi32>,
    %get3A_1855 = vector.shape_cast %get3A_1854 : vector<1x16xi32> to vector<16xi32>
    %add3A_1856 = arith.addi %get3A_1855, %mul3A_18 : vector<16xi32>
    %swap3A_1857 = arith.constant 13 : i32
    %swap3A_1858 = arith.index_cast %swap3A_1857 : i32 to index
    %swap3A_1859 = arith.index_cast %mul3A_1850 : i32 to index
    %swap3A_1860 = tpu.vector_load %arg5[%swap3A_1858, %swap3A_1859] {strides = array<i32>} : memref<16x128xi32, #tpu.memory_space<vmem>>, vector<1x16xi32>,
    %swap3A_1861 = vector.shape_cast %swap3A_1860 : vector<1x16xi32> to vector<16xi32>
    %swap3A_1862 = vector.shape_cast %add3A_1856 : vector<16xi32> to vector<1x16xi32>
    tpu.vector_store %arg5[%swap3A_1858, %swap3A_1859], %swap3A_1862 {strides = array<i32>} : memref<16x128xi32, #tpu.memory_space<vmem>>, vector<1x16xi32>,
    %scan3A_1863 = arith.constant 7 : i32
    %mul3A_1864 = arith.constant 16 : i32
    %mul3A_1865 = arith.muli %scan3A_1863, %mul3A_1864 : i32
    %get3A_1866 = arith.constant 13 : i32
    %get3A_1867 = arith.index_cast %get3A_1866 : i32 to index
    %get3A_1868 = arith.index_cast %mul3A_1865 : i32 to index
    %get3A_1869 = tpu.vector_load %arg5[%get3A_1867, %get3A_1868] {strides = array<i32>} : memref<16x128xi32, #tpu.memory_space<vmem>>, vector<1x16xi32>,
    %get3A_1870 = vector.shape_cast %get3A_1869 : vector<1x16xi32> to vector<16xi32>
    %add3A_1871 = arith.addi %get3A_1870, %mul3A_18 : vector<16xi32>
    %swap3A_1872 = arith.constant 13 : i32
    %swap3A_1873 = arith.index_cast %swap3A_1872 : i32 to index
    %swap3A_1874 = arith.index_cast %mul3A_1865 : i32 to index
    %swap3A_1875 = tpu.vector_load %arg5[%swap3A_1873, %swap3A_1874] {strides = array<i32>} : memref<16x128xi32, #tpu.memory_space<vmem>>, vector<1x16xi32>,
    %swap3A_1876 = vector.shape_cast %swap3A_1875 : vector<1x16xi32> to vector<16xi32>
    %swap3A_1877 = vector.shape_cast %add3A_1871 : vector<16xi32> to vector<1x16xi32>
    tpu.vector_store %arg5[%swap3A_1873, %swap3A_1874], %swap3A_1877 {strides = array<i32>} : memref<16x128xi32, #tpu.memory_space<vmem>>, vector<1x16xi32>,
    %scan3A_1878 = arith.constant 8 : i32
    %dma_start3A_1879 = arith.constant 13 : i32
    %dma_start3A_1880 = arith.constant 13 : i32
    %dma_start3A_1881 = arith.constant 0 : i32
    %dma_start3A_1882 = arith.constant 0 : i32
    %dma_start3A_1883 = tpu.memref_slice %arg6[%dma_start3A_1880, %dma_start3A_1881, %dma_start3A_1882] : memref<16x128x32xf32, #tpu.memory_space<vmem>> -> memref<1x128x32xf32, #tpu.memory_space<vmem>>
    %dma_start3A_1884 = tpu.memref_squeeze %dma_start3A_1883 : memref<1x128x32xf32, #tpu.memory_space<vmem>> -> memref<128x32xf32, #tpu.memory_space<vmem>>
    %dma_start3A_1885 = arith.constant 0 : i32
    %dma_start3A_1886 = tpu.memref_slice %arg5[%dma_start3A_1879, %dma_start3A_1885] : memref<16x128xi32, #tpu.memory_space<vmem>> -> memref<1x128xi32, #tpu.memory_space<vmem>>
    %dma_start3A_1887 = tpu.memref_squeeze %dma_start3A_1886 : memref<1x128xi32, #tpu.memory_space<vmem>> -> memref<128xi32, #tpu.memory_space<vmem>>
    %dma_start3A_1888 = arith.constant 0 : i32
    %dma_start3A_1889 = arith.constant 0 : i32
    %dma_start3A_1890 = tpu.memref_slice %arg3[%dma_start3A_1888, %dma_start3A_1889] : memref<400000x32xf32, #tpu.memory_space<hbm>> -> memref<400000x32xf32, #tpu.memory_space<hbm>>
    tpu.enqueue_indirect_dma source(%dma_start3A_1890 : memref<400000x32xf32, #tpu.memory_space<hbm>>) target(%dma_start3A_1884 : memref<128x32xf32, #tpu.memory_space<vmem>>) offsets(%dma_start3A_1887 : memref<128xi32, #tpu.memory_space<vmem>>) semaphore(%arg7 : memref<!tpu.dma_semaphore, #tpu.memory_space<semaphore_mem>>)
    %scan3A_1891 = arith.constant 0 : i32
    %scan3A_1892 = arith.constant 0 : i32
    %mul3A_1893 = arith.constant 16 : i32
    %mul3A_1894 = arith.muli %scan3A_1892, %mul3A_1893 : i32
    %get3A_1895 = arith.constant 14 : i32
    %get3A_1896 = arith.index_cast %get3A_1895 : i32 to index
    %get3A_1897 = arith.index_cast %mul3A_1894 : i32 to index
    %get3A_1898 = tpu.vector_load %arg5[%get3A_1896, %get3A_1897] {strides = array<i32>} : memref<16x128xi32, #tpu.memory_space<vmem>>, vector<1x16xi32>,
    %get3A_1899 = vector.shape_cast %get3A_1898 : vector<1x16xi32> to vector<16xi32>
    %add3A_1900 = arith.addi %get3A_1899, %mul3A_18 : vector<16xi32>
    %swap3A_1901 = arith.constant 14 : i32
    %swap3A_1902 = arith.index_cast %swap3A_1901 : i32 to index
    %swap3A_1903 = arith.index_cast %mul3A_1894 : i32 to index
    %swap3A_1904 = tpu.vector_load %arg5[%swap3A_1902, %swap3A_1903] {strides = array<i32>} : memref<16x128xi32, #tpu.memory_space<vmem>>, vector<1x16xi32>,
    %swap3A_1905 = vector.shape_cast %swap3A_1904 : vector<1x16xi32> to vector<16xi32>
    %swap3A_1906 = vector.shape_cast %add3A_1900 : vector<16xi32> to vector<1x16xi32>
    tpu.vector_store %arg5[%swap3A_1902, %swap3A_1903], %swap3A_1906 {strides = array<i32>} : memref<16x128xi32, #tpu.memory_space<vmem>>, vector<1x16xi32>,
    %scan3A_1907 = arith.constant 1 : i32
    %mul3A_1908 = arith.constant 16 : i32
    %mul3A_1909 = arith.muli %scan3A_1907, %mul3A_1908 : i32
    %get3A_1910 = arith.constant 14 : i32
    %get3A_1911 = arith.index_cast %get3A_1910 : i32 to index
    %get3A_1912 = arith.index_cast %mul3A_1909 : i32 to index
    %get3A_1913 = tpu.vector_load %arg5[%get3A_1911, %get3A_1912] {strides = array<i32>} : memref<16x128xi32, #tpu.memory_space<vmem>>, vector<1x16xi32>,
    %get3A_1914 = vector.shape_cast %get3A_1913 : vector<1x16xi32> to vector<16xi32>
    %add3A_1915 = arith.addi %get3A_1914, %mul3A_18 : vector<16xi32>
    %swap3A_1916 = arith.constant 14 : i32
    %swap3A_1917 = arith.index_cast %swap3A_1916 : i32 to index
    %swap3A_1918 = arith.index_cast %mul3A_1909 : i32 to index
    %swap3A_1919 = tpu.vector_load %arg5[%swap3A_1917, %swap3A_1918] {strides = array<i32>} : memref<16x128xi32, #tpu.memory_space<vmem>>, vector<1x16xi32>,
    %swap3A_1920 = vector.shape_cast %swap3A_1919 : vector<1x16xi32> to vector<16xi32>
    %swap3A_1921 = vector.shape_cast %add3A_1915 : vector<16xi32> to vector<1x16xi32>
    tpu.vector_store %arg5[%swap3A_1917, %swap3A_1918], %swap3A_1921 {strides = array<i32>} : memref<16x128xi32, #tpu.memory_space<vmem>>, vector<1x16xi32>,
    %scan3A_1922 = arith.constant 2 : i32
    %mul3A_1923 = arith.constant 16 : i32
    %mul3A_1924 = arith.muli %scan3A_1922, %mul3A_1923 : i32
    %get3A_1925 = arith.constant 14 : i32
    %get3A_1926 = arith.index_cast %get3A_1925 : i32 to index
    %get3A_1927 = arith.index_cast %mul3A_1924 : i32 to index
    %get3A_1928 = tpu.vector_load %arg5[%get3A_1926, %get3A_1927] {strides = array<i32>} : memref<16x128xi32, #tpu.memory_space<vmem>>, vector<1x16xi32>,
    %get3A_1929 = vector.shape_cast %get3A_1928 : vector<1x16xi32> to vector<16xi32>
    %add3A_1930 = arith.addi %get3A_1929, %mul3A_18 : vector<16xi32>
    %swap3A_1931 = arith.constant 14 : i32
    %swap3A_1932 = arith.index_cast %swap3A_1931 : i32 to index
    %swap3A_1933 = arith.index_cast %mul3A_1924 : i32 to index
    %swap3A_1934 = tpu.vector_load %arg5[%swap3A_1932, %swap3A_1933] {strides = array<i32>} : memref<16x128xi32, #tpu.memory_space<vmem>>, vector<1x16xi32>,
    %swap3A_1935 = vector.shape_cast %swap3A_1934 : vector<1x16xi32> to vector<16xi32>
    %swap3A_1936 = vector.shape_cast %add3A_1930 : vector<16xi32> to vector<1x16xi32>
    tpu.vector_store %arg5[%swap3A_1932, %swap3A_1933], %swap3A_1936 {strides = array<i32>} : memref<16x128xi32, #tpu.memory_space<vmem>>, vector<1x16xi32>,
    %scan3A_1937 = arith.constant 3 : i32
    %mul3A_1938 = arith.constant 16 : i32
    %mul3A_1939 = arith.muli %scan3A_1937, %mul3A_1938 : i32
    %get3A_1940 = arith.constant 14 : i32
    %get3A_1941 = arith.index_cast %get3A_1940 : i32 to index
    %get3A_1942 = arith.index_cast %mul3A_1939 : i32 to index
    %get3A_1943 = tpu.vector_load %arg5[%get3A_1941, %get3A_1942] {strides = array<i32>} : memref<16x128xi32, #tpu.memory_space<vmem>>, vector<1x16xi32>,
    %get3A_1944 = vector.shape_cast %get3A_1943 : vector<1x16xi32> to vector<16xi32>
    %add3A_1945 = arith.addi %get3A_1944, %mul3A_18 : vector<16xi32>
    %swap3A_1946 = arith.constant 14 : i32
    %swap3A_1947 = arith.index_cast %swap3A_1946 : i32 to index
    %swap3A_1948 = arith.index_cast %mul3A_1939 : i32 to index
    %swap3A_1949 = tpu.vector_load %arg5[%swap3A_1947, %swap3A_1948] {strides = array<i32>} : memref<16x128xi32, #tpu.memory_space<vmem>>, vector<1x16xi32>,
    %swap3A_1950 = vector.shape_cast %swap3A_1949 : vector<1x16xi32> to vector<16xi32>
    %swap3A_1951 = vector.shape_cast %add3A_1945 : vector<16xi32> to vector<1x16xi32>
    tpu.vector_store %arg5[%swap3A_1947, %swap3A_1948], %swap3A_1951 {strides = array<i32>} : memref<16x128xi32, #tpu.memory_space<vmem>>, vector<1x16xi32>,
    %scan3A_1952 = arith.constant 4 : i32
    %mul3A_1953 = arith.constant 16 : i32
    %mul3A_1954 = arith.muli %scan3A_1952, %mul3A_1953 : i32
    %get3A_1955 = arith.constant 14 : i32
    %get3A_1956 = arith.index_cast %get3A_1955 : i32 to index
    %get3A_1957 = arith.index_cast %mul3A_1954 : i32 to index
    %get3A_1958 = tpu.vector_load %arg5[%get3A_1956, %get3A_1957] {strides = array<i32>} : memref<16x128xi32, #tpu.memory_space<vmem>>, vector<1x16xi32>,
    %get3A_1959 = vector.shape_cast %get3A_1958 : vector<1x16xi32> to vector<16xi32>
    %add3A_1960 = arith.addi %get3A_1959, %mul3A_18 : vector<16xi32>
    %swap3A_1961 = arith.constant 14 : i32
    %swap3A_1962 = arith.index_cast %swap3A_1961 : i32 to index
    %swap3A_1963 = arith.index_cast %mul3A_1954 : i32 to index
    %swap3A_1964 = tpu.vector_load %arg5[%swap3A_1962, %swap3A_1963] {strides = array<i32>} : memref<16x128xi32, #tpu.memory_space<vmem>>, vector<1x16xi32>,
    %swap3A_1965 = vector.shape_cast %swap3A_1964 : vector<1x16xi32> to vector<16xi32>
    %swap3A_1966 = vector.shape_cast %add3A_1960 : vector<16xi32> to vector<1x16xi32>
    tpu.vector_store %arg5[%swap3A_1962, %swap3A_1963], %swap3A_1966 {strides = array<i32>} : memref<16x128xi32, #tpu.memory_space<vmem>>, vector<1x16xi32>,
    %scan3A_1967 = arith.constant 5 : i32
    %mul3A_1968 = arith.constant 16 : i32
    %mul3A_1969 = arith.muli %scan3A_1967, %mul3A_1968 : i32
    %get3A_1970 = arith.constant 14 : i32
    %get3A_1971 = arith.index_cast %get3A_1970 : i32 to index
    %get3A_1972 = arith.index_cast %mul3A_1969 : i32 to index
    %get3A_1973 = tpu.vector_load %arg5[%get3A_1971, %get3A_1972] {strides = array<i32>} : memref<16x128xi32, #tpu.memory_space<vmem>>, vector<1x16xi32>,
    %get3A_1974 = vector.shape_cast %get3A_1973 : vector<1x16xi32> to vector<16xi32>
    %add3A_1975 = arith.addi %get3A_1974, %mul3A_18 : vector<16xi32>
    %swap3A_1976 = arith.constant 14 : i32
    %swap3A_1977 = arith.index_cast %swap3A_1976 : i32 to index
    %swap3A_1978 = arith.index_cast %mul3A_1969 : i32 to index
    %swap3A_1979 = tpu.vector_load %arg5[%swap3A_1977, %swap3A_1978] {strides = array<i32>} : memref<16x128xi32, #tpu.memory_space<vmem>>, vector<1x16xi32>,
    %swap3A_1980 = vector.shape_cast %swap3A_1979 : vector<1x16xi32> to vector<16xi32>
    %swap3A_1981 = vector.shape_cast %add3A_1975 : vector<16xi32> to vector<1x16xi32>
    tpu.vector_store %arg5[%swap3A_1977, %swap3A_1978], %swap3A_1981 {strides = array<i32>} : memref<16x128xi32, #tpu.memory_space<vmem>>, vector<1x16xi32>,
    %scan3A_1982 = arith.constant 6 : i32
    %mul3A_1983 = arith.constant 16 : i32
    %mul3A_1984 = arith.muli %scan3A_1982, %mul3A_1983 : i32
    %get3A_1985 = arith.constant 14 : i32
    %get3A_1986 = arith.index_cast %get3A_1985 : i32 to index
    %get3A_1987 = arith.index_cast %mul3A_1984 : i32 to index
    %get3A_1988 = tpu.vector_load %arg5[%get3A_1986, %get3A_1987] {strides = array<i32>} : memref<16x128xi32, #tpu.memory_space<vmem>>, vector<1x16xi32>,
    %get3A_1989 = vector.shape_cast %get3A_1988 : vector<1x16xi32> to vector<16xi32>
    %add3A_1990 = arith.addi %get3A_1989, %mul3A_18 : vector<16xi32>
    %swap3A_1991 = arith.constant 14 : i32
    %swap3A_1992 = arith.index_cast %swap3A_1991 : i32 to index
    %swap3A_1993 = arith.index_cast %mul3A_1984 : i32 to index
    %swap3A_1994 = tpu.vector_load %arg5[%swap3A_1992, %swap3A_1993] {strides = array<i32>} : memref<16x128xi32, #tpu.memory_space<vmem>>, vector<1x16xi32>,
    %swap3A_1995 = vector.shape_cast %swap3A_1994 : vector<1x16xi32> to vector<16xi32>
    %swap3A_1996 = vector.shape_cast %add3A_1990 : vector<16xi32> to vector<1x16xi32>
    tpu.vector_store %arg5[%swap3A_1992, %swap3A_1993], %swap3A_1996 {strides = array<i32>} : memref<16x128xi32, #tpu.memory_space<vmem>>, vector<1x16xi32>,
    %scan3A_1997 = arith.constant 7 : i32
    %mul3A_1998 = arith.constant 16 : i32
    %mul3A_1999 = arith.muli %scan3A_1997, %mul3A_1998 : i32
    %get3A_2000 = arith.constant 14 : i32
    %get3A_2001 = arith.index_cast %get3A_2000 : i32 to index
    %get3A_2002 = arith.index_cast %mul3A_1999 : i32 to index
    %get3A_2003 = tpu.vector_load %arg5[%get3A_2001, %get3A_2002] {strides = array<i32>} : memref<16x128xi32, #tpu.memory_space<vmem>>, vector<1x16xi32>,
    %get3A_2004 = vector.shape_cast %get3A_2003 : vector<1x16xi32> to vector<16xi32>
    %add3A_2005 = arith.addi %get3A_2004, %mul3A_18 : vector<16xi32>
    %swap3A_2006 = arith.constant 14 : i32
    %swap3A_2007 = arith.index_cast %swap3A_2006 : i32 to index
    %swap3A_2008 = arith.index_cast %mul3A_1999 : i32 to index
    %swap3A_2009 = tpu.vector_load %arg5[%swap3A_2007, %swap3A_2008] {strides = array<i32>} : memref<16x128xi32, #tpu.memory_space<vmem>>, vector<1x16xi32>,
    %swap3A_2010 = vector.shape_cast %swap3A_2009 : vector<1x16xi32> to vector<16xi32>
    %swap3A_2011 = vector.shape_cast %add3A_2005 : vector<16xi32> to vector<1x16xi32>
    tpu.vector_store %arg5[%swap3A_2007, %swap3A_2008], %swap3A_2011 {strides = array<i32>} : memref<16x128xi32, #tpu.memory_space<vmem>>, vector<1x16xi32>,
    %scan3A_2012 = arith.constant 8 : i32
    %dma_start3A_2013 = arith.constant 14 : i32
    %dma_start3A_2014 = arith.constant 14 : i32
    %dma_start3A_2015 = arith.constant 0 : i32
    %dma_start3A_2016 = arith.constant 0 : i32
    %dma_start3A_2017 = tpu.memref_slice %arg6[%dma_start3A_2014, %dma_start3A_2015, %dma_start3A_2016] : memref<16x128x32xf32, #tpu.memory_space<vmem>> -> memref<1x128x32xf32, #tpu.memory_space<vmem>>
    %dma_start3A_2018 = tpu.memref_squeeze %dma_start3A_2017 : memref<1x128x32xf32, #tpu.memory_space<vmem>> -> memref<128x32xf32, #tpu.memory_space<vmem>>
    %dma_start3A_2019 = arith.constant 0 : i32
    %dma_start3A_2020 = tpu.memref_slice %arg5[%dma_start3A_2013, %dma_start3A_2019] : memref<16x128xi32, #tpu.memory_space<vmem>> -> memref<1x128xi32, #tpu.memory_space<vmem>>
    %dma_start3A_2021 = tpu.memref_squeeze %dma_start3A_2020 : memref<1x128xi32, #tpu.memory_space<vmem>> -> memref<128xi32, #tpu.memory_space<vmem>>
    %dma_start3A_2022 = arith.constant 0 : i32
    %dma_start3A_2023 = arith.constant 0 : i32
    %dma_start3A_2024 = tpu.memref_slice %arg3[%dma_start3A_2022, %dma_start3A_2023] : memref<400000x32xf32, #tpu.memory_space<hbm>> -> memref<400000x32xf32, #tpu.memory_space<hbm>>
    tpu.enqueue_indirect_dma source(%dma_start3A_2024 : memref<400000x32xf32, #tpu.memory_space<hbm>>) target(%dma_start3A_2018 : memref<128x32xf32, #tpu.memory_space<vmem>>) offsets(%dma_start3A_2021 : memref<128xi32, #tpu.memory_space<vmem>>) semaphore(%arg7 : memref<!tpu.dma_semaphore, #tpu.memory_space<semaphore_mem>>)
    %scan3A_2025 = arith.constant 0 : i32
    %scan3A_2026 = arith.constant 0 : i32
    %mul3A_2027 = arith.constant 16 : i32
    %mul3A_2028 = arith.muli %scan3A_2026, %mul3A_2027 : i32
    %get3A_2029 = arith.constant 15 : i32
    %get3A_2030 = arith.index_cast %get3A_2029 : i32 to index
    %get3A_2031 = arith.index_cast %mul3A_2028 : i32 to index
    %get3A_2032 = tpu.vector_load %arg5[%get3A_2030, %get3A_2031] {strides = array<i32>} : memref<16x128xi32, #tpu.memory_space<vmem>>, vector<1x16xi32>,
    %get3A_2033 = vector.shape_cast %get3A_2032 : vector<1x16xi32> to vector<16xi32>
    %add3A_2034 = arith.addi %get3A_2033, %mul3A_18 : vector<16xi32>
    %swap3A_2035 = arith.constant 15 : i32
    %swap3A_2036 = arith.index_cast %swap3A_2035 : i32 to index
    %swap3A_2037 = arith.index_cast %mul3A_2028 : i32 to index
    %swap3A_2038 = tpu.vector_load %arg5[%swap3A_2036, %swap3A_2037] {strides = array<i32>} : memref<16x128xi32, #tpu.memory_space<vmem>>, vector<1x16xi32>,
    %swap3A_2039 = vector.shape_cast %swap3A_2038 : vector<1x16xi32> to vector<16xi32>
    %swap3A_2040 = vector.shape_cast %add3A_2034 : vector<16xi32> to vector<1x16xi32>
    tpu.vector_store %arg5[%swap3A_2036, %swap3A_2037], %swap3A_2040 {strides = array<i32>} : memref<16x128xi32, #tpu.memory_space<vmem>>, vector<1x16xi32>,
    %scan3A_2041 = arith.constant 1 : i32
    %mul3A_2042 = arith.constant 16 : i32
    %mul3A_2043 = arith.muli %scan3A_2041, %mul3A_2042 : i32
    %get3A_2044 = arith.constant 15 : i32
    %get3A_2045 = arith.index_cast %get3A_2044 : i32 to index
    %get3A_2046 = arith.index_cast %mul3A_2043 : i32 to index
    %get3A_2047 = tpu.vector_load %arg5[%get3A_2045, %get3A_2046] {strides = array<i32>} : memref<16x128xi32, #tpu.memory_space<vmem>>, vector<1x16xi32>,
    %get3A_2048 = vector.shape_cast %get3A_2047 : vector<1x16xi32> to vector<16xi32>
    %add3A_2049 = arith.addi %get3A_2048, %mul3A_18 : vector<16xi32>
    %swap3A_2050 = arith.constant 15 : i32
    %swap3A_2051 = arith.index_cast %swap3A_2050 : i32 to index
    %swap3A_2052 = arith.index_cast %mul3A_2043 : i32 to index
    %swap3A_2053 = tpu.vector_load %arg5[%swap3A_2051, %swap3A_2052] {strides = array<i32>} : memref<16x128xi32, #tpu.memory_space<vmem>>, vector<1x16xi32>,
    %swap3A_2054 = vector.shape_cast %swap3A_2053 : vector<1x16xi32> to vector<16xi32>
    %swap3A_2055 = vector.shape_cast %add3A_2049 : vector<16xi32> to vector<1x16xi32>
    tpu.vector_store %arg5[%swap3A_2051, %swap3A_2052], %swap3A_2055 {strides = array<i32>} : memref<16x128xi32, #tpu.memory_space<vmem>>, vector<1x16xi32>,
    %scan3A_2056 = arith.constant 2 : i32
    %mul3A_2057 = arith.constant 16 : i32
    %mul3A_2058 = arith.muli %scan3A_2056, %mul3A_2057 : i32
    %get3A_2059 = arith.constant 15 : i32
    %get3A_2060 = arith.index_cast %get3A_2059 : i32 to index
    %get3A_2061 = arith.index_cast %mul3A_2058 : i32 to index
    %get3A_2062 = tpu.vector_load %arg5[%get3A_2060, %get3A_2061] {strides = array<i32>} : memref<16x128xi32, #tpu.memory_space<vmem>>, vector<1x16xi32>,
    %get3A_2063 = vector.shape_cast %get3A_2062 : vector<1x16xi32> to vector<16xi32>
    %add3A_2064 = arith.addi %get3A_2063, %mul3A_18 : vector<16xi32>
    %swap3A_2065 = arith.constant 15 : i32
    %swap3A_2066 = arith.index_cast %swap3A_2065 : i32 to index
    %swap3A_2067 = arith.index_cast %mul3A_2058 : i32 to index
    %swap3A_2068 = tpu.vector_load %arg5[%swap3A_2066, %swap3A_2067] {strides = array<i32>} : memref<16x128xi32, #tpu.memory_space<vmem>>, vector<1x16xi32>,
    %swap3A_2069 = vector.shape_cast %swap3A_2068 : vector<1x16xi32> to vector<16xi32>
    %swap3A_2070 = vector.shape_cast %add3A_2064 : vector<16xi32> to vector<1x16xi32>
    tpu.vector_store %arg5[%swap3A_2066, %swap3A_2067], %swap3A_2070 {strides = array<i32>} : memref<16x128xi32, #tpu.memory_space<vmem>>, vector<1x16xi32>,
    %scan3A_2071 = arith.constant 3 : i32
    %mul3A_2072 = arith.constant 16 : i32
    %mul3A_2073 = arith.muli %scan3A_2071, %mul3A_2072 : i32
    %get3A_2074 = arith.constant 15 : i32
    %get3A_2075 = arith.index_cast %get3A_2074 : i32 to index
    %get3A_2076 = arith.index_cast %mul3A_2073 : i32 to index
    %get3A_2077 = tpu.vector_load %arg5[%get3A_2075, %get3A_2076] {strides = array<i32>} : memref<16x128xi32, #tpu.memory_space<vmem>>, vector<1x16xi32>,
    %get3A_2078 = vector.shape_cast %get3A_2077 : vector<1x16xi32> to vector<16xi32>
    %add3A_2079 = arith.addi %get3A_2078, %mul3A_18 : vector<16xi32>
    %swap3A_2080 = arith.constant 15 : i32
    %swap3A_2081 = arith.index_cast %swap3A_2080 : i32 to index
    %swap3A_2082 = arith.index_cast %mul3A_2073 : i32 to index
    %swap3A_2083 = tpu.vector_load %arg5[%swap3A_2081, %swap3A_2082] {strides = array<i32>} : memref<16x128xi32, #tpu.memory_space<vmem>>, vector<1x16xi32>,
    %swap3A_2084 = vector.shape_cast %swap3A_2083 : vector<1x16xi32> to vector<16xi32>
    %swap3A_2085 = vector.shape_cast %add3A_2079 : vector<16xi32> to vector<1x16xi32>
    tpu.vector_store %arg5[%swap3A_2081, %swap3A_2082], %swap3A_2085 {strides = array<i32>} : memref<16x128xi32, #tpu.memory_space<vmem>>, vector<1x16xi32>,
    %scan3A_2086 = arith.constant 4 : i32
    %mul3A_2087 = arith.constant 16 : i32
    %mul3A_2088 = arith.muli %scan3A_2086, %mul3A_2087 : i32
    %get3A_2089 = arith.constant 15 : i32
    %get3A_2090 = arith.index_cast %get3A_2089 : i32 to index
    %get3A_2091 = arith.index_cast %mul3A_2088 : i32 to index
    %get3A_2092 = tpu.vector_load %arg5[%get3A_2090, %get3A_2091] {strides = array<i32>} : memref<16x128xi32, #tpu.memory_space<vmem>>, vector<1x16xi32>,
    %get3A_2093 = vector.shape_cast %get3A_2092 : vector<1x16xi32> to vector<16xi32>
    %add3A_2094 = arith.addi %get3A_2093, %mul3A_18 : vector<16xi32>
    %swap3A_2095 = arith.constant 15 : i32
    %swap3A_2096 = arith.index_cast %swap3A_2095 : i32 to index
    %swap3A_2097 = arith.index_cast %mul3A_2088 : i32 to index
    %swap3A_2098 = tpu.vector_load %arg5[%swap3A_2096, %swap3A_2097] {strides = array<i32>} : memref<16x128xi32, #tpu.memory_space<vmem>>, vector<1x16xi32>,
    %swap3A_2099 = vector.shape_cast %swap3A_2098 : vector<1x16xi32> to vector<16xi32>
    %swap3A_2100 = vector.shape_cast %add3A_2094 : vector<16xi32> to vector<1x16xi32>
    tpu.vector_store %arg5[%swap3A_2096, %swap3A_2097], %swap3A_2100 {strides = array<i32>} : memref<16x128xi32, #tpu.memory_space<vmem>>, vector<1x16xi32>,
    %scan3A_2101 = arith.constant 5 : i32
    %mul3A_2102 = arith.constant 16 : i32
    %mul3A_2103 = arith.muli %scan3A_2101, %mul3A_2102 : i32
    %get3A_2104 = arith.constant 15 : i32
    %get3A_2105 = arith.index_cast %get3A_2104 : i32 to index
    %get3A_2106 = arith.index_cast %mul3A_2103 : i32 to index
    %get3A_2107 = tpu.vector_load %arg5[%get3A_2105, %get3A_2106] {strides = array<i32>} : memref<16x128xi32, #tpu.memory_space<vmem>>, vector<1x16xi32>,
    %get3A_2108 = vector.shape_cast %get3A_2107 : vector<1x16xi32> to vector<16xi32>
    %add3A_2109 = arith.addi %get3A_2108, %mul3A_18 : vector<16xi32>
    %swap3A_2110 = arith.constant 15 : i32
    %swap3A_2111 = arith.index_cast %swap3A_2110 : i32 to index
    %swap3A_2112 = arith.index_cast %mul3A_2103 : i32 to index
    %swap3A_2113 = tpu.vector_load %arg5[%swap3A_2111, %swap3A_2112] {strides = array<i32>} : memref<16x128xi32, #tpu.memory_space<vmem>>, vector<1x16xi32>,
    %swap3A_2114 = vector.shape_cast %swap3A_2113 : vector<1x16xi32> to vector<16xi32>
    %swap3A_2115 = vector.shape_cast %add3A_2109 : vector<16xi32> to vector<1x16xi32>
    tpu.vector_store %arg5[%swap3A_2111, %swap3A_2112], %swap3A_2115 {strides = array<i32>} : memref<16x128xi32, #tpu.memory_space<vmem>>, vector<1x16xi32>,
    %scan3A_2116 = arith.constant 6 : i32
    %mul3A_2117 = arith.constant 16 : i32
    %mul3A_2118 = arith.muli %scan3A_2116, %mul3A_2117 : i32
    %get3A_2119 = arith.constant 15 : i32
    %get3A_2120 = arith.index_cast %get3A_2119 : i32 to index
    %get3A_2121 = arith.index_cast %mul3A_2118 : i32 to index
    %get3A_2122 = tpu.vector_load %arg5[%get3A_2120, %get3A_2121] {strides = array<i32>} : memref<16x128xi32, #tpu.memory_space<vmem>>, vector<1x16xi32>,
    %get3A_2123 = vector.shape_cast %get3A_2122 : vector<1x16xi32> to vector<16xi32>
    %add3A_2124 = arith.addi %get3A_2123, %mul3A_18 : vector<16xi32>
    %swap3A_2125 = arith.constant 15 : i32
    %swap3A_2126 = arith.index_cast %swap3A_2125 : i32 to index
    %swap3A_2127 = arith.index_cast %mul3A_2118 : i32 to index
    %swap3A_2128 = tpu.vector_load %arg5[%swap3A_2126, %swap3A_2127] {strides = array<i32>} : memref<16x128xi32, #tpu.memory_space<vmem>>, vector<1x16xi32>,
    %swap3A_2129 = vector.shape_cast %swap3A_2128 : vector<1x16xi32> to vector<16xi32>
    %swap3A_2130 = vector.shape_cast %add3A_2124 : vector<16xi32> to vector<1x16xi32>
    tpu.vector_store %arg5[%swap3A_2126, %swap3A_2127], %swap3A_2130 {strides = array<i32>} : memref<16x128xi32, #tpu.memory_space<vmem>>, vector<1x16xi32>,
    %scan3A_2131 = arith.constant 7 : i32
    %mul3A_2132 = arith.constant 16 : i32
    %mul3A_2133 = arith.muli %scan3A_2131, %mul3A_2132 : i32
    %get3A_2134 = arith.constant 15 : i32
    %get3A_2135 = arith.index_cast %get3A_2134 : i32 to index
    %get3A_2136 = arith.index_cast %mul3A_2133 : i32 to index
    %get3A_2137 = tpu.vector_load %arg5[%get3A_2135, %get3A_2136] {strides = array<i32>} : memref<16x128xi32, #tpu.memory_space<vmem>>, vector<1x16xi32>,
    %get3A_2138 = vector.shape_cast %get3A_2137 : vector<1x16xi32> to vector<16xi32>
    %add3A_2139 = arith.addi %get3A_2138, %mul3A_18 : vector<16xi32>
    %swap3A_2140 = arith.constant 15 : i32
    %swap3A_2141 = arith.index_cast %swap3A_2140 : i32 to index
    %swap3A_2142 = arith.index_cast %mul3A_2133 : i32 to index
    %swap3A_2143 = tpu.vector_load %arg5[%swap3A_2141, %swap3A_2142] {strides = array<i32>} : memref<16x128xi32, #tpu.memory_space<vmem>>, vector<1x16xi32>,
    %swap3A_2144 = vector.shape_cast %swap3A_2143 : vector<1x16xi32> to vector<16xi32>
    %swap3A_2145 = vector.shape_cast %add3A_2139 : vector<16xi32> to vector<1x16xi32>
    tpu.vector_store %arg5[%swap3A_2141, %swap3A_2142], %swap3A_2145 {strides = array<i32>} : memref<16x128xi32, #tpu.memory_space<vmem>>, vector<1x16xi32>,
    %scan3A_2146 = arith.constant 8 : i32
    %dma_start3A_2147 = arith.constant 15 : i32
    %dma_start3A_2148 = arith.constant 15 : i32
    %dma_start3A_2149 = arith.constant 0 : i32
    %dma_start3A_2150 = arith.constant 0 : i32
    %dma_start3A_2151 = tpu.memref_slice %arg6[%dma_start3A_2148, %dma_start3A_2149, %dma_start3A_2150] : memref<16x128x32xf32, #tpu.memory_space<vmem>> -> memref<1x128x32xf32, #tpu.memory_space<vmem>>
    %dma_start3A_2152 = tpu.memref_squeeze %dma_start3A_2151 : memref<1x128x32xf32, #tpu.memory_space<vmem>> -> memref<128x32xf32, #tpu.memory_space<vmem>>
    %dma_start3A_2153 = arith.constant 0 : i32
    %dma_start3A_2154 = tpu.memref_slice %arg5[%dma_start3A_2147, %dma_start3A_2153] : memref<16x128xi32, #tpu.memory_space<vmem>> -> memref<1x128xi32, #tpu.memory_space<vmem>>
    %dma_start3A_2155 = tpu.memref_squeeze %dma_start3A_2154 : memref<1x128xi32, #tpu.memory_space<vmem>> -> memref<128xi32, #tpu.memory_space<vmem>>
    %dma_start3A_2156 = arith.constant 0 : i32
    %dma_start3A_2157 = arith.constant 0 : i32
    %dma_start3A_2158 = tpu.memref_slice %arg3[%dma_start3A_2156, %dma_start3A_2157] : memref<400000x32xf32, #tpu.memory_space<hbm>> -> memref<400000x32xf32, #tpu.memory_space<hbm>>
    tpu.enqueue_indirect_dma source(%dma_start3A_2158 : memref<400000x32xf32, #tpu.memory_space<hbm>>) target(%dma_start3A_2152 : memref<128x32xf32, #tpu.memory_space<vmem>>) offsets(%dma_start3A_2155 : memref<128xi32, #tpu.memory_space<vmem>>) semaphore(%arg7 : memref<!tpu.dma_semaphore, #tpu.memory_space<semaphore_mem>>)
    %dma_wait3A = arith.constant 0 : i32
    %dma_wait3A_2159 = arith.constant 0 : i32
    %dma_wait3A_2160 = arith.constant 0 : i32
    %dma_wait3A_2161 = arith.constant 0 : i32
    %dma_wait3A_2162 = tpu.memref_slice %arg6[%dma_wait3A_2159, %dma_wait3A_2160, %dma_wait3A_2161] : memref<16x128x32xf32, #tpu.memory_space<vmem>> -> memref<1x128x32xf32, #tpu.memory_space<vmem>>
    %dma_wait3A_2163 = tpu.memref_squeeze %dma_wait3A_2162 : memref<1x128x32xf32, #tpu.memory_space<vmem>> -> memref<128x32xf32, #tpu.memory_space<vmem>>
    %dma_wait3A_2164 = arith.constant 0 : i32
    %dma_wait3A_2165 = tpu.memref_slice %arg5[%dma_wait3A, %dma_wait3A_2164] : memref<16x128xi32, #tpu.memory_space<vmem>> -> memref<1x128xi32, #tpu.memory_space<vmem>>
    %dma_wait3A_2166 = tpu.memref_squeeze %dma_wait3A_2165 : memref<1x128xi32, #tpu.memory_space<vmem>> -> memref<128xi32, #tpu.memory_space<vmem>>
    %dma_wait3A_2167 = arith.constant 0 : i32
    %dma_wait3A_2168 = arith.constant 0 : i32
    %dma_wait3A_2169 = tpu.memref_slice %arg3[%dma_wait3A_2167, %dma_wait3A_2168] : memref<400000x32xf32, #tpu.memory_space<hbm>> -> memref<400000x32xf32, #tpu.memory_space<hbm>>
    tpu.wait_indirect_dma semaphore(%arg7 : memref<!tpu.dma_semaphore, #tpu.memory_space<semaphore_mem>>) src(%dma_wait3A_2169 : memref<400000x32xf32, #tpu.memory_space<hbm>>) dst(%dma_wait3A_2163 : memref<128x32xf32, #tpu.memory_space<vmem>>)
    %dma_wait3A_2170 = arith.constant 1 : i32
    %dma_wait3A_2171 = arith.constant 1 : i32
    %dma_wait3A_2172 = arith.constant 0 : i32
    %dma_wait3A_2173 = arith.constant 0 : i32
    %dma_wait3A_2174 = tpu.memref_slice %arg6[%dma_wait3A_2171, %dma_wait3A_2172, %dma_wait3A_2173] : memref<16x128x32xf32, #tpu.memory_space<vmem>> -> memref<1x128x32xf32, #tpu.memory_space<vmem>>
    %dma_wait3A_2175 = tpu.memref_squeeze %dma_wait3A_2174 : memref<1x128x32xf32, #tpu.memory_space<vmem>> -> memref<128x32xf32, #tpu.memory_space<vmem>>
    %dma_wait3A_2176 = arith.constant 0 : i32
    %dma_wait3A_2177 = tpu.memref_slice %arg5[%dma_wait3A_2170, %dma_wait3A_2176] : memref<16x128xi32, #tpu.memory_space<vmem>> -> memref<1x128xi32, #tpu.memory_space<vmem>>
    %dma_wait3A_2178 = tpu.memref_squeeze %dma_wait3A_2177 : memref<1x128xi32, #tpu.memory_space<vmem>> -> memref<128xi32, #tpu.memory_space<vmem>>
    %dma_wait3A_2179 = arith.constant 0 : i32
    %dma_wait3A_2180 = arith.constant 0 : i32
    %dma_wait3A_2181 = tpu.memref_slice %arg3[%dma_wait3A_2179, %dma_wait3A_2180] : memref<400000x32xf32, #tpu.memory_space<hbm>> -> memref<400000x32xf32, #tpu.memory_space<hbm>>
    tpu.wait_indirect_dma semaphore(%arg7 : memref<!tpu.dma_semaphore, #tpu.memory_space<semaphore_mem>>) src(%dma_wait3A_2181 : memref<400000x32xf32, #tpu.memory_space<hbm>>) dst(%dma_wait3A_2175 : memref<128x32xf32, #tpu.memory_space<vmem>>)
    %dma_wait3A_2182 = arith.constant 2 : i32
    %dma_wait3A_2183 = arith.constant 2 : i32
    %dma_wait3A_2184 = arith.constant 0 : i32
    %dma_wait3A_2185 = arith.constant 0 : i32
    %dma_wait3A_2186 = tpu.memref_slice %arg6[%dma_wait3A_2183, %dma_wait3A_2184, %dma_wait3A_2185] : memref<16x128x32xf32, #tpu.memory_space<vmem>> -> memref<1x128x32xf32, #tpu.memory_space<vmem>>
    %dma_wait3A_2187 = tpu.memref_squeeze %dma_wait3A_2186 : memref<1x128x32xf32, #tpu.memory_space<vmem>> -> memref<128x32xf32, #tpu.memory_space<vmem>>
    %dma_wait3A_2188 = arith.constant 0 : i32
    %dma_wait3A_2189 = tpu.memref_slice %arg5[%dma_wait3A_2182, %dma_wait3A_2188] : memref<16x128xi32, #tpu.memory_space<vmem>> -> memref<1x128xi32, #tpu.memory_space<vmem>>
    %dma_wait3A_2190 = tpu.memref_squeeze %dma_wait3A_2189 : memref<1x128xi32, #tpu.memory_space<vmem>> -> memref<128xi32, #tpu.memory_space<vmem>>
    %dma_wait3A_2191 = arith.constant 0 : i32
    %dma_wait3A_2192 = arith.constant 0 : i32
    %dma_wait3A_2193 = tpu.memref_slice %arg3[%dma_wait3A_2191, %dma_wait3A_2192] : memref<400000x32xf32, #tpu.memory_space<hbm>> -> memref<400000x32xf32, #tpu.memory_space<hbm>>
    tpu.wait_indirect_dma semaphore(%arg7 : memref<!tpu.dma_semaphore, #tpu.memory_space<semaphore_mem>>) src(%dma_wait3A_2193 : memref<400000x32xf32, #tpu.memory_space<hbm>>) dst(%dma_wait3A_2187 : memref<128x32xf32, #tpu.memory_space<vmem>>)
    %dma_wait3A_2194 = arith.constant 3 : i32
    %dma_wait3A_2195 = arith.constant 3 : i32
    %dma_wait3A_2196 = arith.constant 0 : i32
    %dma_wait3A_2197 = arith.constant 0 : i32
    %dma_wait3A_2198 = tpu.memref_slice %arg6[%dma_wait3A_2195, %dma_wait3A_2196, %dma_wait3A_2197] : memref<16x128x32xf32, #tpu.memory_space<vmem>> -> memref<1x128x32xf32, #tpu.memory_space<vmem>>
    %dma_wait3A_2199 = tpu.memref_squeeze %dma_wait3A_2198 : memref<1x128x32xf32, #tpu.memory_space<vmem>> -> memref<128x32xf32, #tpu.memory_space<vmem>>
    %dma_wait3A_2200 = arith.constant 0 : i32
    %dma_wait3A_2201 = tpu.memref_slice %arg5[%dma_wait3A_2194, %dma_wait3A_2200] : memref<16x128xi32, #tpu.memory_space<vmem>> -> memref<1x128xi32, #tpu.memory_space<vmem>>
    %dma_wait3A_2202 = tpu.memref_squeeze %dma_wait3A_2201 : memref<1x128xi32, #tpu.memory_space<vmem>> -> memref<128xi32, #tpu.memory_space<vmem>>
    %dma_wait3A_2203 = arith.constant 0 : i32
    %dma_wait3A_2204 = arith.constant 0 : i32
    %dma_wait3A_2205 = tpu.memref_slice %arg3[%dma_wait3A_2203, %dma_wait3A_2204] : memref<400000x32xf32, #tpu.memory_space<hbm>> -> memref<400000x32xf32, #tpu.memory_space<hbm>>
    tpu.wait_indirect_dma semaphore(%arg7 : memref<!tpu.dma_semaphore, #tpu.memory_space<semaphore_mem>>) src(%dma_wait3A_2205 : memref<400000x32xf32, #tpu.memory_space<hbm>>) dst(%dma_wait3A_2199 : memref<128x32xf32, #tpu.memory_space<vmem>>)
    %dma_wait3A_2206 = arith.constant 4 : i32
    %dma_wait3A_2207 = arith.constant 4 : i32
    %dma_wait3A_2208 = arith.constant 0 : i32
    %dma_wait3A_2209 = arith.constant 0 : i32
    %dma_wait3A_2210 = tpu.memref_slice %arg6[%dma_wait3A_2207, %dma_wait3A_2208, %dma_wait3A_2209] : memref<16x128x32xf32, #tpu.memory_space<vmem>> -> memref<1x128x32xf32, #tpu.memory_space<vmem>>
    %dma_wait3A_2211 = tpu.memref_squeeze %dma_wait3A_2210 : memref<1x128x32xf32, #tpu.memory_space<vmem>> -> memref<128x32xf32, #tpu.memory_space<vmem>>
    %dma_wait3A_2212 = arith.constant 0 : i32
    %dma_wait3A_2213 = tpu.memref_slice %arg5[%dma_wait3A_2206, %dma_wait3A_2212] : memref<16x128xi32, #tpu.memory_space<vmem>> -> memref<1x128xi32, #tpu.memory_space<vmem>>
    %dma_wait3A_2214 = tpu.memref_squeeze %dma_wait3A_2213 : memref<1x128xi32, #tpu.memory_space<vmem>> -> memref<128xi32, #tpu.memory_space<vmem>>
    %dma_wait3A_2215 = arith.constant 0 : i32
    %dma_wait3A_2216 = arith.constant 0 : i32
    %dma_wait3A_2217 = tpu.memref_slice %arg3[%dma_wait3A_2215, %dma_wait3A_2216] : memref<400000x32xf32, #tpu.memory_space<hbm>> -> memref<400000x32xf32, #tpu.memory_space<hbm>>
    tpu.wait_indirect_dma semaphore(%arg7 : memref<!tpu.dma_semaphore, #tpu.memory_space<semaphore_mem>>) src(%dma_wait3A_2217 : memref<400000x32xf32, #tpu.memory_space<hbm>>) dst(%dma_wait3A_2211 : memref<128x32xf32, #tpu.memory_space<vmem>>)
    %dma_wait3A_2218 = arith.constant 5 : i32
    %dma_wait3A_2219 = arith.constant 5 : i32
    %dma_wait3A_2220 = arith.constant 0 : i32
    %dma_wait3A_2221 = arith.constant 0 : i32
    %dma_wait3A_2222 = tpu.memref_slice %arg6[%dma_wait3A_2219, %dma_wait3A_2220, %dma_wait3A_2221] : memref<16x128x32xf32, #tpu.memory_space<vmem>> -> memref<1x128x32xf32, #tpu.memory_space<vmem>>
    %dma_wait3A_2223 = tpu.memref_squeeze %dma_wait3A_2222 : memref<1x128x32xf32, #tpu.memory_space<vmem>> -> memref<128x32xf32, #tpu.memory_space<vmem>>
    %dma_wait3A_2224 = arith.constant 0 : i32
    %dma_wait3A_2225 = tpu.memref_slice %arg5[%dma_wait3A_2218, %dma_wait3A_2224] : memref<16x128xi32, #tpu.memory_space<vmem>> -> memref<1x128xi32, #tpu.memory_space<vmem>>
    %dma_wait3A_2226 = tpu.memref_squeeze %dma_wait3A_2225 : memref<1x128xi32, #tpu.memory_space<vmem>> -> memref<128xi32, #tpu.memory_space<vmem>>
    %dma_wait3A_2227 = arith.constant 0 : i32
    %dma_wait3A_2228 = arith.constant 0 : i32
    %dma_wait3A_2229 = tpu.memref_slice %arg3[%dma_wait3A_2227, %dma_wait3A_2228] : memref<400000x32xf32, #tpu.memory_space<hbm>> -> memref<400000x32xf32, #tpu.memory_space<hbm>>
    tpu.wait_indirect_dma semaphore(%arg7 : memref<!tpu.dma_semaphore, #tpu.memory_space<semaphore_mem>>) src(%dma_wait3A_2229 : memref<400000x32xf32, #tpu.memory_space<hbm>>) dst(%dma_wait3A_2223 : memref<128x32xf32, #tpu.memory_space<vmem>>)
    %dma_wait3A_2230 = arith.constant 6 : i32
    %dma_wait3A_2231 = arith.constant 6 : i32
    %dma_wait3A_2232 = arith.constant 0 : i32
    %dma_wait3A_2233 = arith.constant 0 : i32
    %dma_wait3A_2234 = tpu.memref_slice %arg6[%dma_wait3A_2231, %dma_wait3A_2232, %dma_wait3A_2233] : memref<16x128x32xf32, #tpu.memory_space<vmem>> -> memref<1x128x32xf32, #tpu.memory_space<vmem>>
    %dma_wait3A_2235 = tpu.memref_squeeze %dma_wait3A_2234 : memref<1x128x32xf32, #tpu.memory_space<vmem>> -> memref<128x32xf32, #tpu.memory_space<vmem>>
    %dma_wait3A_2236 = arith.constant 0 : i32
    %dma_wait3A_2237 = tpu.memref_slice %arg5[%dma_wait3A_2230, %dma_wait3A_2236] : memref<16x128xi32, #tpu.memory_space<vmem>> -> memref<1x128xi32, #tpu.memory_space<vmem>>
    %dma_wait3A_2238 = tpu.memref_squeeze %dma_wait3A_2237 : memref<1x128xi32, #tpu.memory_space<vmem>> -> memref<128xi32, #tpu.memory_space<vmem>>
    %dma_wait3A_2239 = arith.constant 0 : i32
    %dma_wait3A_2240 = arith.constant 0 : i32
    %dma_wait3A_2241 = tpu.memref_slice %arg3[%dma_wait3A_2239, %dma_wait3A_2240] : memref<400000x32xf32, #tpu.memory_space<hbm>> -> memref<400000x32xf32, #tpu.memory_space<hbm>>
    tpu.wait_indirect_dma semaphore(%arg7 : memref<!tpu.dma_semaphore, #tpu.memory_space<semaphore_mem>>) src(%dma_wait3A_2241 : memref<400000x32xf32, #tpu.memory_space<hbm>>) dst(%dma_wait3A_2235 : memref<128x32xf32, #tpu.memory_space<vmem>>)
    %dma_wait3A_2242 = arith.constant 7 : i32
    %dma_wait3A_2243 = arith.constant 7 : i32
    %dma_wait3A_2244 = arith.constant 0 : i32
    %dma_wait3A_2245 = arith.constant 0 : i32
    %dma_wait3A_2246 = tpu.memref_slice %arg6[%dma_wait3A_2243, %dma_wait3A_2244, %dma_wait3A_2245] : memref<16x128x32xf32, #tpu.memory_space<vmem>> -> memref<1x128x32xf32, #tpu.memory_space<vmem>>
    %dma_wait3A_2247 = tpu.memref_squeeze %dma_wait3A_2246 : memref<1x128x32xf32, #tpu.memory_space<vmem>> -> memref<128x32xf32, #tpu.memory_space<vmem>>
    %dma_wait3A_2248 = arith.constant 0 : i32
    %dma_wait3A_2249 = tpu.memref_slice %arg5[%dma_wait3A_2242, %dma_wait3A_2248] : memref<16x128xi32, #tpu.memory_space<vmem>> -> memref<1x128xi32, #tpu.memory_space<vmem>>
    %dma_wait3A_2250 = tpu.memref_squeeze %dma_wait3A_2249 : memref<1x128xi32, #tpu.memory_space<vmem>> -> memref<128xi32, #tpu.memory_space<vmem>>
    %dma_wait3A_2251 = arith.constant 0 : i32
    %dma_wait3A_2252 = arith.constant 0 : i32
    %dma_wait3A_2253 = tpu.memref_slice %arg3[%dma_wait3A_2251, %dma_wait3A_2252] : memref<400000x32xf32, #tpu.memory_space<hbm>> -> memref<400000x32xf32, #tpu.memory_space<hbm>>
    tpu.wait_indirect_dma semaphore(%arg7 : memref<!tpu.dma_semaphore, #tpu.memory_space<semaphore_mem>>) src(%dma_wait3A_2253 : memref<400000x32xf32, #tpu.memory_space<hbm>>) dst(%dma_wait3A_2247 : memref<128x32xf32, #tpu.memory_space<vmem>>)
    %dma_wait3A_2254 = arith.constant 8 : i32
    %dma_wait3A_2255 = arith.constant 8 : i32
    %dma_wait3A_2256 = arith.constant 0 : i32
    %dma_wait3A_2257 = arith.constant 0 : i32
    %dma_wait3A_2258 = tpu.memref_slice %arg6[%dma_wait3A_2255, %dma_wait3A_2256, %dma_wait3A_2257] : memref<16x128x32xf32, #tpu.memory_space<vmem>> -> memref<1x128x32xf32, #tpu.memory_space<vmem>>
    %dma_wait3A_2259 = tpu.memref_squeeze %dma_wait3A_2258 : memref<1x128x32xf32, #tpu.memory_space<vmem>> -> memref<128x32xf32, #tpu.memory_space<vmem>>
    %dma_wait3A_2260 = arith.constant 0 : i32
    %dma_wait3A_2261 = tpu.memref_slice %arg5[%dma_wait3A_2254, %dma_wait3A_2260] : memref<16x128xi32, #tpu.memory_space<vmem>> -> memref<1x128xi32, #tpu.memory_space<vmem>>
    %dma_wait3A_2262 = tpu.memref_squeeze %dma_wait3A_2261 : memref<1x128xi32, #tpu.memory_space<vmem>> -> memref<128xi32, #tpu.memory_space<vmem>>
    %dma_wait3A_2263 = arith.constant 0 : i32
    %dma_wait3A_2264 = arith.constant 0 : i32
    %dma_wait3A_2265 = tpu.memref_slice %arg3[%dma_wait3A_2263, %dma_wait3A_2264] : memref<400000x32xf32, #tpu.memory_space<hbm>> -> memref<400000x32xf32, #tpu.memory_space<hbm>>
    tpu.wait_indirect_dma semaphore(%arg7 : memref<!tpu.dma_semaphore, #tpu.memory_space<semaphore_mem>>) src(%dma_wait3A_2265 : memref<400000x32xf32, #tpu.memory_space<hbm>>) dst(%dma_wait3A_2259 : memref<128x32xf32, #tpu.memory_space<vmem>>)
    %dma_wait3A_2266 = arith.constant 9 : i32
    %dma_wait3A_2267 = arith.constant 9 : i32
    %dma_wait3A_2268 = arith.constant 0 : i32
    %dma_wait3A_2269 = arith.constant 0 : i32
    %dma_wait3A_2270 = tpu.memref_slice %arg6[%dma_wait3A_2267, %dma_wait3A_2268, %dma_wait3A_2269] : memref<16x128x32xf32, #tpu.memory_space<vmem>> -> memref<1x128x32xf32, #tpu.memory_space<vmem>>
    %dma_wait3A_2271 = tpu.memref_squeeze %dma_wait3A_2270 : memref<1x128x32xf32, #tpu.memory_space<vmem>> -> memref<128x32xf32, #tpu.memory_space<vmem>>
    %dma_wait3A_2272 = arith.constant 0 : i32
    %dma_wait3A_2273 = tpu.memref_slice %arg5[%dma_wait3A_2266, %dma_wait3A_2272] : memref<16x128xi32, #tpu.memory_space<vmem>> -> memref<1x128xi32, #tpu.memory_space<vmem>>
    %dma_wait3A_2274 = tpu.memref_squeeze %dma_wait3A_2273 : memref<1x128xi32, #tpu.memory_space<vmem>> -> memref<128xi32, #tpu.memory_space<vmem>>
    %dma_wait3A_2275 = arith.constant 0 : i32
    %dma_wait3A_2276 = arith.constant 0 : i32
    %dma_wait3A_2277 = tpu.memref_slice %arg3[%dma_wait3A_2275, %dma_wait3A_2276] : memref<400000x32xf32, #tpu.memory_space<hbm>> -> memref<400000x32xf32, #tpu.memory_space<hbm>>
    tpu.wait_indirect_dma semaphore(%arg7 : memref<!tpu.dma_semaphore, #tpu.memory_space<semaphore_mem>>) src(%dma_wait3A_2277 : memref<400000x32xf32, #tpu.memory_space<hbm>>) dst(%dma_wait3A_2271 : memref<128x32xf32, #tpu.memory_space<vmem>>)
    %dma_wait3A_2278 = arith.constant 10 : i32
    %dma_wait3A_2279 = arith.constant 10 : i32
    %dma_wait3A_2280 = arith.constant 0 : i32
    %dma_wait3A_2281 = arith.constant 0 : i32
    %dma_wait3A_2282 = tpu.memref_slice %arg6[%dma_wait3A_2279, %dma_wait3A_2280, %dma_wait3A_2281] : memref<16x128x32xf32, #tpu.memory_space<vmem>> -> memref<1x128x32xf32, #tpu.memory_space<vmem>>
    %dma_wait3A_2283 = tpu.memref_squeeze %dma_wait3A_2282 : memref<1x128x32xf32, #tpu.memory_space<vmem>> -> memref<128x32xf32, #tpu.memory_space<vmem>>
    %dma_wait3A_2284 = arith.constant 0 : i32
    %dma_wait3A_2285 = tpu.memref_slice %arg5[%dma_wait3A_2278, %dma_wait3A_2284] : memref<16x128xi32, #tpu.memory_space<vmem>> -> memref<1x128xi32, #tpu.memory_space<vmem>>
    %dma_wait3A_2286 = tpu.memref_squeeze %dma_wait3A_2285 : memref<1x128xi32, #tpu.memory_space<vmem>> -> memref<128xi32, #tpu.memory_space<vmem>>
    %dma_wait3A_2287 = arith.constant 0 : i32
    %dma_wait3A_2288 = arith.constant 0 : i32
    %dma_wait3A_2289 = tpu.memref_slice %arg3[%dma_wait3A_2287, %dma_wait3A_2288] : memref<400000x32xf32, #tpu.memory_space<hbm>> -> memref<400000x32xf32, #tpu.memory_space<hbm>>
    tpu.wait_indirect_dma semaphore(%arg7 : memref<!tpu.dma_semaphore, #tpu.memory_space<semaphore_mem>>) src(%dma_wait3A_2289 : memref<400000x32xf32, #tpu.memory_space<hbm>>) dst(%dma_wait3A_2283 : memref<128x32xf32, #tpu.memory_space<vmem>>)
    %dma_wait3A_2290 = arith.constant 11 : i32
    %dma_wait3A_2291 = arith.constant 11 : i32
    %dma_wait3A_2292 = arith.constant 0 : i32
    %dma_wait3A_2293 = arith.constant 0 : i32
    %dma_wait3A_2294 = tpu.memref_slice %arg6[%dma_wait3A_2291, %dma_wait3A_2292, %dma_wait3A_2293] : memref<16x128x32xf32, #tpu.memory_space<vmem>> -> memref<1x128x32xf32, #tpu.memory_space<vmem>>
    %dma_wait3A_2295 = tpu.memref_squeeze %dma_wait3A_2294 : memref<1x128x32xf32, #tpu.memory_space<vmem>> -> memref<128x32xf32, #tpu.memory_space<vmem>>
    %dma_wait3A_2296 = arith.constant 0 : i32
    %dma_wait3A_2297 = tpu.memref_slice %arg5[%dma_wait3A_2290, %dma_wait3A_2296] : memref<16x128xi32, #tpu.memory_space<vmem>> -> memref<1x128xi32, #tpu.memory_space<vmem>>
    %dma_wait3A_2298 = tpu.memref_squeeze %dma_wait3A_2297 : memref<1x128xi32, #tpu.memory_space<vmem>> -> memref<128xi32, #tpu.memory_space<vmem>>
    %dma_wait3A_2299 = arith.constant 0 : i32
    %dma_wait3A_2300 = arith.constant 0 : i32
    %dma_wait3A_2301 = tpu.memref_slice %arg3[%dma_wait3A_2299, %dma_wait3A_2300] : memref<400000x32xf32, #tpu.memory_space<hbm>> -> memref<400000x32xf32, #tpu.memory_space<hbm>>
    tpu.wait_indirect_dma semaphore(%arg7 : memref<!tpu.dma_semaphore, #tpu.memory_space<semaphore_mem>>) src(%dma_wait3A_2301 : memref<400000x32xf32, #tpu.memory_space<hbm>>) dst(%dma_wait3A_2295 : memref<128x32xf32, #tpu.memory_space<vmem>>)
    %dma_wait3A_2302 = arith.constant 12 : i32
    %dma_wait3A_2303 = arith.constant 12 : i32
    %dma_wait3A_2304 = arith.constant 0 : i32
    %dma_wait3A_2305 = arith.constant 0 : i32
    %dma_wait3A_2306 = tpu.memref_slice %arg6[%dma_wait3A_2303, %dma_wait3A_2304, %dma_wait3A_2305] : memref<16x128x32xf32, #tpu.memory_space<vmem>> -> memref<1x128x32xf32, #tpu.memory_space<vmem>>
    %dma_wait3A_2307 = tpu.memref_squeeze %dma_wait3A_2306 : memref<1x128x32xf32, #tpu.memory_space<vmem>> -> memref<128x32xf32, #tpu.memory_space<vmem>>
    %dma_wait3A_2308 = arith.constant 0 : i32
    %dma_wait3A_2309 = tpu.memref_slice %arg5[%dma_wait3A_2302, %dma_wait3A_2308] : memref<16x128xi32, #tpu.memory_space<vmem>> -> memref<1x128xi32, #tpu.memory_space<vmem>>
    %dma_wait3A_2310 = tpu.memref_squeeze %dma_wait3A_2309 : memref<1x128xi32, #tpu.memory_space<vmem>> -> memref<128xi32, #tpu.memory_space<vmem>>
    %dma_wait3A_2311 = arith.constant 0 : i32
    %dma_wait3A_2312 = arith.constant 0 : i32
    %dma_wait3A_2313 = tpu.memref_slice %arg3[%dma_wait3A_2311, %dma_wait3A_2312] : memref<400000x32xf32, #tpu.memory_space<hbm>> -> memref<400000x32xf32, #tpu.memory_space<hbm>>
    tpu.wait_indirect_dma semaphore(%arg7 : memref<!tpu.dma_semaphore, #tpu.memory_space<semaphore_mem>>) src(%dma_wait3A_2313 : memref<400000x32xf32, #tpu.memory_space<hbm>>) dst(%dma_wait3A_2307 : memref<128x32xf32, #tpu.memory_space<vmem>>)
    %dma_wait3A_2314 = arith.constant 13 : i32
    %dma_wait3A_2315 = arith.constant 13 : i32
    %dma_wait3A_2316 = arith.constant 0 : i32
    %dma_wait3A_2317 = arith.constant 0 : i32
    %dma_wait3A_2318 = tpu.memref_slice %arg6[%dma_wait3A_2315, %dma_wait3A_2316, %dma_wait3A_2317] : memref<16x128x32xf32, #tpu.memory_space<vmem>> -> memref<1x128x32xf32, #tpu.memory_space<vmem>>
    %dma_wait3A_2319 = tpu.memref_squeeze %dma_wait3A_2318 : memref<1x128x32xf32, #tpu.memory_space<vmem>> -> memref<128x32xf32, #tpu.memory_space<vmem>>
    %dma_wait3A_2320 = arith.constant 0 : i32
    %dma_wait3A_2321 = tpu.memref_slice %arg5[%dma_wait3A_2314, %dma_wait3A_2320] : memref<16x128xi32, #tpu.memory_space<vmem>> -> memref<1x128xi32, #tpu.memory_space<vmem>>
    %dma_wait3A_2322 = tpu.memref_squeeze %dma_wait3A_2321 : memref<1x128xi32, #tpu.memory_space<vmem>> -> memref<128xi32, #tpu.memory_space<vmem>>
    %dma_wait3A_2323 = arith.constant 0 : i32
    %dma_wait3A_2324 = arith.constant 0 : i32
    %dma_wait3A_2325 = tpu.memref_slice %arg3[%dma_wait3A_2323, %dma_wait3A_2324] : memref<400000x32xf32, #tpu.memory_space<hbm>> -> memref<400000x32xf32, #tpu.memory_space<hbm>>
    tpu.wait_indirect_dma semaphore(%arg7 : memref<!tpu.dma_semaphore, #tpu.memory_space<semaphore_mem>>) src(%dma_wait3A_2325 : memref<400000x32xf32, #tpu.memory_space<hbm>>) dst(%dma_wait3A_2319 : memref<128x32xf32, #tpu.memory_space<vmem>>)
    %dma_wait3A_2326 = arith.constant 14 : i32
    %dma_wait3A_2327 = arith.constant 14 : i32
    %dma_wait3A_2328 = arith.constant 0 : i32
    %dma_wait3A_2329 = arith.constant 0 : i32
    %dma_wait3A_2330 = tpu.memref_slice %arg6[%dma_wait3A_2327, %dma_wait3A_2328, %dma_wait3A_2329] : memref<16x128x32xf32, #tpu.memory_space<vmem>> -> memref<1x128x32xf32, #tpu.memory_space<vmem>>
    %dma_wait3A_2331 = tpu.memref_squeeze %dma_wait3A_2330 : memref<1x128x32xf32, #tpu.memory_space<vmem>> -> memref<128x32xf32, #tpu.memory_space<vmem>>
    %dma_wait3A_2332 = arith.constant 0 : i32
    %dma_wait3A_2333 = tpu.memref_slice %arg5[%dma_wait3A_2326, %dma_wait3A_2332] : memref<16x128xi32, #tpu.memory_space<vmem>> -> memref<1x128xi32, #tpu.memory_space<vmem>>
    %dma_wait3A_2334 = tpu.memref_squeeze %dma_wait3A_2333 : memref<1x128xi32, #tpu.memory_space<vmem>> -> memref<128xi32, #tpu.memory_space<vmem>>
    %dma_wait3A_2335 = arith.constant 0 : i32
    %dma_wait3A_2336 = arith.constant 0 : i32
    %dma_wait3A_2337 = tpu.memref_slice %arg3[%dma_wait3A_2335, %dma_wait3A_2336] : memref<400000x32xf32, #tpu.memory_space<hbm>> -> memref<400000x32xf32, #tpu.memory_space<hbm>>
    tpu.wait_indirect_dma semaphore(%arg7 : memref<!tpu.dma_semaphore, #tpu.memory_space<semaphore_mem>>) src(%dma_wait3A_2337 : memref<400000x32xf32, #tpu.memory_space<hbm>>) dst(%dma_wait3A_2331 : memref<128x32xf32, #tpu.memory_space<vmem>>)
    %dma_wait3A_2338 = arith.constant 15 : i32
    %dma_wait3A_2339 = arith.constant 15 : i32
    %dma_wait3A_2340 = arith.constant 0 : i32
    %dma_wait3A_2341 = arith.constant 0 : i32
    %dma_wait3A_2342 = tpu.memref_slice %arg6[%dma_wait3A_2339, %dma_wait3A_2340, %dma_wait3A_2341] : memref<16x128x32xf32, #tpu.memory_space<vmem>> -> memref<1x128x32xf32, #tpu.memory_space<vmem>>
    %dma_wait3A_2343 = tpu.memref_squeeze %dma_wait3A_2342 : memref<1x128x32xf32, #tpu.memory_space<vmem>> -> memref<128x32xf32, #tpu.memory_space<vmem>>
    %dma_wait3A_2344 = arith.constant 0 : i32
    %dma_wait3A_2345 = tpu.memref_slice %arg5[%dma_wait3A_2338, %dma_wait3A_2344] : memref<16x128xi32, #tpu.memory_space<vmem>> -> memref<1x128xi32, #tpu.memory_space<vmem>>
    %dma_wait3A_2346 = tpu.memref_squeeze %dma_wait3A_2345 : memref<1x128xi32, #tpu.memory_space<vmem>> -> memref<128xi32, #tpu.memory_space<vmem>>
    %dma_wait3A_2347 = arith.constant 0 : i32
    %dma_wait3A_2348 = arith.constant 0 : i32
    %dma_wait3A_2349 = tpu.memref_slice %arg3[%dma_wait3A_2347, %dma_wait3A_2348] : memref<400000x32xf32, #tpu.memory_space<hbm>> -> memref<400000x32xf32, #tpu.memory_space<hbm>>
    tpu.wait_indirect_dma semaphore(%arg7 : memref<!tpu.dma_semaphore, #tpu.memory_space<semaphore_mem>>) src(%dma_wait3A_2349 : memref<400000x32xf32, #tpu.memory_space<hbm>>) dst(%dma_wait3A_2343 : memref<128x32xf32, #tpu.memory_space<vmem>>)
    "tpu.region"() ({
      %run_scoped3A = tpu.sem_alloc : memref<!tpu.dma_semaphore, #tpu.memory_space<semaphore_mem>>
      %dma_start3A_2350 = arith.constant 0 : i32
      %dma_start3A_2351 = arith.constant 0 : i32
      %dma_start3A_2352 = arith.constant 0 : i32
      %dma_start3A_2353 = tpu.memref_slice %arg4[%add3A, %dma_start3A_2350, %dma_start3A_2351, %dma_start3A_2352] : memref<32x16x128x32xf32, #tpu.memory_space<hbm>> -> memref<1x16x128x32xf32, #tpu.memory_space<hbm>>
      %dma_start3A_2354 = tpu.memref_squeeze %dma_start3A_2353 : memref<1x16x128x32xf32, #tpu.memory_space<hbm>> -> memref<16x128x32xf32, #tpu.memory_space<hbm>>
      %dma_start3A_2355 = arith.constant 0 : i32
      %dma_start3A_2356 = arith.constant 0 : i32
      %dma_start3A_2357 = arith.constant 0 : i32
      %dma_start3A_2358 = tpu.memref_slice %arg4[%add3A, %dma_start3A_2355, %dma_start3A_2356, %dma_start3A_2357] : memref<32x16x128x32xf32, #tpu.memory_space<hbm>> -> memref<1x16x128x32xf32, #tpu.memory_space<hbm>>
      %dma_start3A_2359 = tpu.memref_squeeze %dma_start3A_2358 : memref<1x16x128x32xf32, #tpu.memory_space<hbm>> -> memref<16x128x32xf32, #tpu.memory_space<hbm>>
      tpu.enqueue_dma source(%arg6 : memref<16x128x32xf32, #tpu.memory_space<vmem>>) target(%dma_start3A_2359 : memref<16x128x32xf32, #tpu.memory_space<hbm>>) target_semaphore(%run_scoped3A : memref<!tpu.dma_semaphore, #tpu.memory_space<semaphore_mem>>)
      %dma_wait3A_2360 = arith.constant 0 : i32
      %dma_wait3A_2361 = arith.constant 0 : i32
      %dma_wait3A_2362 = arith.constant 0 : i32
      %dma_wait3A_2363 = tpu.memref_slice %arg4[%add3A, %dma_wait3A_2360, %dma_wait3A_2361, %dma_wait3A_2362] : memref<32x16x128x32xf32, #tpu.memory_space<hbm>> -> memref<1x16x128x32xf32, #tpu.memory_space<hbm>>
      %dma_wait3A_2364 = tpu.memref_squeeze %dma_wait3A_2363 : memref<1x16x128x32xf32, #tpu.memory_space<hbm>> -> memref<16x128x32xf32, #tpu.memory_space<hbm>>
      %dma_wait3A_2365 = arith.constant 0 : i32
      %dma_wait3A_2366 = arith.constant 0 : i32
      %dma_wait3A_2367 = arith.constant 0 : i32
      %dma_wait3A_2368 = tpu.memref_slice %arg4[%add3A, %dma_wait3A_2365, %dma_wait3A_2366, %dma_wait3A_2367] : memref<32x16x128x32xf32, #tpu.memory_space<hbm>> -> memref<1x16x128x32xf32, #tpu.memory_space<hbm>>
      %dma_wait3A_2369 = tpu.memref_squeeze %dma_wait3A_2368 : memref<1x16x128x32xf32, #tpu.memory_space<hbm>> -> memref<16x128x32xf32, #tpu.memory_space<hbm>>
      tpu.wait_dma2 semaphore(%run_scoped3A : memref<!tpu.dma_semaphore, #tpu.memory_space<semaphore_mem>>) src(%arg6 : memref<16x128x32xf32, #tpu.memory_space<vmem>>) dst(%dma_wait3A_2369 : memref<16x128x32xf32, #tpu.memory_space<hbm>>)
      tpu.yield
    }) : () -> ()
    return
  }
}

</mosaic_0001>

<sc_bundles>
// kernel: kernel.3.cloned.1.call-start
scs
__scs_entry_jumppad:
0x0: {  	(pc) =	sbr.rel $0x88, $3  }
0x1: {  	(tag) =	ssettag $0x0;
	lr =	simm.s32 $0x1  }
0x2: {  	[smem:$0x3F9F] =	sst lr;
	_ =	strace $0xD0000000  }
0x3: {  	_ = 	snop  }
0x4: {  	_ = 	snop  }
0x5: {  	_ = 	snop  }
0x6: {  	_ = 	snop  }
0x7: {  	_ = 	snop  }
__scs_overlays_trampoline_lowered:
0x8: {  	[smem:$0x3FAE] =	sst s0  }
0x9: {  	[smem:$0x3FAF] =	sst s1  }
0xa: {  	[smem:$0x3FB0] =	sst s2  }
0xb: {  	[smem:$0x3FB1] =	sst s3  }
0xc: {  	[smem:$0x3FB2] =	sst s4  }
0xd: {  	[smem:$0x3FB3] =	sst s5  }
0xe: {  	[smem:$0x3FB4] =	sst s6  }
0xf: {  	[smem:$0x3FB5] =	sst s7  }
0x10: {  	[smem:$0x3FB6] =	sst s8  }
0x11: {  	[smem:$0x3FB7] =	sst s9;
	s0 =	simm.s32 @!p0 $0x0  }
0x12: {  	s1 =	sld [smem:$0x3F9D];
	s0 =	simm.s32 @p0 $0x1  }
0x13: {  	[smem:$0x3FB8] =	sst s0;
	s0 =	simm.s32 @!p1 $0x0  }
0x14: {  	s2 =	sld [smem:$0x3F9C];
	s0 =	simm.s32 @p1 $0x1  }
0x15: {  	[smem:$0x3FB9] =	sst s0;
	s0 =	simm.s32 @!p2 $0x0  }
0x16: {  	s3 =	sld [smem:$0x3FDB];
	s0 =	simm.s32 @p2 $0x1  }
0x17: {  	s4 =	simm.s32 $0x1BF5;
	[smem:$0x3FBB] =	sst s0  }
0x18: {  	s0 =	sld [smem:$0x3F9E];
	_ =	swait.ge [sflag:s4], $0x0  }
0x19: {  	s7 =	sld [smem:$0x3F9F]  }
0x1a: {  	s8 =	sadd.s32 $0xFFFFE003, lr  }
0x1b: {  	s9 =	sadd.s32 $0xFFFFFEF7, lr;
	s5 =	simm.s32 $0xFFFFFFFF;
	p2 =	slt.u32 s8, $0xFFFFF086  }
0x1c: {  	p1 =	slt.u32 s9, $0xF7A;
	s5 =	simm.s32 @!p2 $0x0  }
0x1d: {  	s5 =	simm.s32 @p1 $0x1;
	p0 =	seq.s32 s7, s2  }
0x1e: {  	s7 =	smul.u32 @!p0 $0xF7A, s2;
	p2 =	seq.s32 @!p0 s5, $0x0  }
0x1f: {  	s9 =	smul.u32 $0xF7A, s1;
	s8 =	simm.s32 @!p0 $0x1BF5;
	p2 =	por !p2, p0  }
0x20: {  	[sflag:s8] =	ssyncset.s32 @!p0 $0xFFFFF086;
	s6 =	sadd.s32 @!p0 s3, s7;
	s7 =	simm.s32 @!p0 $0x108  }
0x21: {  	s3 =	sadd.s32 s3, s9;
	s6 =	sadd.s32 @!p0 $0x88, s6;
	s7 =	simm.s32 @p2 $0x1082  }
0x22: {  	[simem:s7], [sflag:s8] =	dma.local @!p0 [hbm:s6], $0xF7A  }
0x23: {  	s9 =	sor.u32 $0xD0000000, s2;
	s6 =	simm.s32 $0x108;
	_ =	swait.ge @!p0 [sflag:s8], $0x0  }
0x24: {  	s3 =	sadd.s32 $0x88, s3;
	s6 =	simm.s32 @!p1 $0x1082;
	[sflag:s4] =	ssyncset.s32 $0xFFFFF086  }
0x25: {  	[simem:s6], [sflag:s4] =	dma.local [hbm:s3], $0xF7A  }
0x26: {  	[smem:$0x3F9F] =	sst s1;
	(tag) =	ssettag s2;
	_ =	strace s9  }
0x27: {  	s1 =	sld [smem:$0x3FAF]  }
0x28: {  	s2 =	sld [smem:$0x3FB0]  }
0x29: {  	s4 =	sld [smem:$0x3FB2]  }
0x2a: {  	p0 =	seq.s32 s5, $0x0;
	s5 =	sld [smem:$0x3FB3]  }
0x2b: {  	s6 =	sld [smem:$0x3FB4]  }
0x2c: {  	s7 =	sld [smem:$0x3FB5]  }
0x2d: {  	s3 =	simm.s32 $0x108;
	s8 =	sld [smem:$0x3FB6]  }
0x2e: {  	s3 =	simm.s32 @!p0 $0x1082;
	s9 =	sld [smem:$0x3FB7]  }
0x2f: {  	lr =	sadd.s32 s0, s3;
	s0 =	sld [smem:$0x3FAE]  }
0x30: {  	s3 =	sld [smem:$0x3FB1]  }
0x31: {  	[smem:$0x3FBA] =	sst s10  }
0x32: {  	s10 =	sld [smem:$0x3FB8];
	_ =	sdelay $0x3  }
0x33: {  	p0 =	seq.s32 s10, $0x1;
	s10 =	sld [smem:$0x3FBA];
	_ =	sdelay $0x3  }
0x34: {  	[smem:$0x3FBA] =	sst s10  }
0x35: {  	s10 =	sld [smem:$0x3FB9];
	_ =	sdelay $0x3  }
0x36: {  	p1 =	seq.s32 s10, $0x1;
	s10 =	sld [smem:$0x3FBA];
	_ =	sdelay $0x3  }
0x37: {  	[smem:$0x3FBA] =	sst s10  }
0x38: {  	s10 =	sld [smem:$0x3FBB]  }
0x39: {  	_ = 	snop;
	(pc) =	sbr.ind lr, $3  }
0x3a: {  	_ = 	snop  }
0x3b: {  	_ = 	snop  }
0x3c: {  	p2 =	seq.s32 s10, $0x1;
	s10 =	sld [smem:$0x3FBA]  }
0x3d: {  	_ =	shalt  }
0x3e: {  	_ =	shalt  }
0x3f: {  	_ =	shalt  }
0x40: {  	_ =	shalt  }
0x41: {  	_ =	shalt  }
0x42: {  	_ =	shalt  }
0x43: {  	_ =	shalt  }
0x44: {  	_ =	shalt  }
0x45: {  	_ =	shalt  }
0x46: {  	_ =	shalt  }
0x47: {  	_ =	shalt  }
0x48: {  	_ =	shalt  }
0x49: {  	_ =	shalt  }
0x4a: {  	_ =	shalt  }
0x4b: {  	_ =	shalt  }
0x4c: {  	_ =	shalt  }
0x4d: {  	_ =	shalt  }
0x4e: {  	_ =	shalt  }
0x4f: {  	_ =	shalt  }
0x50: {  	_ =	shalt  }
0x51: {  	_ =	shalt  }
0x52: {  	_ =	shalt  }
0x53: {  	_ =	shalt  }
0x54: {  	_ =	shalt  }
0x55: {  	_ =	shalt  }
0x56: {  	_ =	shalt  }
0x57: {  	_ =	shalt  }
0x58: {  	_ =	shalt  }
0x59: {  	_ =	shalt  }
0x5a: {  	_ =	shalt  }
0x5b: {  	_ =	shalt  }
0x5c: {  	_ =	shalt  }
0x5d: {  	_ =	shalt  }
0x5e: {  	_ =	shalt  }
0x5f: {  	_ =	shalt  }
0x60: {  	_ =	shalt  }
0x61: {  	_ =	shalt  }
0x62: {  	_ =	shalt  }
0x63: {  	_ =	shalt  }
0x64: {  	_ =	shalt  }
0x65: {  	_ =	shalt  }
0x66: {  	_ =	shalt  }
0x67: {  	_ =	shalt  }
0x68: {  	_ =	shalt  }
0x69: {  	_ =	shalt  }
0x6a: {  	_ =	shalt  }
0x6b: {  	_ =	shalt  }
0x6c: {  	_ =	shalt  }
0x6d: {  	_ =	shalt  }
0x6e: {  	_ =	shalt  }
0x6f: {  	_ =	shalt  }
0x70: {  	_ =	shalt  }
0x71: {  	_ =	shalt  }
0x72: {  	_ =	shalt  }
0x73: {  	_ =	shalt  }
0x74: {  	_ =	shalt  }
0x75: {  	_ =	shalt  }
0x76: {  	_ =	shalt  }
0x77: {  	_ =	shalt  }
0x78: {  	_ =	shalt  }
0x79: {  	_ =	shalt  }
0x7a: {  	_ =	shalt  }
0x7b: {  	_ =	shalt  }
0x7c: {  	_ =	shalt  }
0x7d: {  	_ =	shalt  }
0x7e: {  	_ =	shalt  }
0x7f: {  	_ =	shalt  }
0x80: {  	_ =	shalt  }
0x81: {  	_ =	shalt  }
0x82: {  	_ =	shalt  }
0x83: {  	_ =	shalt  }
0x84: {  	_ =	shalt  }
0x85: {  	_ =	shalt  }
0x86: {  	_ =	shalt  }
0x87: {  	_ =	shalt  }
.Lfunc_end0:
.L_simem_size_0:
called_computation_lowered:
.L_overlay_start_0:
0x88: {  	s2 =	sld [smem:$0x3FD9]  }
0x89: {  	s3 =	sld [smem:$0x3FFE];
	_ =	sdelay $0x1  }
0x8a: {  	s1 =	srdreg.scid  }
0x8b: {  	s0 =	sand.u32 $0x1, s1  }
0x8c: {  	s17 =	sshll.u32 s0, $0xA;
	s2 =	sadd.s32 s3, s2  }
0x8d: {  	s2 =	sadd.s32 s2, s17  }
0x8e: {  	[smem:$0x3FC6] =	sst s2  }
0x8f: {  	_ = 	snop  }
0x90: {  	s2 =	sld [smem:$0x3FD0];
	(tm) =	ssettm $0x1  }
0x91: {  	s18 =	sld [smem:$0x3FFB];
	_ =	sdelay $0x3  }
0x92: {  	_ =	strace s18  }
0x93: {  	s3 =	sld [smem:$0x3FFC];
	_ =	sdelay $0x3  }
0x94: {  	_ =	strace s3  }
0x95: {  	s3 =	sld [smem:$0x3FFD];
	_ =	sdelay $0x3  }
0x96: {  	_ =	strace s3  }
0x97: {  	_ =	strace $0x8FFFFFFF  }
0x98: {  	s19 =	sld [smem:$0x3FDB];
	_ =	sdelay $0x1  }
0x99: {  	s4 =	simm.s32 $_scs_section_size  }
0x9a: {  	s5 =	simm.s32 $_size__tile_overlayer_lowered;
	s6 =	simm.s32 $_tile_overlayer_lowered  }
0x9b: {  	s22 =	simm.s32 $0x1BFF;
	s21 =	sshll.u32 s6, $0x1;
	s3 =	sadd.s32 s4, s19  }
0x9c: {  	s7 =	simm.s32 $0x0;
	s20 =	sshll.u32 s5, $0x1;
	s5 =	sadd.s32 s21, s3  }
0x9d: {  	[timem:s7], [sflag:s22] =	dma.local [hbm:s5], s20  }
0x9e: {  	_ =	swait.ge [sflag:s22], s20  }
0x9f: {  	s4 =	ssub.s32 $0x0, s20;
	[sflag:s22] =	ssyncset.done $0x0  }
0xa0: {  	[sflag:s22] =	ssyncadd.s32 s4;
	_ =	sdelay $0x1  }
0xa1: {  	s23 =	simm.s32 $0x1B8B  }
0xa2: {  	_ =	swait.ge [sflag:s23], $0x1  }
0xa3: {  	[sflag:s23] =	ssyncset.done $0x0  }
0xa4: {  	s25 =	simm.s32 $0x1B8E;
	s24 =	sld [smem:$0x3FFE];
	[sflag:s23] =	ssyncadd.s32 $0xFFFFFFFF  }
0xa5: {  	s26 =	simm.s32 $execute0_lowered;
	[smem:$0x3FD2] =	sst s25  }
0xa6: {  	s5 =	sshll.u32 s26, $0x1;
	_ =	strace $0x80000046;
	[dreg:$0x1] =	wrdreg $0xFFFFFFFF  }
0xa7: {  	s28 =	simm.s32 $_size_execute0_lowered;
	s3 =	sadd.s32 s3, s5;
	[dreg:$0x0] =	wrdreg $0x0  }
0xa8: {  	s5 =	sshll.u32 s28, $0x1;
	[dreg:$0x2] =	wrdreg s3  }
0xa9: {  	[dreg:$0x3] =	wrdreg s5  }
0xaa: {  	[dreg:$0x4] =	wrdreg $0xC0  }
0xab: {  	_ =	task [dreg:s7], $0x5FFFF  }
0xac: {  	[dreg:$0x1] =	wrdreg $0xFFFFFFFF  }
0xad: {  	[dreg:$0x0] =	wrdreg $0x60  }
0xae: {  	[dreg:$0x2] =	wrdreg s24  }
0xaf: {  	[dreg:$0x3] =	wrdreg s2  }
0xb0: {  	[dreg:$0x4] =	wrdreg $0x9  }
0xb1: {  	_ =	task.clear_ibuf [dreg:s7], $0x5FFFF;
	_ =	strace $0x90000046  }
0xb2: {  	s29 =	simm.s32 $0x9;
	_ =	strace $0x80000048  }
0xb3: {  	_ =	swait.ge [sflag:s29], $0x1  }
0xb4: {  	[sflag:s29] =	ssyncadd.s32 $0xFFFFFFFF  }
0xb5: {  	_ =	strace $0x90000048  }
0xb6: {  	_ =	sfence  }
0xb7: {  	s30 =	sld [smem:$0x0];
	_ =	sdelay $0x2  }
0xb8: {  	s31 =	sshll.u32 s1, $0xD;
	s1 =	sshrl.u32 s1, $0x2  }
0xb9: {  	s3 =	sand.u32 $0x4000, s31;
	s1 =	sadd.s32 s1, s30  }
0xba: {  	s0 =	sor.u32 s3, s0;
	s1 =	sshll.u32 s1, $0x11  }
0xbb: {  	s0 =	sor.u32 s1, s0  }
0xbc: {  	s0 =	sadd.s32 $0x8F2B, s0  }
0xbd: {  	[sflag:s0] =	ssyncadd.remote.s32 $0x1  }
0xbe: {  	_ =	sfence.sel $0xFFFF  }
0xbf: {  	[dreg:$0x0] =	wrdreg $0xFFFFFFFF;
	(pc) =	sbr.abs _section_cstart, $3  }
0xc0: {  	[dreg:$0x1] =	wrdreg $0xFFFFFFFF  }
0xc1: {  	_ =	task.clear_ibuf [dreg:s7], $0x2FFFF;
	_ =	strace $0x9FFFFFFF  }
0xc2: {  	(tm) =	ssettm $0x7FFFFFFF  }
0xc3: {  	_ =	shalt  }
tec
execute0_lowered:
.L_overlay_start_1:
0x0: {  	(tag) =	ssettag $0x1  }
0x1: {  	s1 =	srdreg.scid  }
0x2: {  	s0 =	stileid.u32;
	s3 =	rddreg [dreg:$0x0]  }
0x3: {  	s4 =	rddreg [dreg:$0x1];
	s20 =	simm.s32 $0x1800;
	s21 =	simm.s32 $0x100  }
0x4: {  	s23 =	simm.s32 $0x2800;
	s24 =	simm.s32 $0x180;
	s25 =	simm.s32 $0x3800  }
0x5: {  	s26 =	simm.s32 $0x200;
	s7 =	simm.s32 $0x800;
	s9 =	simm.s32 $0x280  }
0x6: {  	s10 =	simm.s32 $0x5800;
	s11 =	simm.s32 $0x300;
	s12 =	simm.s32 $0x6800  }
0x7: {  	s13 =	simm.s32 $0x380;
	s14 =	simm.s32 $0x7800;
	s15 =	simm.s32 $0x400  }
0x8: {  	s16 =	simm.s32 $0x8800;
	s17 =	simm.s32 $0x480;
	s18 =	simm.s32 $0x9800  }
0x9: {  	s19 =	simm.s32 $0x500;
	s1 =	sand.u32 $0x1, s1;
	s2 =	sshll.u32 s0, $0x1  }
0xa: {  	s28 =	simm.s32 $0x700;
	s5 =	sor.u32 s1, s2;
	s2 =	simm.s32 $0x0  }
0xb: {  	s29 =	simm.s32 $0xE800;
	s30 =	simm.s32 $0x780;
	[smem:$0x7FF] =	sst s2  }
0xc: {  	s31 =	simm.s32 $0xF800;
	_ =	strace $0x80000047;
	[dreg:$0x5] =	wrdreg s20  }
0xd: {  	s1 =	ssub.s32 $0x2, s1;
	s6 =	sshll.u32 s5, $0x8;
	[dreg:$0x6] =	wrdreg s21  }
0xe: {  	s5 =	sshll.u32 s5, $0xD;
	s22 =	sshrl.u32 s1, $0x1;
	[dreg:$0x7] =	wrdreg s23  }
0xf: {  	s6 =	sadd.s32 s6, s3;
	s4 =	sadd.s32 s4, s5;
	[dreg:$0x8] =	wrdreg s24  }
0x10: {  	s3 =	sadd.s32 $0x61AE00, s3;
	s1 =	ssub.s32 s1, s22;
	[dreg:$0x9] =	wrdreg s25  }
0x11: {  	s5 =	simm.s32 $0x2;
	[dreg:$0xa] =	wrdreg s26;
	s20 =	simm.s32 $0xA800  }
0x12: {  	s21 =	simm.s32 $0x580;
	s22 =	simm.s32 $0xB800;
	s23 =	simm.s32 $0x600  }
0x13: {  	v0 =	vlaneseq.u32;
	s24 =	simm.s32 $0xC800;
	s25 =	simm.s32 $0x680;
	s26 =	simm.s32 $0xD800  }
0x14: {  	v0 =	vand.u32 $0x3, v0;
	s6 =	sadd.s32 $0x600, s6;
	[dreg:$0x4] =	wrdreg s4;
	s4 =	smax.u32 s1, $0x1  }
0x15: {  	v0 =	vmul.u32 $0x186A0, v0;
	s1 =	simm.s32 $0x1;
	[dreg:$0x3] =	wrdreg s6;
	s6 =	simm.s32 $0x80  }
.LBB2_1:
0x16: {  	s0 =	rddreg [dreg:$0x3]  }
0x17: {  	[tilespmem:s2], [sflag:$0x2] =	stream.linear.gather [hbm4b:s0+s2], $0x800, $0x38;
	[tilespmem:$0x10800] =	vst v63  }
0x18: {  	_ =	swait.ge [sflag:s5], $0x800  }
0x19: {  	[sflag:s5] =	ssyncset.done $0x0  }
0x1a: {  	[sflag:s5] =	ssyncadd.s32 $0xFFFFF800  }
0x1b: {  	v1 =	vld [tilespmem:$0x0]  }
0x1c: {  	v2 =	vld [tilespmem:$0x10]  }
0x1d: {  	v3 =	vld [tilespmem:$0x20]  }
0x1e: {  	v4 =	vld [tilespmem:$0x30]  }
0x1f: {  	v5 =	vld [tilespmem:$0x40]  }
0x20: {  	v6 =	vld [tilespmem:$0x50];
	v1 =	vadd.s32 v0, v1  }
0x21: {  	[tilespmem:$0x0] =	vst v1;
	v1 =	vadd.s32 v0, v2;
	v2 =	vld [tilespmem:$0x60]  }
0x22: {  	[tilespmem:$0x10] =	vst v1;
	v1 =	vadd.s32 v0, v3;
	v3 =	vld [tilespmem:$0x70]  }
0x23: {  	[tilespmem:$0x20] =	vst v1;
	v1 =	vadd.s32 v0, v4  }
0x24: {  	[tilespmem:$0x30] =	vst v1;
	v1 =	vadd.s32 v0, v5  }
0x25: {  	[tilespmem:$0x40] =	vst v1;
	v1 =	vadd.s32 v0, v6  }
0x26: {  	[tilespmem:$0x50] =	vst v1;
	v1 =	vadd.s32 v0, v2  }
0x27: {  	[tilespmem:$0x60] =	vst v1;
	v1 =	vadd.s32 v0, v3  }
0x28: {  	[tilespmem:$0x70] =	vst v1  }
0x29: {  	[tilespmem:s7], [sflag:$0x1] =	stream.indirect.gather [hbm4b:s3+s6], $0x20, s2, s6, $0xb8;
	[tilespmem:$0x10800] =	vst v63  }
0x2a: {  	v1 =	vld [tilespmem:$0x80]  }
0x2b: {  	v2 =	vld [tilespmem:$0x90]  }
0x2c: {  	v3 =	vld [tilespmem:$0xA0]  }
0x2d: {  	v19 =	vld [tilespmem:$0xB0]  }
0x2e: {  	v20 =	vld [tilespmem:$0xC0]  }
0x2f: {  	v21 =	vld [tilespmem:$0xD0];
	v1 =	vadd.s32 v0, v1  }
0x30: {  	[tilespmem:$0x80] =	vst v1;
	v1 =	vadd.s32 v0, v2;
	v2 =	vld [tilespmem:$0xE0]  }
0x31: {  	[tilespmem:$0x90] =	vst v1;
	v1 =	vadd.s32 v0, v3;
	v3 =	vld [tilespmem:$0xF0]  }
0x32: {  	[tilespmem:$0xA0] =	vst v1;
	v1 =	vadd.s32 v0, v19  }
0x33: {  	[tilespmem:$0xB0] =	vst v1;
	v1 =	vadd.s32 v0, v20  }
0x34: {  	[tilespmem:$0xC0] =	vst v1;
	v1 =	vadd.s32 v0, v21  }
0x35: {  	[tilespmem:$0xD0] =	vst v1;
	v1 =	vadd.s32 v0, v2  }
0x36: {  	[tilespmem:$0xE0] =	vst v1;
	v1 =	vadd.s32 v0, v3  }
0x37: {  	s8 =	rddreg [dreg:$0x5];
	[tilespmem:$0xF0] =	vst v1  }
0x38: {  	[tilespmem:s8], [sflag:$0x1] =	stream.indirect.gather [hbm4b:s3+s6], $0x20, s6, s6, $0xb8;
	[tilespmem:$0x10800] =	vst v63  }
0x39: {  	v1 =	vld [tilespmem:$0x100]  }
0x3a: {  	v2 =	vld [tilespmem:$0x110]  }
0x3b: {  	v3 =	vld [tilespmem:$0x120]  }
0x3c: {  	v22 =	vld [tilespmem:$0x130]  }
0x3d: {  	v23 =	vld [tilespmem:$0x140]  }
0x3e: {  	v24 =	vld [tilespmem:$0x150];
	v1 =	vadd.s32 v0, v1  }
0x3f: {  	[tilespmem:$0x100] =	vst v1;
	v1 =	vadd.s32 v0, v2;
	v2 =	vld [tilespmem:$0x160]  }
0x40: {  	[tilespmem:$0x110] =	vst v1;
	v1 =	vadd.s32 v0, v3;
	v3 =	vld [tilespmem:$0x170]  }
0x41: {  	[tilespmem:$0x120] =	vst v1;
	v1 =	vadd.s32 v0, v22  }
0x42: {  	[tilespmem:$0x130] =	vst v1;
	v1 =	vadd.s32 v0, v23  }
0x43: {  	[tilespmem:$0x140] =	vst v1;
	v1 =	vadd.s32 v0, v24  }
0x44: {  	[tilespmem:$0x150] =	vst v1;
	v1 =	vadd.s32 v0, v2  }
0x45: {  	s0 =	rddreg [dreg:$0x6];
	[tilespmem:$0x160] =	vst v1;
	v1 =	vadd.s32 v0, v3  }
0x46: {  	s8 =	rddreg [dreg:$0x7];
	[tilespmem:$0x170] =	vst v1  }
0x47: {  	[tilespmem:s8], [sflag:$0x1] =	stream.indirect.gather [hbm4b:s3+s6], $0x20, s0, s6, $0xb8;
	[tilespmem:$0x10800] =	vst v63  }
0x48: {  	v1 =	vld [tilespmem:$0x180]  }
0x49: {  	v2 =	vld [tilespmem:$0x190]  }
0x4a: {  	v3 =	vld [tilespmem:$0x1A0]  }
0x4b: {  	v25 =	vld [tilespmem:$0x1B0]  }
0x4c: {  	v26 =	vld [tilespmem:$0x1C0]  }
0x4d: {  	v27 =	vld [tilespmem:$0x1D0];
	v1 =	vadd.s32 v0, v1  }
0x4e: {  	[tilespmem:$0x180] =	vst v1;
	v1 =	vadd.s32 v0, v2;
	v2 =	vld [tilespmem:$0x1E0]  }
0x4f: {  	[tilespmem:$0x190] =	vst v1;
	v1 =	vadd.s32 v0, v3;
	v3 =	vld [tilespmem:$0x1F0]  }
0x50: {  	[tilespmem:$0x1A0] =	vst v1;
	v1 =	vadd.s32 v0, v25  }
0x51: {  	[tilespmem:$0x1B0] =	vst v1;
	v1 =	vadd.s32 v0, v26  }
0x52: {  	[tilespmem:$0x1C0] =	vst v1;
	v1 =	vadd.s32 v0, v27  }
0x53: {  	[tilespmem:$0x1D0] =	vst v1;
	v1 =	vadd.s32 v0, v2  }
0x54: {  	s0 =	rddreg [dreg:$0x8];
	[tilespmem:$0x1E0] =	vst v1;
	v1 =	vadd.s32 v0, v3  }
0x55: {  	s8 =	rddreg [dreg:$0x9];
	[tilespmem:$0x1F0] =	vst v1  }
0x56: {  	[tilespmem:s8], [sflag:$0x1] =	stream.indirect.gather [hbm4b:s3+s6], $0x20, s0, s6, $0xb8;
	[tilespmem:$0x10800] =	vst v63  }
0x57: {  	v1 =	vld [tilespmem:$0x200]  }
0x58: {  	v2 =	vld [tilespmem:$0x210]  }
0x59: {  	v3 =	vld [tilespmem:$0x220]  }
0x5a: {  	v28 =	vld [tilespmem:$0x230]  }
0x5b: {  	v29 =	vld [tilespmem:$0x240]  }
0x5c: {  	v30 =	vld [tilespmem:$0x250];
	v1 =	vadd.s32 v0, v1  }
0x5d: {  	[tilespmem:$0x200] =	vst v1;
	v1 =	vadd.s32 v0, v2;
	v2 =	vld [tilespmem:$0x260]  }
0x5e: {  	[tilespmem:$0x210] =	vst v1;
	v1 =	vadd.s32 v0, v3;
	v3 =	vld [tilespmem:$0x270]  }
0x5f: {  	[tilespmem:$0x220] =	vst v1;
	v1 =	vadd.s32 v0, v28  }
0x60: {  	[tilespmem:$0x230] =	vst v1;
	v1 =	vadd.s32 v0, v29  }
0x61: {  	[tilespmem:$0x240] =	vst v1;
	v1 =	vadd.s32 v0, v30  }
0x62: {  	[tilespmem:$0x250] =	vst v1;
	v1 =	vadd.s32 v0, v2  }
0x63: {  	[tilespmem:$0x260] =	vst v1;
	v1 =	vadd.s32 v0, v3  }
0x64: {  	s0 =	rddreg [dreg:$0xa];
	s8 =	simm.s32 $0x4800;
	[tilespmem:$0x270] =	vst v1  }
0x65: {  	[tilespmem:s8], [sflag:$0x1] =	stream.indirect.gather [hbm4b:s3+s6], $0x20, s0, s6, $0xb8;
	[tilespmem:$0x10800] =	vst v63  }
0x66: {  	v1 =	vld [tilespmem:$0x280]  }
0x67: {  	v2 =	vld [tilespmem:$0x290]  }
0x68: {  	v3 =	vld [tilespmem:$0x2A0]  }
0x69: {  	v31 =	vld [tilespmem:$0x2B0]  }
0x6a: {  	v32 =	vld [tilespmem:$0x2C0]  }
0x6b: {  	v33 =	vld [tilespmem:$0x2D0];
	v1 =	vadd.s32 v0, v1  }
0x6c: {  	[tilespmem:$0x280] =	vst v1;
	v1 =	vadd.s32 v0, v2;
	v2 =	vld [tilespmem:$0x2E0]  }
0x6d: {  	[tilespmem:$0x290] =	vst v1;
	v1 =	vadd.s32 v0, v3;
	v3 =	vld [tilespmem:$0x2F0]  }
0x6e: {  	[tilespmem:$0x2A0] =	vst v1;
	v1 =	vadd.s32 v0, v31  }
0x6f: {  	[tilespmem:$0x2B0] =	vst v1;
	v1 =	vadd.s32 v0, v32  }
0x70: {  	[tilespmem:$0x2C0] =	vst v1;
	v1 =	vadd.s32 v0, v33  }
0x71: {  	[tilespmem:$0x2D0] =	vst v1;
	v1 =	vadd.s32 v0, v2  }
0x72: {  	[tilespmem:$0x2E0] =	vst v1;
	v1 =	vadd.s32 v0, v3  }
0x73: {  	[tilespmem:$0x2F0] =	vst v1  }
0x74: {  	[tilespmem:s10], [sflag:$0x1] =	stream.indirect.gather [hbm4b:s3+s6], $0x20, s9, s6, $0xb8;
	[tilespmem:$0x10800] =	vst v63  }
0x75: {  	v1 =	vld [tilespmem:$0x300]  }
0x76: {  	v2 =	vld [tilespmem:$0x310]  }
0x77: {  	v3 =	vld [tilespmem:$0x320]  }
0x78: {  	v34 =	vld [tilespmem:$0x330]  }
0x79: {  	v35 =	vld [tilespmem:$0x340]  }
0x7a: {  	v36 =	vld [tilespmem:$0x350];
	v1 =	vadd.s32 v0, v1  }
0x7b: {  	[tilespmem:$0x300] =	vst v1;
	v1 =	vadd.s32 v0, v2;
	v2 =	vld [tilespmem:$0x360]  }
0x7c: {  	[tilespmem:$0x310] =	vst v1;
	v1 =	vadd.s32 v0, v3;
	v3 =	vld [tilespmem:$0x370]  }
0x7d: {  	[tilespmem:$0x320] =	vst v1;
	v1 =	vadd.s32 v0, v34  }
0x7e: {  	[tilespmem:$0x330] =	vst v1;
	v1 =	vadd.s32 v0, v35  }
0x7f: {  	[tilespmem:$0x340] =	vst v1;
	v1 =	vadd.s32 v0, v36  }
0x80: {  	[tilespmem:$0x350] =	vst v1;
	v1 =	vadd.s32 v0, v2  }
0x81: {  	[tilespmem:$0x360] =	vst v1;
	v1 =	vadd.s32 v0, v3  }
0x82: {  	[tilespmem:$0x370] =	vst v1  }
0x83: {  	[tilespmem:s12], [sflag:$0x1] =	stream.indirect.gather [hbm4b:s3+s6], $0x20, s11, s6, $0xb8;
	[tilespmem:$0x10800] =	vst v63  }
0x84: {  	v1 =	vld [tilespmem:$0x380]  }
0x85: {  	v2 =	vld [tilespmem:$0x390]  }
0x86: {  	v3 =	vld [tilespmem:$0x3A0]  }
0x87: {  	v37 =	vld [tilespmem:$0x3B0]  }
0x88: {  	v38 =	vld [tilespmem:$0x3C0]  }
0x89: {  	v39 =	vld [tilespmem:$0x3D0];
	v1 =	vadd.s32 v0, v1  }
0x8a: {  	[tilespmem:$0x380] =	vst v1;
	v1 =	vadd.s32 v0, v2;
	v2 =	vld [tilespmem:$0x3E0]  }
0x8b: {  	[tilespmem:$0x390] =	vst v1;
	v1 =	vadd.s32 v0, v3;
	v3 =	vld [tilespmem:$0x3F0]  }
0x8c: {  	[tilespmem:$0x3A0] =	vst v1;
	v1 =	vadd.s32 v0, v37  }
0x8d: {  	[tilespmem:$0x3B0] =	vst v1;
	v1 =	vadd.s32 v0, v38  }
0x8e: {  	[tilespmem:$0x3C0] =	vst v1;
	v1 =	vadd.s32 v0, v39  }
0x8f: {  	[tilespmem:$0x3D0] =	vst v1;
	v1 =	vadd.s32 v0, v2  }
0x90: {  	[tilespmem:$0x3E0] =	vst v1;
	v1 =	vadd.s32 v0, v3  }
0x91: {  	[tilespmem:$0x3F0] =	vst v1  }
0x92: {  	[tilespmem:s14], [sflag:$0x1] =	stream.indirect.gather [hbm4b:s3+s6], $0x20, s13, s6, $0xb8;
	[tilespmem:$0x10800] =	vst v63  }
0x93: {  	v1 =	vld [tilespmem:$0x400]  }
0x94: {  	v2 =	vld [tilespmem:$0x410]  }
0x95: {  	v3 =	vld [tilespmem:$0x420]  }
0x96: {  	v40 =	vld [tilespmem:$0x430]  }
0x97: {  	v41 =	vld [tilespmem:$0x440]  }
0x98: {  	v42 =	vld [tilespmem:$0x450];
	v1 =	vadd.s32 v0, v1  }
0x99: {  	[tilespmem:$0x400] =	vst v1;
	v1 =	vadd.s32 v0, v2;
	v2 =	vld [tilespmem:$0x460]  }
0x9a: {  	[tilespmem:$0x410] =	vst v1;
	v1 =	vadd.s32 v0, v3;
	v3 =	vld [tilespmem:$0x470]  }
0x9b: {  	[tilespmem:$0x420] =	vst v1;
	v1 =	vadd.s32 v0, v40  }
0x9c: {  	[tilespmem:$0x430] =	vst v1;
	v1 =	vadd.s32 v0, v41  }
0x9d: {  	[tilespmem:$0x440] =	vst v1;
	v1 =	vadd.s32 v0, v42  }
0x9e: {  	[tilespmem:$0x450] =	vst v1;
	v1 =	vadd.s32 v0, v2  }
0x9f: {  	[tilespmem:$0x460] =	vst v1;
	v1 =	vadd.s32 v0, v3  }
0xa0: {  	[tilespmem:$0x470] =	vst v1  }
0xa1: {  	[tilespmem:s16], [sflag:$0x1] =	stream.indirect.gather [hbm4b:s3+s6], $0x20, s15, s6, $0xb8;
	[tilespmem:$0x10800] =	vst v63  }
0xa2: {  	v1 =	vld [tilespmem:$0x480]  }
0xa3: {  	v2 =	vld [tilespmem:$0x490]  }
0xa4: {  	v3 =	vld [tilespmem:$0x4A0]  }
0xa5: {  	v43 =	vld [tilespmem:$0x4B0]  }
0xa6: {  	v44 =	vld [tilespmem:$0x4C0]  }
0xa7: {  	v45 =	vld [tilespmem:$0x4D0];
	v1 =	vadd.s32 v0, v1  }
0xa8: {  	[tilespmem:$0x480] =	vst v1;
	v1 =	vadd.s32 v0, v2;
	v2 =	vld [tilespmem:$0x4E0]  }
0xa9: {  	[tilespmem:$0x490] =	vst v1;
	v1 =	vadd.s32 v0, v3;
	v3 =	vld [tilespmem:$0x4F0]  }
0xaa: {  	[tilespmem:$0x4A0] =	vst v1;
	v1 =	vadd.s32 v0, v43  }
0xab: {  	[tilespmem:$0x4B0] =	vst v1;
	v1 =	vadd.s32 v0, v44  }
0xac: {  	[tilespmem:$0x4C0] =	vst v1;
	v1 =	vadd.s32 v0, v45  }
0xad: {  	[tilespmem:$0x4D0] =	vst v1;
	v1 =	vadd.s32 v0, v2  }
0xae: {  	[tilespmem:$0x4E0] =	vst v1;
	v1 =	vadd.s32 v0, v3  }
0xaf: {  	[tilespmem:$0x4F0] =	vst v1  }
0xb0: {  	[tilespmem:s18], [sflag:$0x1] =	stream.indirect.gather [hbm4b:s3+s6], $0x20, s17, s6, $0xb8;
	[tilespmem:$0x10800] =	vst v63  }
0xb1: {  	v1 =	vld [tilespmem:$0x500]  }
0xb2: {  	v2 =	vld [tilespmem:$0x510]  }
0xb3: {  	v3 =	vld [tilespmem:$0x520]  }
0xb4: {  	v46 =	vld [tilespmem:$0x530]  }
0xb5: {  	v47 =	vld [tilespmem:$0x540]  }
0xb6: {  	v48 =	vld [tilespmem:$0x550];
	v1 =	vadd.s32 v0, v1  }
0xb7: {  	[tilespmem:$0x500] =	vst v1;
	v1 =	vadd.s32 v0, v2;
	v2 =	vld [tilespmem:$0x560]  }
0xb8: {  	[tilespmem:$0x510] =	vst v1;
	v1 =	vadd.s32 v0, v3;
	v3 =	vld [tilespmem:$0x570]  }
0xb9: {  	[tilespmem:$0x520] =	vst v1;
	v1 =	vadd.s32 v0, v46  }
0xba: {  	[tilespmem:$0x530] =	vst v1;
	v1 =	vadd.s32 v0, v47  }
0xbb: {  	[tilespmem:$0x540] =	vst v1;
	v1 =	vadd.s32 v0, v48  }
0xbc: {  	[tilespmem:$0x550] =	vst v1;
	v1 =	vadd.s32 v0, v2  }
0xbd: {  	[tilespmem:$0x560] =	vst v1;
	v1 =	vadd.s32 v0, v3  }
0xbe: {  	[tilespmem:$0x570] =	vst v1  }
0xbf: {  	[tilespmem:s20], [sflag:$0x1] =	stream.indirect.gather [hbm4b:s3+s6], $0x20, s19, s6, $0xb8;
	[tilespmem:$0x10800] =	vst v63  }
0xc0: {  	v1 =	vld [tilespmem:$0x580]  }
0xc1: {  	v2 =	vld [tilespmem:$0x590]  }
0xc2: {  	v3 =	vld [tilespmem:$0x5A0]  }
0xc3: {  	v49 =	vld [tilespmem:$0x5B0]  }
0xc4: {  	v50 =	vld [tilespmem:$0x5C0]  }
0xc5: {  	v51 =	vld [tilespmem:$0x5D0];
	v1 =	vadd.s32 v0, v1  }
0xc6: {  	[tilespmem:$0x580] =	vst v1;
	v1 =	vadd.s32 v0, v2;
	v2 =	vld [tilespmem:$0x5E0]  }
0xc7: {  	[tilespmem:$0x590] =	vst v1;
	v1 =	vadd.s32 v0, v3;
	v3 =	vld [tilespmem:$0x5F0]  }
0xc8: {  	[tilespmem:$0x5A0] =	vst v1;
	v1 =	vadd.s32 v0, v49  }
0xc9: {  	[tilespmem:$0x5B0] =	vst v1;
	v1 =	vadd.s32 v0, v50  }
0xca: {  	[tilespmem:$0x5C0] =	vst v1;
	v1 =	vadd.s32 v0, v51  }
0xcb: {  	[tilespmem:$0x5D0] =	vst v1;
	v1 =	vadd.s32 v0, v2  }
0xcc: {  	[tilespmem:$0x5E0] =	vst v1;
	v1 =	vadd.s32 v0, v3  }
0xcd: {  	[tilespmem:$0x5F0] =	vst v1  }
0xce: {  	[tilespmem:s22], [sflag:$0x1] =	stream.indirect.gather [hbm4b:s3+s6], $0x20, s21, s6, $0xb8;
	[tilespmem:$0x10800] =	vst v63  }
0xcf: {  	v1 =	vld [tilespmem:$0x600]  }
0xd0: {  	v2 =	vld [tilespmem:$0x610]  }
0xd1: {  	v3 =	vld [tilespmem:$0x620]  }
0xd2: {  	v52 =	vld [tilespmem:$0x630]  }
0xd3: {  	v53 =	vld [tilespmem:$0x640]  }
0xd4: {  	v54 =	vld [tilespmem:$0x650];
	v1 =	vadd.s32 v0, v1  }
0xd5: {  	[tilespmem:$0x600] =	vst v1;
	v1 =	vadd.s32 v0, v2;
	v2 =	vld [tilespmem:$0x660]  }
0xd6: {  	[tilespmem:$0x610] =	vst v1;
	v1 =	vadd.s32 v0, v3;
	v3 =	vld [tilespmem:$0x670]  }
0xd7: {  	[tilespmem:$0x620] =	vst v1;
	v1 =	vadd.s32 v0, v52  }
0xd8: {  	[tilespmem:$0x630] =	vst v1;
	v1 =	vadd.s32 v0, v53  }
0xd9: {  	[tilespmem:$0x640] =	vst v1;
	v1 =	vadd.s32 v0, v54  }
0xda: {  	[tilespmem:$0x650] =	vst v1;
	v1 =	vadd.s32 v0, v2  }
0xdb: {  	[tilespmem:$0x660] =	vst v1;
	v1 =	vadd.s32 v0, v3  }
0xdc: {  	[tilespmem:$0x670] =	vst v1  }
0xdd: {  	[tilespmem:s24], [sflag:$0x1] =	stream.indirect.gather [hbm4b:s3+s6], $0x20, s23, s6, $0xb8;
	[tilespmem:$0x10800] =	vst v63  }
0xde: {  	v1 =	vld [tilespmem:$0x680]  }
0xdf: {  	v2 =	vld [tilespmem:$0x690]  }
0xe0: {  	v3 =	vld [tilespmem:$0x6A0]  }
0xe1: {  	v55 =	vld [tilespmem:$0x6B0]  }
0xe2: {  	v56 =	vld [tilespmem:$0x6C0]  }
0xe3: {  	v57 =	vld [tilespmem:$0x6D0];
	v1 =	vadd.s32 v0, v1  }
0xe4: {  	[tilespmem:$0x680] =	vst v1;
	v1 =	vadd.s32 v0, v2;
	v2 =	vld [tilespmem:$0x6E0]  }
0xe5: {  	[tilespmem:$0x690] =	vst v1;
	v1 =	vadd.s32 v0, v3;
	v3 =	vld [tilespmem:$0x6F0]  }
0xe6: {  	[tilespmem:$0x6A0] =	vst v1;
	v1 =	vadd.s32 v0, v55  }
0xe7: {  	[tilespmem:$0x6B0] =	vst v1;
	v1 =	vadd.s32 v0, v56  }
0xe8: {  	[tilespmem:$0x6C0] =	vst v1;
	v1 =	vadd.s32 v0, v57  }
0xe9: {  	[tilespmem:$0x6D0] =	vst v1;
	v1 =	vadd.s32 v0, v2  }
0xea: {  	[tilespmem:$0x6E0] =	vst v1;
	v1 =	vadd.s32 v0, v3  }
0xeb: {  	[tilespmem:$0x6F0] =	vst v1  }
0xec: {  	[tilespmem:s26], [sflag:$0x1] =	stream.indirect.gather [hbm4b:s3+s6], $0x20, s25, s6, $0xb8;
	[tilespmem:$0x10800] =	vst v63  }
0xed: {  	v1 =	vld [tilespmem:$0x700]  }
0xee: {  	v2 =	vld [tilespmem:$0x710]  }
0xef: {  	v3 =	vld [tilespmem:$0x720]  }
0xf0: {  	v58 =	vld [tilespmem:$0x730]  }
0xf1: {  	v59 =	vld [tilespmem:$0x740]  }
0xf2: {  	v60 =	vld [tilespmem:$0x750];
	v1 =	vadd.s32 v0, v1  }
0xf3: {  	[tilespmem:$0x700] =	vst v1;
	v1 =	vadd.s32 v0, v2;
	v2 =	vld [tilespmem:$0x760]  }
0xf4: {  	[tilespmem:$0x710] =	vst v1;
	v1 =	vadd.s32 v0, v3;
	v3 =	vld [tilespmem:$0x770]  }
0xf5: {  	[tilespmem:$0x720] =	vst v1;
	v1 =	vadd.s32 v0, v58  }
0xf6: {  	[tilespmem:$0x730] =	vst v1;
	v1 =	vadd.s32 v0, v59  }
0xf7: {  	[tilespmem:$0x740] =	vst v1;
	v1 =	vadd.s32 v0, v60  }
0xf8: {  	[tilespmem:$0x750] =	vst v1;
	v1 =	vadd.s32 v0, v2  }
0xf9: {  	[tilespmem:$0x760] =	vst v1;
	v1 =	vadd.s32 v0, v3  }
0xfa: {  	[tilespmem:$0x770] =	vst v1  }
0xfb: {  	[tilespmem:s29], [sflag:$0x1] =	stream.indirect.gather [hbm4b:s3+s6], $0x20, s28, s6, $0xb8;
	[tilespmem:$0x10800] =	vst v63  }
0xfc: {  	v1 =	vld [tilespmem:$0x780]  }
0xfd: {  	v2 =	vld [tilespmem:$0x790]  }
0xfe: {  	v3 =	vld [tilespmem:$0x7A0]  }
0xff: {  	v61 =	vld [tilespmem:$0x7B0]  }
0x100: {  	v62 =	vld [tilespmem:$0x7C0]  }
0x101: {  	v63 =	vld [tilespmem:$0x7D0];
	v1 =	vadd.s32 v0, v1  }
0x102: {  	[tilespmem:$0x780] =	vst v1;
	v1 =	vadd.s32 v0, v2;
	v2 =	vld [tilespmem:$0x7E0]  }
0x103: {  	[tilespmem:$0x790] =	vst v1;
	v1 =	vadd.s32 v0, v3;
	v3 =	vld [tilespmem:$0x7F0]  }
0x104: {  	[tilespmem:$0x7A0] =	vst v1;
	v1 =	vadd.s32 v0, v61  }
0x105: {  	[tilespmem:$0x7B0] =	vst v1;
	v1 =	vadd.s32 v0, v62  }
0x106: {  	[tilespmem:$0x7C0] =	vst v1;
	v1 =	vadd.s32 v0, v63  }
0x107: {  	[tilespmem:$0x7D0] =	vst v1;
	v1 =	vadd.s32 v0, v2  }
0x108: {  	[tilespmem:$0x7E0] =	vst v1;
	v1 =	vadd.s32 v0, v3  }
0x109: {  	[tilespmem:$0x7F0] =	vst v1  }
0x10a: {  	[tilespmem:s31], [sflag:$0x1] =	stream.indirect.gather [hbm4b:s3+s6], $0x20, s30, s6, $0xb8;
	[tilespmem:$0x10800] =	vst v63  }
0x10b: {  	_ =	swait.ge [sflag:s1], $0x1000  }
0x10c: {  	[sflag:s1] =	ssyncset.done $0x0  }
0x10d: {  	[sflag:s1] =	ssyncadd.s32 $0xFFFFF000  }
0x10e: {  	_ =	swait.ge [sflag:s1], $0x1000  }
0x10f: {  	[sflag:s1] =	ssyncset.done $0x0  }
0x110: {  	[sflag:s1] =	ssyncadd.s32 $0xFFFFF000  }
0x111: {  	_ =	swait.ge [sflag:s1], $0x1000  }
0x112: {  	[sflag:s1] =	ssyncset.done $0x0  }
0x113: {  	[sflag:s1] =	ssyncadd.s32 $0xFFFFF000  }
0x114: {  	_ =	swait.ge [sflag:s1], $0x1000  }
0x115: {  	[sflag:s1] =	ssyncset.done $0x0  }
0x116: {  	[sflag:s1] =	ssyncadd.s32 $0xFFFFF000  }
0x117: {  	_ =	swait.ge [sflag:s1], $0x1000  }
0x118: {  	[sflag:s1] =	ssyncset.done $0x0  }
0x119: {  	[sflag:s1] =	ssyncadd.s32 $0xFFFFF000  }
0x11a: {  	_ =	swait.ge [sflag:s1], $0x1000  }
0x11b: {  	[sflag:s1] =	ssyncset.done $0x0  }
0x11c: {  	[sflag:s1] =	ssyncadd.s32 $0xFFFFF000  }
0x11d: {  	_ =	swait.ge [sflag:s1], $0x1000  }
0x11e: {  	[sflag:s1] =	ssyncset.done $0x0  }
0x11f: {  	[sflag:s1] =	ssyncadd.s32 $0xFFFFF000  }
0x120: {  	_ =	swait.ge [sflag:s1], $0x1000  }
0x121: {  	[sflag:s1] =	ssyncset.done $0x0  }
0x122: {  	[sflag:s1] =	ssyncadd.s32 $0xFFFFF000  }
0x123: {  	_ =	swait.ge [sflag:s1], $0x1000  }
0x124: {  	[sflag:s1] =	ssyncset.done $0x0  }
0x125: {  	[sflag:s1] =	ssyncadd.s32 $0xFFFFF000  }
0x126: {  	_ =	swait.ge [sflag:s1], $0x1000  }
0x127: {  	[sflag:s1] =	ssyncset.done $0x0  }
0x128: {  	[sflag:s1] =	ssyncadd.s32 $0xFFFFF000  }
0x129: {  	_ =	swait.ge [sflag:s1], $0x1000  }
0x12a: {  	[sflag:s1] =	ssyncset.done $0x0  }
0x12b: {  	[sflag:s1] =	ssyncadd.s32 $0xFFFFF000  }
0x12c: {  	_ =	swait.ge [sflag:s1], $0x1000  }
0x12d: {  	[sflag:s1] =	ssyncset.done $0x0  }
0x12e: {  	[sflag:s1] =	ssyncadd.s32 $0xFFFFF000  }
0x12f: {  	_ =	swait.ge [sflag:s1], $0x1000  }
0x130: {  	[sflag:s1] =	ssyncset.done $0x0  }
0x131: {  	[sflag:s1] =	ssyncadd.s32 $0xFFFFF000  }
0x132: {  	_ =	swait.ge [sflag:s1], $0x1000  }
0x133: {  	[sflag:s1] =	ssyncset.done $0x0  }
0x134: {  	[sflag:s1] =	ssyncadd.s32 $0xFFFFF000  }
0x135: {  	_ =	swait.ge [sflag:s1], $0x1000  }
0x136: {  	[sflag:s1] =	ssyncset.done $0x0  }
0x137: {  	[sflag:s1] =	ssyncadd.s32 $0xFFFFF000  }
0x138: {  	_ =	swait.ge [sflag:s1], $0x1000  }
0x139: {  	p0 =	sne.s32 s4, $0x1;
	[sflag:s1] =	ssyncset.done $0x0  }
.Ltmp0:
0x13a: {  	s8 =	rddreg [dreg:$0x4];
	[sflag:s1] =	ssyncadd.s32 $0xFFFFF000;
	(pc) =	sbr.rel @p0 .LBB2_1-.Ltmp0, $4  }
0x13b: {  	[hbm4b:s8+s2] =	stream.linear.scatter [tilespmem:s7], [sflag:$0x2], $0x10000, $0x38;
	[tilespmem:$0x10800] =	vst v63  }
0x13c: {  	_ =	swait.ge [sflag:s5], $0x10000  }
0x13d: {  	[sflag:s5] =	ssyncset.done $0x0  }
0x13e: {  	s4 =	sadd.s32 $0xFFFFFFFF, s4;
	[sflag:s5] =	ssyncadd.s32 $0xFFFF0000  }
0x13f: {  	_ =	sfence.sel $0x180000  }
0x140: {  	[bflag:$0x0] =	sbarrier.arrive $0xFFFF  }
0x141: {  	_ =	strace $0x90000047  }
0x142: {  	s0 =	stileid.u32;
	[bflag:$0x2] =	sbarrier.arrive $0xFFFF  }
0x143: {  	p0 =	sne.s32 s0, $0x0;
	s0 =	rddreg [dreg:$0x2]  }
0x144: {  	s0 =	sadd.s32 @!p0 $0x100000, s0  }
0x145: {  	[sflag:s0] =	ssyncadd.tile.s32 @!p0 $0x1;
	_ =	shalt  }
.Lfunc_end2:
_tile_overlayer_lowered:
.L_overlay_start_2:
0x146: {  	(tag) =	ssettag $0x2  }
0x147: {  	s0 =	rddreg [dreg:$0x0];
	s2 =	stileid.u32  }
0x148: {  	s1 =	rddreg [dreg:$0x1];
	p0 =	sne.s32 s2, $0x0  }
0x149: {  	s3 =	rddreg [dreg:$0x2];
	[bflag:$0x3] =	sbarrier.arrive $0xFFFF;
	s2 =	simm.s32 @!p0 $0x1C02  }
0x14a: {  	[timem:s3], [sflag:s2] =	dma.local @!p0 [hbm:s0], s1  }
0x14b: {  	s0 =	simm.s32 @!p0 $0x2  }
0x14c: {  	_ =	swait.ge @!p0 [sflag:s0], s1  }
0x14d: {  	s1 =	ssub.s32 @!p0 $0x0, s1;
	[sflag:s0] =	ssyncset.done @!p0 $0x0  }
0x14e: {  	[sflag:s0] =	ssyncadd.s32 @!p0 s1  }
0x14f: {  	[bflag:$0x3] =	sbarrier.arrive $0xFFFF  }
0x150: {  	_ =	shalt  }

</sc_bundles>
